<compile_context>
chip_gen: v7x
topology: tpu7x:2x2x1
jax: 0.10.2.dev20260603
libtpu: 0.0.44.dev20260713+nightly
codegen_flags: <defaults>
</compile_context>

<pallas_src>
import functools

import jax
import jax.numpy as jnp
from jax import lax
from jax.experimental import pallas as pl
from jax.experimental.pallas import tpu as pltpu
from jax.experimental.pallas import tpu_sc as plsc

N = 10000
D = 128
G = 64
E = 320000
NC = 2
NS = 16
CHUNK = 128
EPAD = 327680
ROWS = EPAD // CHUNK
RPT = ROWS // (NC * NS)
NROW = 10240
ZB = NROW // NS

_mesh = plsc.VectorSubcoreMesh(
    core_axis_name="c", subcore_axis_name="s", num_cores=NC, num_subcores=NS)


@functools.partial(
    pl.kernel,
    out_type=jax.ShapeDtypeStruct((NC, NROW), jnp.float32),
    mesh=_mesh,
    scratch_types=[
        pltpu.VMEM((RPT, CHUNK), jnp.int32),
        pltpu.VMEM((CHUNK,), jnp.float32),
        pltpu.VMEM((ZB,), jnp.float32),
        pltpu.VMEM_SHARED((NROW,), jnp.float32),
        pltpu.SemaphoreType.DMA,
    ],
)
def _deg_call(ei3_hbm, ones_hbm, zer1_hbm, out_hbm, dstbuf, ones_v, zer_v,
              acc, sem):
    c = lax.axis_index("c")
    s = lax.axis_index("s")
    pltpu.sync_copy(ones_hbm, ones_v)
    pltpu.sync_copy(zer1_hbm, zer_v)
    pltpu.sync_copy(zer_v, acc.at[pl.ds(s * ZB, ZB)])
    row0 = (c * NS + s) * RPT
    pltpu.sync_copy(ei3_hbm.at[1, pl.ds(row0, RPT)], dstbuf)
    plsc.subcore_barrier()

    def fire(j, carry):
        pltpu.async_copy(ones_v, acc.at[dstbuf.at[j]], sem, add=True)
        return carry

    def drain(j, carry):
        pltpu.make_async_copy(ones_v, acc.at[dstbuf.at[j]], sem).wait()
        return carry

    def stage(k, carry):
        lax.fori_loop(k * 16, (k + 1) * 16, fire, 0)
        lax.fori_loop(k * 16, (k + 1) * 16, drain, 0)
        return carry

    lax.fori_loop(0, RPT // 16, stage, 0)
    plsc.subcore_barrier()
    pltpu.sync_copy(acc.at[pl.ds(s * ZB, ZB)], out_hbm.at[c, pl.ds(s * ZB, ZB)])


@functools.partial(
    pl.kernel,
    out_type=jax.ShapeDtypeStruct((NC, NROW, D), jnp.float32),
    mesh=_mesh,
    scratch_types=[
        pltpu.VMEM((RPT // 2, CHUNK), jnp.int32),
        pltpu.VMEM((RPT // 2, CHUNK), jnp.int32),
        pltpu.VMEM((CHUNK, D), jnp.float32),
        pltpu.VMEM((CHUNK, D), jnp.float32),
        pltpu.VMEM_SHARED((NROW, D), jnp.float32),
        pltpu.SemaphoreType.DMA,
        pltpu.SemaphoreType.DMA,
        pltpu.SemaphoreType.DMA,
    ],
)
def _scatter_call(g_hbm, ei3_hbm, zrows_hbm, out_hbm,
                  srcbuf, dstbuf, rows_a, rows_b, acc, gsa, gsb, semz):
    c = lax.axis_index("c")
    s = lax.axis_index("s")
    row0 = (c * NS + s) * RPT

    for b in range(5):
        pltpu.async_copy(zrows_hbm, acc.at[pl.ds(s * ZB + b * 128, 128)], semz)
    pltpu.sync_copy(ei3_hbm.at[0, pl.ds(row0, RPT // 2)], srcbuf)
    pltpu.sync_copy(ei3_hbm.at[1, pl.ds(row0, RPT // 2)], dstbuf)
    pltpu.async_copy(g_hbm.at[srcbuf.at[0]], rows_a, gsa)
    for b in range(5):
        pltpu.make_async_copy(
            zrows_hbm, acc.at[pl.ds(s * ZB + b * 128, 128)], semz).wait()
    plsc.subcore_barrier()

    HH = RPT // 2

    def body(i, carry):
        j0 = 2 * i
        cpb = pltpu.async_copy(g_hbm.at[srcbuf.at[j0 + 1]], rows_b, gsb)
        pltpu.make_async_copy(g_hbm.at[srcbuf.at[j0]], rows_a, gsa).wait()
        pltpu.sync_copy(rows_a, acc.at[dstbuf.at[j0]], add=True)

        @pl.when(j0 + 2 < HH)
        def _():
            pltpu.async_copy(g_hbm.at[srcbuf.at[j0 + 2]], rows_a, gsa)

        cpb.wait()
        pltpu.sync_copy(rows_b, acc.at[dstbuf.at[j0 + 1]], add=True)
        return carry

    lax.fori_loop(0, HH // 2, body, 0)

    pltpu.sync_copy(ei3_hbm.at[0, pl.ds(row0 + HH, RPT // 2)], srcbuf)
    pltpu.sync_copy(ei3_hbm.at[1, pl.ds(row0 + HH, RPT // 2)], dstbuf)
    pltpu.async_copy(g_hbm.at[srcbuf.at[0]], rows_a, gsa)
    lax.fori_loop(0, HH // 2, body, 0)
    plsc.subcore_barrier()
    for b in range(5):
        off = s * ZB + b * 128
        pltpu.async_copy(acc.at[pl.ds(off, 128)], out_hbm.at[c, pl.ds(off, 128)],
                         semz)
    for b in range(5):
        off = s * ZB + b * 128
        pltpu.make_async_copy(
            acc.at[pl.ds(off, 128)], out_hbm.at[c, pl.ds(off, 128)], semz).wait()


BN = 2000


def _prep_body(degp_ref, x_ref, w1_ref, dinv_ref, g1_ref):
    deg = degp_ref[0] + degp_ref[1] + 1.0
    dinv = lax.rsqrt(jnp.maximum(deg, 1.0))
    t = jnp.dot(x_ref[...], w1_ref[...], preferred_element_type=jnp.float32)
    dinv_ref[...] = dinv
    g1_ref[...] = t * dinv


def _mid_body(sp_ref, g1_ref, dinv_ref, b1_ref, w2_ref, g2_ref):
    agg = sp_ref[0] + sp_ref[1] + g1_ref[...]
    h = jnp.maximum(dinv_ref[...] * agg + b1_ref[...], 0.0)
    g2_ref[...] = dinv_ref[...] * jnp.dot(
        h, w2_ref[...], preferred_element_type=jnp.float32)


def _pool_body(sp_ref, g2_ref, dinv_ref, b2_ref, batch_ref, out_ref,
               pooled, cnt):
    i = pl.program_id(0)
    agg = sp_ref[0] + sp_ref[1] + g2_ref[...]
    h = jnp.maximum(dinv_ref[...] * agg + b2_ref[...], 0.0)
    onehot = (batch_ref[...] == lax.broadcasted_iota(jnp.int32, (1, G), 1)
              ).astype(jnp.float32)
    p = lax.dot_general(onehot, h, (((0,), (0,)), ((), ())),
                        preferred_element_type=jnp.float32)
    q = lax.dot_general(onehot, jnp.ones_like(h), (((0,), (0,)), ((), ())),
                        preferred_element_type=jnp.float32)

    @pl.when(i == 0)
    def _():
        pooled[...] = jnp.zeros_like(pooled)
        cnt[...] = jnp.zeros_like(cnt)

    pooled[...] += p
    cnt[...] += q

    @pl.when(i == pl.num_programs(0) - 1)
    def _():
        out_ref[...] = pooled[...] / jnp.maximum(cnt[...], 1.0)


_prep = pl.pallas_call(
    _prep_body,
    grid=(N // BN,),
    in_specs=[
        pl.BlockSpec((NC, BN, 1), lambda i: (0, i, 0)),
        pl.BlockSpec((BN, D), lambda i: (i, 0)),
        pl.BlockSpec((D, D), lambda i: (0, 0)),
    ],
    out_specs=[
        pl.BlockSpec((BN, 1), lambda i: (i, 0)),
        pl.BlockSpec((BN, D), lambda i: (i, 0)),
    ],
    out_shape=[
        jax.ShapeDtypeStruct((N, 1), jnp.float32),
        jax.ShapeDtypeStruct((N, D), jnp.float32),
    ],
    compiler_params=pltpu.CompilerParams(dimension_semantics=("parallel",)),
)

_mid = pl.pallas_call(
    _mid_body,
    grid=(N // BN,),
    in_specs=[
        pl.BlockSpec((NC, BN, D), lambda i: (0, i, 0)),
        pl.BlockSpec((BN, D), lambda i: (i, 0)),
        pl.BlockSpec((BN, 1), lambda i: (i, 0)),
        pl.BlockSpec((1, D), lambda i: (0, 0)),
        pl.BlockSpec((D, D), lambda i: (0, 0)),
    ],
    out_specs=pl.BlockSpec((BN, D), lambda i: (i, 0)),
    out_shape=jax.ShapeDtypeStruct((N, D), jnp.float32),
    compiler_params=pltpu.CompilerParams(dimension_semantics=("parallel",)),
)

_pool = pl.pallas_call(
    _pool_body,
    grid=(N // BN,),
    in_specs=[
        pl.BlockSpec((NC, BN, D), lambda i: (0, i, 0)),
        pl.BlockSpec((BN, D), lambda i: (i, 0)),
        pl.BlockSpec((BN, 1), lambda i: (i, 0)),
        pl.BlockSpec((1, D), lambda i: (0, 0)),
        pl.BlockSpec((BN, 1), lambda i: (i, 0)),
    ],
    out_specs=pl.BlockSpec((G, D), lambda i: (0, 0)),
    out_shape=jax.ShapeDtypeStruct((G, D), jnp.float32),
    scratch_shapes=[
        pltpu.VMEM((G, D), jnp.float32),
        pltpu.VMEM((G, D), jnp.float32),
    ],
)


def kernel(x, edge_index, batch, W1, b1, W2, b2):
    pidx = jnp.arange(EPAD - E, dtype=jnp.int32)
    pad = jnp.concatenate(
        [((pidx * 64) % N)[None, :],
         (N + pidx % (NROW - N))[None, :]], axis=0)
    ei3 = jnp.concatenate([edge_index, pad], axis=1).reshape(2, ROWS, CHUNK)

    ones1 = jnp.ones((CHUNK,), jnp.float32)
    zer1 = jnp.zeros((ZB,), jnp.float32)
    zrows = jnp.zeros((128, D), jnp.float32)

    degp = _deg_call(ei3, ones1, zer1)
    degp3 = degp.reshape(NC, NROW, 1)
    dinv, g1 = _prep(degp3, x, W1)
    s1 = _scatter_call(g1, ei3, zrows)
    g2 = _mid(s1, g1, dinv, b1.reshape(1, D), W2)
    s2 = _scatter_call(g2, ei3, zrows)
    return _pool(s2, g2, dinv, b2.reshape(1, D), batch.reshape(N, 1))

# --- scband reference (transcript-rebuilt; emitter-appended) ---
"""Pipeline reference for scband-simple-gcn-42314017800420 (READ-ONLY COPY).

The authoritative reference and input builder live on the scoring server;
editing this copy changes nothing except your own understanding.
"""

import jax, jax.numpy as jnp
import numpy as np

N = 10000
E = 320000
D_IN = 128
D_HID = 128
D_OUT = 128
G = 64  # number of graphs in the batch


def setup_inputs(seed: int = 0) -> dict:
    key = jax.random.key(seed)
    ks = jax.random.split(key, 8)
    x = jax.random.normal(ks[0], (N, D_IN), dtype=jnp.float32)
    edge_index = jax.random.randint(ks[1], (2, E), 0, N, dtype=jnp.int32)
    batch = jnp.sort(jax.random.randint(ks[2], (N,), 0, G, dtype=jnp.int32))
    W1 = jax.random.normal(ks[3], (D_IN, D_HID), dtype=jnp.float32) * (1.0 / np.sqrt(D_IN))
    b1 = jnp.zeros((D_HID,), dtype=jnp.float32)
    W2 = jax.random.normal(ks[4], (D_HID, D_OUT), dtype=jnp.float32) * (1.0 / np.sqrt(D_HID))
    b2 = jnp.zeros((D_OUT,), dtype=jnp.float32)
    return {"x": x, "edge_index": edge_index, "batch": batch, "W1": W1, "b1": b1, "W2": W2, "b2": b2}


def _gcn_conv(x, edge_index, W, b):
    # GCNConv with added self-loops and symmetric normalization (PyG semantics)
    n = x.shape[0]
    src = edge_index[0]
    dst = edge_index[1]
    loop = jnp.arange(n, dtype=src.dtype)
    src = jnp.concatenate([src, loop])
    dst = jnp.concatenate([dst, loop])
    deg = jnp.zeros((n,), dtype=x.dtype).at[dst].add(1.0)
    dinv = jax.lax.rsqrt(jnp.maximum(deg, 1.0))
    h = x @ W
    coef = (dinv[src] * dinv[dst])[:, None]
    out = jnp.zeros((n, W.shape[1]), dtype=x.dtype).at[dst].add(h[src] * coef)
    return out + b


def reference(x, edge_index, batch, W1, b1, W2, b2):
    h = jax.nn.relu(_gcn_conv(x, edge_index, W1, b1))
    # dropout is identity in eval mode (training=False)
    h = jax.nn.relu(_gcn_conv(h, edge_index, W2, b2))
    # scatter_mean pooling over graph ids
    sums = jax.ops.segment_sum(h, batch, num_segments=G)
    cnt = jax.ops.segment_sum(jnp.ones((h.shape[0], 1), dtype=h.dtype), batch, num_segments=G)
    return sums / jnp.maximum(cnt, 1.0)

if __name__ == "__main__":
    import jax
    _d = setup_inputs()
    print(jax.jit(kernel)(*tuple(_d.values())))

</pallas_src>

<mosaic_0001>
#map = affine_map<(d0, d1) -> (0, 0)>
#map1 = affine_map<(d0, d1) -> (0, 0, 0)>
module attributes {stable_mosaic.version = 14 : i64} {
  func.func @_scatter_call(%arg0: i32, %arg1: i32, %arg2: memref<10000x128xf32, #tpu.memory_space<hbm>>, %arg3: memref<2x2560x128xi32, #tpu.memory_space<hbm>>, %arg4: memref<128x128xf32, #tpu.memory_space<hbm>>, %arg5: memref<2x10240x128xf32, #tpu.memory_space<hbm>>, %arg6: memref<40x128xi32, #tpu.memory_space<vmem>>, %arg7: memref<40x128xi32, #tpu.memory_space<vmem>>, %arg8: memref<128x128xf32, #tpu.memory_space<vmem>>, %arg9: memref<128x128xf32, #tpu.memory_space<vmem>>, %arg10: memref<10240x128xf32, #tpu.memory_space<vmem_shared>>, %arg11: memref<!tpu.dma_semaphore, #tpu.memory_space<semaphore_mem>>, %arg12: memref<!tpu.dma_semaphore, #tpu.memory_space<semaphore_mem>>, %arg13: memref<!tpu.dma_semaphore, #tpu.memory_space<semaphore_mem>>) attributes {dimension_semantics = [#tpu.dimension_semantics<core_parallel>, #tpu.dimension_semantics<subcore_parallel>], iteration_bounds = array<i64: 2, 16>, scalar_prefetch = 0 : i64, scratch_operands = 8 : i64, tpu.core_type = #tpu.core_type<sc_vector_subcore>, window_params = [{transform_indices = #map}, {transform_indices = #map1}, {transform_indices = #map}, {transform_indices = #map1}]} {
    %mul3A = arith.constant 16 : i32
    %mul3A_0 = arith.muli %arg0, %mul3A : i32
    %add3A = arith.addi %mul3A_0, %arg1 : i32
    %mul3A_1 = arith.constant 80 : i32
    %mul3A_2 = arith.muli %add3A, %mul3A_1 : i32
    %mul3A_3 = arith.constant 640 : i32
    %mul3A_4 = arith.muli %arg1, %mul3A_3 : i32
    %add3A_5 = arith.constant 0 : i32
    %add3A_6 = arith.addi %mul3A_4, %add3A_5 : i32
    %dma_start3A = arith.constant 0 : i32
    %dma_start3A_7 = tpu.memref_slice %arg10[%add3A_6, %dma_start3A] : memref<10240x128xf32, #tpu.memory_space<vmem_shared>> -> memref<128x128xf32, #tpu.memory_space<vmem_shared>>
    tpu.enqueue_dma source(%arg4 : memref<128x128xf32, #tpu.memory_space<hbm>>) target(%dma_start3A_7 : memref<128x128xf32, #tpu.memory_space<vmem_shared>>) target_semaphore(%arg13 : memref<!tpu.dma_semaphore, #tpu.memory_space<semaphore_mem>>)
    %mul3A_8 = arith.constant 640 : i32
    %mul3A_9 = arith.muli %arg1, %mul3A_8 : i32
    %add3A_10 = arith.constant 128 : i32
    %add3A_11 = arith.addi %mul3A_9, %add3A_10 : i32
    %dma_start3A_12 = arith.constant 0 : i32
    %dma_start3A_13 = tpu.memref_slice %arg10[%add3A_11, %dma_start3A_12] : memref<10240x128xf32, #tpu.memory_space<vmem_shared>> -> memref<128x128xf32, #tpu.memory_space<vmem_shared>>
    tpu.enqueue_dma source(%arg4 : memref<128x128xf32, #tpu.memory_space<hbm>>) target(%dma_start3A_13 : memref<128x128xf32, #tpu.memory_space<vmem_shared>>) target_semaphore(%arg13 : memref<!tpu.dma_semaphore, #tpu.memory_space<semaphore_mem>>)
    %mul3A_14 = arith.constant 640 : i32
    %mul3A_15 = arith.muli %arg1, %mul3A_14 : i32
    %add3A_16 = arith.constant 256 : i32
    %add3A_17 = arith.addi %mul3A_15, %add3A_16 : i32
    %dma_start3A_18 = arith.constant 0 : i32
    %dma_start3A_19 = tpu.memref_slice %arg10[%add3A_17, %dma_start3A_18] : memref<10240x128xf32, #tpu.memory_space<vmem_shared>> -> memref<128x128xf32, #tpu.memory_space<vmem_shared>>
    tpu.enqueue_dma source(%arg4 : memref<128x128xf32, #tpu.memory_space<hbm>>) target(%dma_start3A_19 : memref<128x128xf32, #tpu.memory_space<vmem_shared>>) target_semaphore(%arg13 : memref<!tpu.dma_semaphore, #tpu.memory_space<semaphore_mem>>)
    %mul3A_20 = arith.constant 640 : i32
    %mul3A_21 = arith.muli %arg1, %mul3A_20 : i32
    %add3A_22 = arith.constant 384 : i32
    %add3A_23 = arith.addi %mul3A_21, %add3A_22 : i32
    %dma_start3A_24 = arith.constant 0 : i32
    %dma_start3A_25 = tpu.memref_slice %arg10[%add3A_23, %dma_start3A_24] : memref<10240x128xf32, #tpu.memory_space<vmem_shared>> -> memref<128x128xf32, #tpu.memory_space<vmem_shared>>
    tpu.enqueue_dma source(%arg4 : memref<128x128xf32, #tpu.memory_space<hbm>>) target(%dma_start3A_25 : memref<128x128xf32, #tpu.memory_space<vmem_shared>>) target_semaphore(%arg13 : memref<!tpu.dma_semaphore, #tpu.memory_space<semaphore_mem>>)
    %mul3A_26 = arith.constant 640 : i32
    %mul3A_27 = arith.muli %arg1, %mul3A_26 : i32
    %add3A_28 = arith.constant 512 : i32
    %add3A_29 = arith.addi %mul3A_27, %add3A_28 : i32
    %dma_start3A_30 = arith.constant 0 : i32
    %dma_start3A_31 = tpu.memref_slice %arg10[%add3A_29, %dma_start3A_30] : memref<10240x128xf32, #tpu.memory_space<vmem_shared>> -> memref<128x128xf32, #tpu.memory_space<vmem_shared>>
    tpu.enqueue_dma source(%arg4 : memref<128x128xf32, #tpu.memory_space<hbm>>) target(%dma_start3A_31 : memref<128x128xf32, #tpu.memory_space<vmem_shared>>) target_semaphore(%arg13 : memref<!tpu.dma_semaphore, #tpu.memory_space<semaphore_mem>>)
    %run_scoped3A = arith.constant 0 : i32
    "tpu.region"() ({
      %run_scoped3A_184 = tpu.sem_alloc : memref<!tpu.dma_semaphore, #tpu.memory_space<semaphore_mem>>
      %dma_start3A_185 = arith.constant 0 : i32
      %dma_start3A_186 = tpu.memref_slice %arg3[%run_scoped3A, %mul3A_2, %dma_start3A_185] : memref<2x2560x128xi32, #tpu.memory_space<hbm>> -> memref<1x40x128xi32, #tpu.memory_space<hbm>>
      %dma_start3A_187 = tpu.memref_squeeze %dma_start3A_186 : memref<1x40x128xi32, #tpu.memory_space<hbm>> -> memref<40x128xi32, #tpu.memory_space<hbm>>
      %dma_start3A_188 = arith.constant 0 : i32
      %dma_start3A_189 = tpu.memref_slice %arg3[%run_scoped3A, %mul3A_2, %dma_start3A_188] : memref<2x2560x128xi32, #tpu.memory_space<hbm>> -> memref<1x40x128xi32, #tpu.memory_space<hbm>>
      %dma_start3A_190 = tpu.memref_squeeze %dma_start3A_189 : memref<1x40x128xi32, #tpu.memory_space<hbm>> -> memref<40x128xi32, #tpu.memory_space<hbm>>
      tpu.enqueue_dma source(%dma_start3A_190 : memref<40x128xi32, #tpu.memory_space<hbm>>) target(%arg6 : memref<40x128xi32, #tpu.memory_space<vmem>>) target_semaphore(%run_scoped3A_184 : memref<!tpu.dma_semaphore, #tpu.memory_space<semaphore_mem>>)
      %dma_wait3A_191 = arith.constant 0 : i32
      %dma_wait3A_192 = tpu.memref_slice %arg3[%run_scoped3A, %mul3A_2, %dma_wait3A_191] : memref<2x2560x128xi32, #tpu.memory_space<hbm>> -> memref<1x40x128xi32, #tpu.memory_space<hbm>>
      %dma_wait3A_193 = tpu.memref_squeeze %dma_wait3A_192 : memref<1x40x128xi32, #tpu.memory_space<hbm>> -> memref<40x128xi32, #tpu.memory_space<hbm>>
      %dma_wait3A_194 = arith.constant 0 : i32
      %dma_wait3A_195 = tpu.memref_slice %arg3[%run_scoped3A, %mul3A_2, %dma_wait3A_194] : memref<2x2560x128xi32, #tpu.memory_space<hbm>> -> memref<1x40x128xi32, #tpu.memory_space<hbm>>
      %dma_wait3A_196 = tpu.memref_squeeze %dma_wait3A_195 : memref<1x40x128xi32, #tpu.memory_space<hbm>> -> memref<40x128xi32, #tpu.memory_space<hbm>>
      tpu.wait_dma2 semaphore(%run_scoped3A_184 : memref<!tpu.dma_semaphore, #tpu.memory_space<semaphore_mem>>) src(%dma_wait3A_196 : memref<40x128xi32, #tpu.memory_space<hbm>>) dst(%arg6 : memref<40x128xi32, #tpu.memory_space<vmem>>)
      tpu.yield
    }) : () -> ()
    %run_scoped3A_32 = arith.constant 1 : i32
    "tpu.region"() ({
      %run_scoped3A_184 = tpu.sem_alloc : memref<!tpu.dma_semaphore, #tpu.memory_space<semaphore_mem>>
      %dma_start3A_185 = arith.constant 0 : i32
      %dma_start3A_186 = tpu.memref_slice %arg3[%run_scoped3A_32, %mul3A_2, %dma_start3A_185] : memref<2x2560x128xi32, #tpu.memory_space<hbm>> -> memref<1x40x128xi32, #tpu.memory_space<hbm>>
      %dma_start3A_187 = tpu.memref_squeeze %dma_start3A_186 : memref<1x40x128xi32, #tpu.memory_space<hbm>> -> memref<40x128xi32, #tpu.memory_space<hbm>>
      %dma_start3A_188 = arith.constant 0 : i32
      %dma_start3A_189 = tpu.memref_slice %arg3[%run_scoped3A_32, %mul3A_2, %dma_start3A_188] : memref<2x2560x128xi32, #tpu.memory_space<hbm>> -> memref<1x40x128xi32, #tpu.memory_space<hbm>>
      %dma_start3A_190 = tpu.memref_squeeze %dma_start3A_189 : memref<1x40x128xi32, #tpu.memory_space<hbm>> -> memref<40x128xi32, #tpu.memory_space<hbm>>
      tpu.enqueue_dma source(%dma_start3A_190 : memref<40x128xi32, #tpu.memory_space<hbm>>) target(%arg7 : memref<40x128xi32, #tpu.memory_space<vmem>>) target_semaphore(%run_scoped3A_184 : memref<!tpu.dma_semaphore, #tpu.memory_space<semaphore_mem>>)
      %dma_wait3A_191 = arith.constant 0 : i32
      %dma_wait3A_192 = tpu.memref_slice %arg3[%run_scoped3A_32, %mul3A_2, %dma_wait3A_191] : memref<2x2560x128xi32, #tpu.memory_space<hbm>> -> memref<1x40x128xi32, #tpu.memory_space<hbm>>
      %dma_wait3A_193 = tpu.memref_squeeze %dma_wait3A_192 : memref<1x40x128xi32, #tpu.memory_space<hbm>> -> memref<40x128xi32, #tpu.memory_space<hbm>>
      %dma_wait3A_194 = arith.constant 0 : i32
      %dma_wait3A_195 = tpu.memref_slice %arg3[%run_scoped3A_32, %mul3A_2, %dma_wait3A_194] : memref<2x2560x128xi32, #tpu.memory_space<hbm>> -> memref<1x40x128xi32, #tpu.memory_space<hbm>>
      %dma_wait3A_196 = tpu.memref_squeeze %dma_wait3A_195 : memref<1x40x128xi32, #tpu.memory_space<hbm>> -> memref<40x128xi32, #tpu.memory_space<hbm>>
      tpu.wait_dma2 semaphore(%run_scoped3A_184 : memref<!tpu.dma_semaphore, #tpu.memory_space<semaphore_mem>>) src(%dma_wait3A_196 : memref<40x128xi32, #tpu.memory_space<hbm>>) dst(%arg7 : memref<40x128xi32, #tpu.memory_space<vmem>>)
      tpu.yield
    }) : () -> ()
    %dma_start3A_33 = arith.constant 0 : i32
    %dma_start3A_34 = arith.constant 0 : i32
    %dma_start3A_35 = tpu.memref_slice %arg6[%dma_start3A_33, %dma_start3A_34] : memref<40x128xi32, #tpu.memory_space<vmem>> -> memref<1x128xi32, #tpu.memory_space<vmem>>
    %dma_start3A_36 = tpu.memref_squeeze %dma_start3A_35 : memref<1x128xi32, #tpu.memory_space<vmem>> -> memref<128xi32, #tpu.memory_space<vmem>>
    %dma_start3A_37 = arith.constant 0 : i32
    %dma_start3A_38 = arith.constant 0 : i32
    %dma_start3A_39 = tpu.memref_slice %arg2[%dma_start3A_37, %dma_start3A_38] : memref<10000x128xf32, #tpu.memory_space<hbm>> -> memref<10000x128xf32, #tpu.memory_space<hbm>>
    tpu.enqueue_indirect_dma source(%dma_start3A_39 : memref<10000x128xf32, #tpu.memory_space<hbm>>) target(%arg8 : memref<128x128xf32, #tpu.memory_space<vmem>>) offsets(%dma_start3A_36 : memref<128xi32, #tpu.memory_space<vmem>>) semaphore(%arg11 : memref<!tpu.dma_semaphore, #tpu.memory_space<semaphore_mem>>)
    %mul3A_40 = arith.constant 640 : i32
    %mul3A_41 = arith.muli %arg1, %mul3A_40 : i32
    %add3A_42 = arith.constant 0 : i32
    %add3A_43 = arith.addi %mul3A_41, %add3A_42 : i32
    %dma_wait3A = arith.constant 0 : i32
    %dma_wait3A_44 = tpu.memref_slice %arg10[%add3A_43, %dma_wait3A] : memref<10240x128xf32, #tpu.memory_space<vmem_shared>> -> memref<128x128xf32, #tpu.memory_space<vmem_shared>>
    tpu.wait_dma2 semaphore(%arg13 : memref<!tpu.dma_semaphore, #tpu.memory_space<semaphore_mem>>) src(%arg4 : memref<128x128xf32, #tpu.memory_space<hbm>>) dst(%dma_wait3A_44 : memref<128x128xf32, #tpu.memory_space<vmem_shared>>)
    %mul3A_45 = arith.constant 640 : i32
    %mul3A_46 = arith.muli %arg1, %mul3A_45 : i32
    %add3A_47 = arith.constant 128 : i32
    %add3A_48 = arith.addi %mul3A_46, %add3A_47 : i32
    %dma_wait3A_49 = arith.constant 0 : i32
    %dma_wait3A_50 = tpu.memref_slice %arg10[%add3A_48, %dma_wait3A_49] : memref<10240x128xf32, #tpu.memory_space<vmem_shared>> -> memref<128x128xf32, #tpu.memory_space<vmem_shared>>
    tpu.wait_dma2 semaphore(%arg13 : memref<!tpu.dma_semaphore, #tpu.memory_space<semaphore_mem>>) src(%arg4 : memref<128x128xf32, #tpu.memory_space<hbm>>) dst(%dma_wait3A_50 : memref<128x128xf32, #tpu.memory_space<vmem_shared>>)
    %mul3A_51 = arith.constant 640 : i32
    %mul3A_52 = arith.muli %arg1, %mul3A_51 : i32
    %add3A_53 = arith.constant 256 : i32
    %add3A_54 = arith.addi %mul3A_52, %add3A_53 : i32
    %dma_wait3A_55 = arith.constant 0 : i32
    %dma_wait3A_56 = tpu.memref_slice %arg10[%add3A_54, %dma_wait3A_55] : memref<10240x128xf32, #tpu.memory_space<vmem_shared>> -> memref<128x128xf32, #tpu.memory_space<vmem_shared>>
    tpu.wait_dma2 semaphore(%arg13 : memref<!tpu.dma_semaphore, #tpu.memory_space<semaphore_mem>>) src(%arg4 : memref<128x128xf32, #tpu.memory_space<hbm>>) dst(%dma_wait3A_56 : memref<128x128xf32, #tpu.memory_space<vmem_shared>>)
    %mul3A_57 = arith.constant 640 : i32
    %mul3A_58 = arith.muli %arg1, %mul3A_57 : i32
    %add3A_59 = arith.constant 384 : i32
    %add3A_60 = arith.addi %mul3A_58, %add3A_59 : i32
    %dma_wait3A_61 = arith.constant 0 : i32
    %dma_wait3A_62 = tpu.memref_slice %arg10[%add3A_60, %dma_wait3A_61] : memref<10240x128xf32, #tpu.memory_space<vmem_shared>> -> memref<128x128xf32, #tpu.memory_space<vmem_shared>>
    tpu.wait_dma2 semaphore(%arg13 : memref<!tpu.dma_semaphore, #tpu.memory_space<semaphore_mem>>) src(%arg4 : memref<128x128xf32, #tpu.memory_space<hbm>>) dst(%dma_wait3A_62 : memref<128x128xf32, #tpu.memory_space<vmem_shared>>)
    %mul3A_63 = arith.constant 640 : i32
    %mul3A_64 = arith.muli %arg1, %mul3A_63 : i32
    %add3A_65 = arith.constant 512 : i32
    %add3A_66 = arith.addi %mul3A_64, %add3A_65 : i32
    %dma_wait3A_67 = arith.constant 0 : i32
    %dma_wait3A_68 = tpu.memref_slice %arg10[%add3A_66, %dma_wait3A_67] : memref<10240x128xf32, #tpu.memory_space<vmem_shared>> -> memref<128x128xf32, #tpu.memory_space<vmem_shared>>
    tpu.wait_dma2 semaphore(%arg13 : memref<!tpu.dma_semaphore, #tpu.memory_space<semaphore_mem>>) src(%arg4 : memref<128x128xf32, #tpu.memory_space<hbm>>) dst(%dma_wait3A_68 : memref<128x128xf32, #tpu.memory_space<vmem_shared>>)
    %barrier3A = arith.constant 0 : index
    tpu.barrier barrier_id(%barrier3A)
    %scan3A = arith.constant 0 : i32
    %scan3A_69 = arith.constant 0 : i32
    %scan3A_70 = arith.constant 20 : i32
    %scan3A_71 = arith.addi %scan3A_69, %scan3A_70 : i32
    %scan3A_72 = arith.constant 1 : i32
    scf.for %scan3A_184 = %scan3A_69 to %scan3A_71 step %scan3A_72  : i32 {
      %mul3A_185 = arith.constant 2 : i32
      %mul3A_186 = arith.muli %mul3A_185, %scan3A_184 : i32
      %add3A_187 = arith.constant 1 : i32
      %add3A_188 = arith.addi %mul3A_186, %add3A_187 : i32
      %dma_start3A_189 = arith.constant 0 : i32
      %dma_start3A_190 = tpu.memref_slice %arg6[%add3A_188, %dma_start3A_189] : memref<40x128xi32, #tpu.memory_space<vmem>> -> memref<1x128xi32, #tpu.memory_space<vmem>>
      %dma_start3A_191 = tpu.memref_squeeze %dma_start3A_190 : memref<1x128xi32, #tpu.memory_space<vmem>> -> memref<128xi32, #tpu.memory_space<vmem>>
      %dma_start3A_192 = arith.constant 0 : i32
      %dma_start3A_193 = arith.constant 0 : i32
      %dma_start3A_194 = tpu.memref_slice %arg2[%dma_start3A_192, %dma_start3A_193] : memref<10000x128xf32, #tpu.memory_space<hbm>> -> memref<10000x128xf32, #tpu.memory_space<hbm>>
      tpu.enqueue_indirect_dma source(%dma_start3A_194 : memref<10000x128xf32, #tpu.memory_space<hbm>>) target(%arg9 : memref<128x128xf32, #tpu.memory_space<vmem>>) offsets(%dma_start3A_191 : memref<128xi32, #tpu.memory_space<vmem>>) semaphore(%arg12 : memref<!tpu.dma_semaphore, #tpu.memory_space<semaphore_mem>>)
      %dma_wait3A_195 = arith.constant 0 : i32
      %dma_wait3A_196 = tpu.memref_slice %arg6[%mul3A_186, %dma_wait3A_195] : memref<40x128xi32, #tpu.memory_space<vmem>> -> memref<1x128xi32, #tpu.memory_space<vmem>>
      %dma_wait3A_197 = tpu.memref_squeeze %dma_wait3A_196 : memref<1x128xi32, #tpu.memory_space<vmem>> -> memref<128xi32, #tpu.memory_space<vmem>>
      %dma_wait3A_198 = arith.constant 0 : i32
      %dma_wait3A_199 = arith.constant 0 : i32
      %dma_wait3A_200 = tpu.memref_slice %arg2[%dma_wait3A_198, %dma_wait3A_199] : memref<10000x128xf32, #tpu.memory_space<hbm>> -> memref<10000x128xf32, #tpu.memory_space<hbm>>
      tpu.wait_indirect_dma semaphore(%arg11 : memref<!tpu.dma_semaphore, #tpu.memory_space<semaphore_mem>>) src(%dma_wait3A_200 : memref<10000x128xf32, #tpu.memory_space<hbm>>) dst(%arg8 : memref<128x128xf32, #tpu.memory_space<vmem>>)
      "tpu.region"() ({
        %run_scoped3A_213 = tpu.sem_alloc : memref<!tpu.dma_semaphore, #tpu.memory_space<semaphore_mem>>
        %dma_start3A_214 = arith.constant 0 : i32
        %dma_start3A_215 = tpu.memref_slice %arg7[%mul3A_186, %dma_start3A_214] : memref<40x128xi32, #tpu.memory_space<vmem>> -> memref<1x128xi32, #tpu.memory_space<vmem>>
        %dma_start3A_216 = tpu.memref_squeeze %dma_start3A_215 : memref<1x128xi32, #tpu.memory_space<vmem>> -> memref<128xi32, #tpu.memory_space<vmem>>
        %dma_start3A_217 = arith.constant 0 : i32
        %dma_start3A_218 = arith.constant 0 : i32
        %dma_start3A_219 = tpu.memref_slice %arg10[%dma_start3A_217, %dma_start3A_218] : memref<10240x128xf32, #tpu.memory_space<vmem_shared>> -> memref<10240x128xf32, #tpu.memory_space<vmem_shared>>
        tpu.enqueue_indirect_dma source(%arg8 : memref<128x128xf32, #tpu.memory_space<vmem>>) target(%dma_start3A_219 : memref<10240x128xf32, #tpu.memory_space<vmem_shared>>) offsets(%dma_start3A_216 : memref<128xi32, #tpu.memory_space<vmem>>) semaphore(%run_scoped3A_213 : memref<!tpu.dma_semaphore, #tpu.memory_space<semaphore_mem>>) {add = true}
        %dma_wait3A_220 = arith.constant 0 : i32
        %dma_wait3A_221 = tpu.memref_slice %arg7[%mul3A_186, %dma_wait3A_220] : memref<40x128xi32, #tpu.memory_space<vmem>> -> memref<1x128xi32, #tpu.memory_space<vmem>>
        %dma_wait3A_222 = tpu.memref_squeeze %dma_wait3A_221 : memref<1x128xi32, #tpu.memory_space<vmem>> -> memref<128xi32, #tpu.memory_space<vmem>>
        %dma_wait3A_223 = arith.constant 0 : i32
        %dma_wait3A_224 = arith.constant 0 : i32
        %dma_wait3A_225 = tpu.memref_slice %arg10[%dma_wait3A_223, %dma_wait3A_224] : memref<10240x128xf32, #tpu.memory_space<vmem_shared>> -> memref<10240x128xf32, #tpu.memory_space<vmem_shared>>
        tpu.wait_indirect_dma semaphore(%run_scoped3A_213 : memref<!tpu.dma_semaphore, #tpu.memory_space<semaphore_mem>>) src(%arg8 : memref<128x128xf32, #tpu.memory_space<vmem>>) dst(%dma_wait3A_225 : memref<10240x128xf32, #tpu.memory_space<vmem_shared>>)
        tpu.yield
      }) : () -> ()
      %add3A_201 = arith.constant 2 : i32
      %add3A_202 = arith.addi %mul3A_186, %add3A_201 : i32
      %lt3A = arith.constant 40 : i32
      %lt3A_203 = arith.cmpi slt, %add3A_202, %lt3A : i32
      %convert_element_type3A = arith.extui %lt3A_203 : i1 to i32
      %cond3A = arith.constant 0 : i32
      %cond3A_204 = arith.cmpi ne, %convert_element_type3A, %cond3A : i32
      scf.if %cond3A_204 {
        %add3A_213 = arith.constant 2 : i32
        %add3A_214 = arith.addi %mul3A_186, %add3A_213 : i32
        %dma_start3A_215 = arith.constant 0 : i32
        %dma_start3A_216 = tpu.memref_slice %arg6[%add3A_214, %dma_start3A_215] : memref<40x128xi32, #tpu.memory_space<vmem>> -> memref<1x128xi32, #tpu.memory_space<vmem>>
        %dma_start3A_217 = tpu.memref_squeeze %dma_start3A_216 : memref<1x128xi32, #tpu.memory_space<vmem>> -> memref<128xi32, #tpu.memory_space<vmem>>
        %dma_start3A_218 = arith.constant 0 : i32
        %dma_start3A_219 = arith.constant 0 : i32
        %dma_start3A_220 = tpu.memref_slice %arg2[%dma_start3A_218, %dma_start3A_219] : memref<10000x128xf32, #tpu.memory_space<hbm>> -> memref<10000x128xf32, #tpu.memory_space<hbm>>
        tpu.enqueue_indirect_dma source(%dma_start3A_220 : memref<10000x128xf32, #tpu.memory_space<hbm>>) target(%arg8 : memref<128x128xf32, #tpu.memory_space<vmem>>) offsets(%dma_start3A_217 : memref<128xi32, #tpu.memory_space<vmem>>) semaphore(%arg11 : memref<!tpu.dma_semaphore, #tpu.memory_space<semaphore_mem>>)
      } else {
      }
      %dma_wait3A_205 = arith.constant 0 : i32
      %dma_wait3A_206 = tpu.memref_slice %arg6[%add3A_188, %dma_wait3A_205] : memref<40x128xi32, #tpu.memory_space<vmem>> -> memref<1x128xi32, #tpu.memory_space<vmem>>
      %dma_wait3A_207 = tpu.memref_squeeze %dma_wait3A_206 : memref<1x128xi32, #tpu.memory_space<vmem>> -> memref<128xi32, #tpu.memory_space<vmem>>
      %dma_wait3A_208 = arith.constant 0 : i32
      %dma_wait3A_209 = arith.constant 0 : i32
      %dma_wait3A_210 = tpu.memref_slice %arg2[%dma_wait3A_208, %dma_wait3A_209] : memref<10000x128xf32, #tpu.memory_space<hbm>> -> memref<10000x128xf32, #tpu.memory_space<hbm>>
      tpu.wait_indirect_dma semaphore(%arg12 : memref<!tpu.dma_semaphore, #tpu.memory_space<semaphore_mem>>) src(%dma_wait3A_210 : memref<10000x128xf32, #tpu.memory_space<hbm>>) dst(%arg9 : memref<128x128xf32, #tpu.memory_space<vmem>>)
      %add3A_211 = arith.constant 1 : i32
      %add3A_212 = arith.addi %mul3A_186, %add3A_211 : i32
      "tpu.region"() ({
        %run_scoped3A_213 = tpu.sem_alloc : memref<!tpu.dma_semaphore, #tpu.memory_space<semaphore_mem>>
        %dma_start3A_214 = arith.constant 0 : i32
        %dma_start3A_215 = tpu.memref_slice %arg7[%add3A_212, %dma_start3A_214] : memref<40x128xi32, #tpu.memory_space<vmem>> -> memref<1x128xi32, #tpu.memory_space<vmem>>
        %dma_start3A_216 = tpu.memref_squeeze %dma_start3A_215 : memref<1x128xi32, #tpu.memory_space<vmem>> -> memref<128xi32, #tpu.memory_space<vmem>>
        %dma_start3A_217 = arith.constant 0 : i32
        %dma_start3A_218 = arith.constant 0 : i32
        %dma_start3A_219 = tpu.memref_slice %arg10[%dma_start3A_217, %dma_start3A_218] : memref<10240x128xf32, #tpu.memory_space<vmem_shared>> -> memref<10240x128xf32, #tpu.memory_space<vmem_shared>>
        tpu.enqueue_indirect_dma source(%arg9 : memref<128x128xf32, #tpu.memory_space<vmem>>) target(%dma_start3A_219 : memref<10240x128xf32, #tpu.memory_space<vmem_shared>>) offsets(%dma_start3A_216 : memref<128xi32, #tpu.memory_space<vmem>>) semaphore(%run_scoped3A_213 : memref<!tpu.dma_semaphore, #tpu.memory_space<semaphore_mem>>) {add = true}
        %dma_wait3A_220 = arith.constant 0 : i32
        %dma_wait3A_221 = tpu.memref_slice %arg7[%add3A_212, %dma_wait3A_220] : memref<40x128xi32, #tpu.memory_space<vmem>> -> memref<1x128xi32, #tpu.memory_space<vmem>>
        %dma_wait3A_222 = tpu.memref_squeeze %dma_wait3A_221 : memref<1x128xi32, #tpu.memory_space<vmem>> -> memref<128xi32, #tpu.memory_space<vmem>>
        %dma_wait3A_223 = arith.constant 0 : i32
        %dma_wait3A_224 = arith.constant 0 : i32
        %dma_wait3A_225 = tpu.memref_slice %arg10[%dma_wait3A_223, %dma_wait3A_224] : memref<10240x128xf32, #tpu.memory_space<vmem_shared>> -> memref<10240x128xf32, #tpu.memory_space<vmem_shared>>
        tpu.wait_indirect_dma semaphore(%run_scoped3A_213 : memref<!tpu.dma_semaphore, #tpu.memory_space<semaphore_mem>>) src(%arg9 : memref<128x128xf32, #tpu.memory_space<vmem>>) dst(%dma_wait3A_225 : memref<10240x128xf32, #tpu.memory_space<vmem_shared>>)
        tpu.yield
      }) : () -> ()
    }
    %scan3A_73 = arith.constant 20 : i32
    %add3A_74 = arith.constant 40 : i32
    %add3A_75 = arith.addi %mul3A_2, %add3A_74 : i32
    %run_scoped3A_76 = arith.constant 0 : i32
    "tpu.region"() ({
      %run_scoped3A_184 = tpu.sem_alloc : memref<!tpu.dma_semaphore, #tpu.memory_space<semaphore_mem>>
      %dma_start3A_185 = arith.constant 0 : i32
      %dma_start3A_186 = tpu.memref_slice %arg3[%run_scoped3A_76, %add3A_75, %dma_start3A_185] : memref<2x2560x128xi32, #tpu.memory_space<hbm>> -> memref<1x40x128xi32, #tpu.memory_space<hbm>>
      %dma_start3A_187 = tpu.memref_squeeze %dma_start3A_186 : memref<1x40x128xi32, #tpu.memory_space<hbm>> -> memref<40x128xi32, #tpu.memory_space<hbm>>
      %dma_start3A_188 = arith.constant 0 : i32
      %dma_start3A_189 = tpu.memref_slice %arg3[%run_scoped3A_76, %add3A_75, %dma_start3A_188] : memref<2x2560x128xi32, #tpu.memory_space<hbm>> -> memref<1x40x128xi32, #tpu.memory_space<hbm>>
      %dma_start3A_190 = tpu.memref_squeeze %dma_start3A_189 : memref<1x40x128xi32, #tpu.memory_space<hbm>> -> memref<40x128xi32, #tpu.memory_space<hbm>>
      tpu.enqueue_dma source(%dma_start3A_190 : memref<40x128xi32, #tpu.memory_space<hbm>>) target(%arg6 : memref<40x128xi32, #tpu.memory_space<vmem>>) target_semaphore(%run_scoped3A_184 : memref<!tpu.dma_semaphore, #tpu.memory_space<semaphore_mem>>)
      %dma_wait3A_191 = arith.constant 0 : i32
      %dma_wait3A_192 = tpu.memref_slice %arg3[%run_scoped3A_76, %add3A_75, %dma_wait3A_191] : memref<2x2560x128xi32, #tpu.memory_space<hbm>> -> memref<1x40x128xi32, #tpu.memory_space<hbm>>
      %dma_wait3A_193 = tpu.memref_squeeze %dma_wait3A_192 : memref<1x40x128xi32, #tpu.memory_space<hbm>> -> memref<40x128xi32, #tpu.memory_space<hbm>>
      %dma_wait3A_194 = arith.constant 0 : i32
      %dma_wait3A_195 = tpu.memref_slice %arg3[%run_scoped3A_76, %add3A_75, %dma_wait3A_194] : memref<2x2560x128xi32, #tpu.memory_space<hbm>> -> memref<1x40x128xi32, #tpu.memory_space<hbm>>
      %dma_wait3A_196 = tpu.memref_squeeze %dma_wait3A_195 : memref<1x40x128xi32, #tpu.memory_space<hbm>> -> memref<40x128xi32, #tpu.memory_space<hbm>>
      tpu.wait_dma2 semaphore(%run_scoped3A_184 : memref<!tpu.dma_semaphore, #tpu.memory_space<semaphore_mem>>) src(%dma_wait3A_196 : memref<40x128xi32, #tpu.memory_space<hbm>>) dst(%arg6 : memref<40x128xi32, #tpu.memory_space<vmem>>)
      tpu.yield
    }) : () -> ()
    %add3A_77 = arith.constant 40 : i32
    %add3A_78 = arith.addi %mul3A_2, %add3A_77 : i32
    %run_scoped3A_79 = arith.constant 1 : i32
    "tpu.region"() ({
      %run_scoped3A_184 = tpu.sem_alloc : memref<!tpu.dma_semaphore, #tpu.memory_space<semaphore_mem>>
      %dma_start3A_185 = arith.constant 0 : i32
      %dma_start3A_186 = tpu.memref_slice %arg3[%run_scoped3A_79, %add3A_78, %dma_start3A_185] : memref<2x2560x128xi32, #tpu.memory_space<hbm>> -> memref<1x40x128xi32, #tpu.memory_space<hbm>>
      %dma_start3A_187 = tpu.memref_squeeze %dma_start3A_186 : memref<1x40x128xi32, #tpu.memory_space<hbm>> -> memref<40x128xi32, #tpu.memory_space<hbm>>
      %dma_start3A_188 = arith.constant 0 : i32
      %dma_start3A_189 = tpu.memref_slice %arg3[%run_scoped3A_79, %add3A_78, %dma_start3A_188] : memref<2x2560x128xi32, #tpu.memory_space<hbm>> -> memref<1x40x128xi32, #tpu.memory_space<hbm>>
      %dma_start3A_190 = tpu.memref_squeeze %dma_start3A_189 : memref<1x40x128xi32, #tpu.memory_space<hbm>> -> memref<40x128xi32, #tpu.memory_space<hbm>>
      tpu.enqueue_dma source(%dma_start3A_190 : memref<40x128xi32, #tpu.memory_space<hbm>>) target(%arg7 : memref<40x128xi32, #tpu.memory_space<vmem>>) target_semaphore(%run_scoped3A_184 : memref<!tpu.dma_semaphore, #tpu.memory_space<semaphore_mem>>)
      %dma_wait3A_191 = arith.constant 0 : i32
      %dma_wait3A_192 = tpu.memref_slice %arg3[%run_scoped3A_79, %add3A_78, %dma_wait3A_191] : memref<2x2560x128xi32, #tpu.memory_space<hbm>> -> memref<1x40x128xi32, #tpu.memory_space<hbm>>
      %dma_wait3A_193 = tpu.memref_squeeze %dma_wait3A_192 : memref<1x40x128xi32, #tpu.memory_space<hbm>> -> memref<40x128xi32, #tpu.memory_space<hbm>>
      %dma_wait3A_194 = arith.constant 0 : i32
      %dma_wait3A_195 = tpu.memref_slice %arg3[%run_scoped3A_79, %add3A_78, %dma_wait3A_194] : memref<2x2560x128xi32, #tpu.memory_space<hbm>> -> memref<1x40x128xi32, #tpu.memory_space<hbm>>
      %dma_wait3A_196 = tpu.memref_squeeze %dma_wait3A_195 : memref<1x40x128xi32, #tpu.memory_space<hbm>> -> memref<40x128xi32, #tpu.memory_space<hbm>>
      tpu.wait_dma2 semaphore(%run_scoped3A_184 : memref<!tpu.dma_semaphore, #tpu.memory_space<semaphore_mem>>) src(%dma_wait3A_196 : memref<40x128xi32, #tpu.memory_space<hbm>>) dst(%arg7 : memref<40x128xi32, #tpu.memory_space<vmem>>)
      tpu.yield
    }) : () -> ()
    %dma_start3A_80 = arith.constant 0 : i32
    %dma_start3A_81 = arith.constant 0 : i32
    %dma_start3A_82 = tpu.memref_slice %arg6[%dma_start3A_80, %dma_start3A_81] : memref<40x128xi32, #tpu.memory_space<vmem>> -> memref<1x128xi32, #tpu.memory_space<vmem>>
    %dma_start3A_83 = tpu.memref_squeeze %dma_start3A_82 : memref<1x128xi32, #tpu.memory_space<vmem>> -> memref<128xi32, #tpu.memory_space<vmem>>
    %dma_start3A_84 = arith.constant 0 : i32
    %dma_start3A_85 = arith.constant 0 : i32
    %dma_start3A_86 = tpu.memref_slice %arg2[%dma_start3A_84, %dma_start3A_85] : memref<10000x128xf32, #tpu.memory_space<hbm>> -> memref<10000x128xf32, #tpu.memory_space<hbm>>
    tpu.enqueue_indirect_dma source(%dma_start3A_86 : memref<10000x128xf32, #tpu.memory_space<hbm>>) target(%arg8 : memref<128x128xf32, #tpu.memory_space<vmem>>) offsets(%dma_start3A_83 : memref<128xi32, #tpu.memory_space<vmem>>) semaphore(%arg11 : memref<!tpu.dma_semaphore, #tpu.memory_space<semaphore_mem>>)
    %scan3A_87 = arith.constant 0 : i32
    %scan3A_88 = arith.constant 0 : i32
    %scan3A_89 = arith.constant 20 : i32
    %scan3A_90 = arith.addi %scan3A_88, %scan3A_89 : i32
    %scan3A_91 = arith.constant 1 : i32
    scf.for %scan3A_184 = %scan3A_88 to %scan3A_90 step %scan3A_91  : i32 {
      %mul3A_185 = arith.constant 2 : i32
      %mul3A_186 = arith.muli %mul3A_185, %scan3A_184 : i32
      %add3A_187 = arith.constant 1 : i32
      %add3A_188 = arith.addi %mul3A_186, %add3A_187 : i32
      %dma_start3A_189 = arith.constant 0 : i32
      %dma_start3A_190 = tpu.memref_slice %arg6[%add3A_188, %dma_start3A_189] : memref<40x128xi32, #tpu.memory_space<vmem>> -> memref<1x128xi32, #tpu.memory_space<vmem>>
      %dma_start3A_191 = tpu.memref_squeeze %dma_start3A_190 : memref<1x128xi32, #tpu.memory_space<vmem>> -> memref<128xi32, #tpu.memory_space<vmem>>
      %dma_start3A_192 = arith.constant 0 : i32
      %dma_start3A_193 = arith.constant 0 : i32
      %dma_start3A_194 = tpu.memref_slice %arg2[%dma_start3A_192, %dma_start3A_193] : memref<10000x128xf32, #tpu.memory_space<hbm>> -> memref<10000x128xf32, #tpu.memory_space<hbm>>
      tpu.enqueue_indirect_dma source(%dma_start3A_194 : memref<10000x128xf32, #tpu.memory_space<hbm>>) target(%arg9 : memref<128x128xf32, #tpu.memory_space<vmem>>) offsets(%dma_start3A_191 : memref<128xi32, #tpu.memory_space<vmem>>) semaphore(%arg12 : memref<!tpu.dma_semaphore, #tpu.memory_space<semaphore_mem>>)
      %dma_wait3A_195 = arith.constant 0 : i32
      %dma_wait3A_196 = tpu.memref_slice %arg6[%mul3A_186, %dma_wait3A_195] : memref<40x128xi32, #tpu.memory_space<vmem>> -> memref<1x128xi32, #tpu.memory_space<vmem>>
      %dma_wait3A_197 = tpu.memref_squeeze %dma_wait3A_196 : memref<1x128xi32, #tpu.memory_space<vmem>> -> memref<128xi32, #tpu.memory_space<vmem>>
      %dma_wait3A_198 = arith.constant 0 : i32
      %dma_wait3A_199 = arith.constant 0 : i32
      %dma_wait3A_200 = tpu.memref_slice %arg2[%dma_wait3A_198, %dma_wait3A_199] : memref<10000x128xf32, #tpu.memory_space<hbm>> -> memref<10000x128xf32, #tpu.memory_space<hbm>>
      tpu.wait_indirect_dma semaphore(%arg11 : memref<!tpu.dma_semaphore, #tpu.memory_space<semaphore_mem>>) src(%dma_wait3A_200 : memref<10000x128xf32, #tpu.memory_space<hbm>>) dst(%arg8 : memref<128x128xf32, #tpu.memory_space<vmem>>)
      "tpu.region"() ({
        %run_scoped3A_213 = tpu.sem_alloc : memref<!tpu.dma_semaphore, #tpu.memory_space<semaphore_mem>>
        %dma_start3A_214 = arith.constant 0 : i32
        %dma_start3A_215 = tpu.memref_slice %arg7[%mul3A_186, %dma_start3A_214] : memref<40x128xi32, #tpu.memory_space<vmem>> -> memref<1x128xi32, #tpu.memory_space<vmem>>
        %dma_start3A_216 = tpu.memref_squeeze %dma_start3A_215 : memref<1x128xi32, #tpu.memory_space<vmem>> -> memref<128xi32, #tpu.memory_space<vmem>>
        %dma_start3A_217 = arith.constant 0 : i32
        %dma_start3A_218 = arith.constant 0 : i32
        %dma_start3A_219 = tpu.memref_slice %arg10[%dma_start3A_217, %dma_start3A_218] : memref<10240x128xf32, #tpu.memory_space<vmem_shared>> -> memref<10240x128xf32, #tpu.memory_space<vmem_shared>>
        tpu.enqueue_indirect_dma source(%arg8 : memref<128x128xf32, #tpu.memory_space<vmem>>) target(%dma_start3A_219 : memref<10240x128xf32, #tpu.memory_space<vmem_shared>>) offsets(%dma_start3A_216 : memref<128xi32, #tpu.memory_space<vmem>>) semaphore(%run_scoped3A_213 : memref<!tpu.dma_semaphore, #tpu.memory_space<semaphore_mem>>) {add = true}
        %dma_wait3A_220 = arith.constant 0 : i32
        %dma_wait3A_221 = tpu.memref_slice %arg7[%mul3A_186, %dma_wait3A_220] : memref<40x128xi32, #tpu.memory_space<vmem>> -> memref<1x128xi32, #tpu.memory_space<vmem>>
        %dma_wait3A_222 = tpu.memref_squeeze %dma_wait3A_221 : memref<1x128xi32, #tpu.memory_space<vmem>> -> memref<128xi32, #tpu.memory_space<vmem>>
        %dma_wait3A_223 = arith.constant 0 : i32
        %dma_wait3A_224 = arith.constant 0 : i32
        %dma_wait3A_225 = tpu.memref_slice %arg10[%dma_wait3A_223, %dma_wait3A_224] : memref<10240x128xf32, #tpu.memory_space<vmem_shared>> -> memref<10240x128xf32, #tpu.memory_space<vmem_shared>>
        tpu.wait_indirect_dma semaphore(%run_scoped3A_213 : memref<!tpu.dma_semaphore, #tpu.memory_space<semaphore_mem>>) src(%arg8 : memref<128x128xf32, #tpu.memory_space<vmem>>) dst(%dma_wait3A_225 : memref<10240x128xf32, #tpu.memory_space<vmem_shared>>)
        tpu.yield
      }) : () -> ()
      %add3A_201 = arith.constant 2 : i32
      %add3A_202 = arith.addi %mul3A_186, %add3A_201 : i32
      %lt3A = arith.constant 40 : i32
      %lt3A_203 = arith.cmpi slt, %add3A_202, %lt3A : i32
      %convert_element_type3A = arith.extui %lt3A_203 : i1 to i32
      %cond3A = arith.constant 0 : i32
      %cond3A_204 = arith.cmpi ne, %convert_element_type3A, %cond3A : i32
      scf.if %cond3A_204 {
        %add3A_213 = arith.constant 2 : i32
        %add3A_214 = arith.addi %mul3A_186, %add3A_213 : i32
        %dma_start3A_215 = arith.constant 0 : i32
        %dma_start3A_216 = tpu.memref_slice %arg6[%add3A_214, %dma_start3A_215] : memref<40x128xi32, #tpu.memory_space<vmem>> -> memref<1x128xi32, #tpu.memory_space<vmem>>
        %dma_start3A_217 = tpu.memref_squeeze %dma_start3A_216 : memref<1x128xi32, #tpu.memory_space<vmem>> -> memref<128xi32, #tpu.memory_space<vmem>>
        %dma_start3A_218 = arith.constant 0 : i32
        %dma_start3A_219 = arith.constant 0 : i32
        %dma_start3A_220 = tpu.memref_slice %arg2[%dma_start3A_218, %dma_start3A_219] : memref<10000x128xf32, #tpu.memory_space<hbm>> -> memref<10000x128xf32, #tpu.memory_space<hbm>>
        tpu.enqueue_indirect_dma source(%dma_start3A_220 : memref<10000x128xf32, #tpu.memory_space<hbm>>) target(%arg8 : memref<128x128xf32, #tpu.memory_space<vmem>>) offsets(%dma_start3A_217 : memref<128xi32, #tpu.memory_space<vmem>>) semaphore(%arg11 : memref<!tpu.dma_semaphore, #tpu.memory_space<semaphore_mem>>)
      } else {
      }
      %dma_wait3A_205 = arith.constant 0 : i32
      %dma_wait3A_206 = tpu.memref_slice %arg6[%add3A_188, %dma_wait3A_205] : memref<40x128xi32, #tpu.memory_space<vmem>> -> memref<1x128xi32, #tpu.memory_space<vmem>>
      %dma_wait3A_207 = tpu.memref_squeeze %dma_wait3A_206 : memref<1x128xi32, #tpu.memory_space<vmem>> -> memref<128xi32, #tpu.memory_space<vmem>>
      %dma_wait3A_208 = arith.constant 0 : i32
      %dma_wait3A_209 = arith.constant 0 : i32
      %dma_wait3A_210 = tpu.memref_slice %arg2[%dma_wait3A_208, %dma_wait3A_209] : memref<10000x128xf32, #tpu.memory_space<hbm>> -> memref<10000x128xf32, #tpu.memory_space<hbm>>
      tpu.wait_indirect_dma semaphore(%arg12 : memref<!tpu.dma_semaphore, #tpu.memory_space<semaphore_mem>>) src(%dma_wait3A_210 : memref<10000x128xf32, #tpu.memory_space<hbm>>) dst(%arg9 : memref<128x128xf32, #tpu.memory_space<vmem>>)
      %add3A_211 = arith.constant 1 : i32
      %add3A_212 = arith.addi %mul3A_186, %add3A_211 : i32
      "tpu.region"() ({
        %run_scoped3A_213 = tpu.sem_alloc : memref<!tpu.dma_semaphore, #tpu.memory_space<semaphore_mem>>
        %dma_start3A_214 = arith.constant 0 : i32
        %dma_start3A_215 = tpu.memref_slice %arg7[%add3A_212, %dma_start3A_214] : memref<40x128xi32, #tpu.memory_space<vmem>> -> memref<1x128xi32, #tpu.memory_space<vmem>>
        %dma_start3A_216 = tpu.memref_squeeze %dma_start3A_215 : memref<1x128xi32, #tpu.memory_space<vmem>> -> memref<128xi32, #tpu.memory_space<vmem>>
        %dma_start3A_217 = arith.constant 0 : i32
        %dma_start3A_218 = arith.constant 0 : i32
        %dma_start3A_219 = tpu.memref_slice %arg10[%dma_start3A_217, %dma_start3A_218] : memref<10240x128xf32, #tpu.memory_space<vmem_shared>> -> memref<10240x128xf32, #tpu.memory_space<vmem_shared>>
        tpu.enqueue_indirect_dma source(%arg9 : memref<128x128xf32, #tpu.memory_space<vmem>>) target(%dma_start3A_219 : memref<10240x128xf32, #tpu.memory_space<vmem_shared>>) offsets(%dma_start3A_216 : memref<128xi32, #tpu.memory_space<vmem>>) semaphore(%run_scoped3A_213 : memref<!tpu.dma_semaphore, #tpu.memory_space<semaphore_mem>>) {add = true}
        %dma_wait3A_220 = arith.constant 0 : i32
        %dma_wait3A_221 = tpu.memref_slice %arg7[%add3A_212, %dma_wait3A_220] : memref<40x128xi32, #tpu.memory_space<vmem>> -> memref<1x128xi32, #tpu.memory_space<vmem>>
        %dma_wait3A_222 = tpu.memref_squeeze %dma_wait3A_221 : memref<1x128xi32, #tpu.memory_space<vmem>> -> memref<128xi32, #tpu.memory_space<vmem>>
        %dma_wait3A_223 = arith.constant 0 : i32
        %dma_wait3A_224 = arith.constant 0 : i32
        %dma_wait3A_225 = tpu.memref_slice %arg10[%dma_wait3A_223, %dma_wait3A_224] : memref<10240x128xf32, #tpu.memory_space<vmem_shared>> -> memref<10240x128xf32, #tpu.memory_space<vmem_shared>>
        tpu.wait_indirect_dma semaphore(%run_scoped3A_213 : memref<!tpu.dma_semaphore, #tpu.memory_space<semaphore_mem>>) src(%arg9 : memref<128x128xf32, #tpu.memory_space<vmem>>) dst(%dma_wait3A_225 : memref<10240x128xf32, #tpu.memory_space<vmem_shared>>)
        tpu.yield
      }) : () -> ()
    }
    %scan3A_92 = arith.constant 20 : i32
    %barrier3A_93 = arith.constant 0 : index
    tpu.barrier barrier_id(%barrier3A_93)
    %mul3A_94 = arith.constant 640 : i32
    %mul3A_95 = arith.muli %arg1, %mul3A_94 : i32
    %add3A_96 = arith.constant 0 : i32
    %add3A_97 = arith.addi %mul3A_95, %add3A_96 : i32
    %dma_start3A_98 = arith.constant 0 : i32
    %dma_start3A_99 = tpu.memref_slice %arg5[%arg0, %add3A_97, %dma_start3A_98] : memref<2x10240x128xf32, #tpu.memory_space<hbm>> -> memref<1x128x128xf32, #tpu.memory_space<hbm>>
    %dma_start3A_100 = tpu.memref_squeeze %dma_start3A_99 : memref<1x128x128xf32, #tpu.memory_space<hbm>> -> memref<128x128xf32, #tpu.memory_space<hbm>>
    %dma_start3A_101 = arith.constant 0 : i32
    %dma_start3A_102 = tpu.memref_slice %arg10[%add3A_97, %dma_start3A_101] : memref<10240x128xf32, #tpu.memory_space<vmem_shared>> -> memref<128x128xf32, #tpu.memory_space<vmem_shared>>
    tpu.enqueue_dma source(%dma_start3A_102 : memref<128x128xf32, #tpu.memory_space<vmem_shared>>) target(%dma_start3A_100 : memref<128x128xf32, #tpu.memory_space<hbm>>) target_semaphore(%arg13 : memref<!tpu.dma_semaphore, #tpu.memory_space<semaphore_mem>>)
    %mul3A_103 = arith.constant 640 : i32
    %mul3A_104 = arith.muli %arg1, %mul3A_103 : i32
    %add3A_105 = arith.constant 128 : i32
    %add3A_106 = arith.addi %mul3A_104, %add3A_105 : i32
    %dma_start3A_107 = arith.constant 0 : i32
    %dma_start3A_108 = tpu.memref_slice %arg5[%arg0, %add3A_106, %dma_start3A_107] : memref<2x10240x128xf32, #tpu.memory_space<hbm>> -> memref<1x128x128xf32, #tpu.memory_space<hbm>>
    %dma_start3A_109 = tpu.memref_squeeze %dma_start3A_108 : memref<1x128x128xf32, #tpu.memory_space<hbm>> -> memref<128x128xf32, #tpu.memory_space<hbm>>
    %dma_start3A_110 = arith.constant 0 : i32
    %dma_start3A_111 = tpu.memref_slice %arg10[%add3A_106, %dma_start3A_110] : memref<10240x128xf32, #tpu.memory_space<vmem_shared>> -> memref<128x128xf32, #tpu.memory_space<vmem_shared>>
    tpu.enqueue_dma source(%dma_start3A_111 : memref<128x128xf32, #tpu.memory_space<vmem_shared>>) target(%dma_start3A_109 : memref<128x128xf32, #tpu.memory_space<hbm>>) target_semaphore(%arg13 : memref<!tpu.dma_semaphore, #tpu.memory_space<semaphore_mem>>)
    %mul3A_112 = arith.constant 640 : i32
    %mul3A_113 = arith.muli %arg1, %mul3A_112 : i32
    %add3A_114 = arith.constant 256 : i32
    %add3A_115 = arith.addi %mul3A_113, %add3A_114 : i32
    %dma_start3A_116 = arith.constant 0 : i32
    %dma_start3A_117 = tpu.memref_slice %arg5[%arg0, %add3A_115, %dma_start3A_116] : memref<2x10240x128xf32, #tpu.memory_space<hbm>> -> memref<1x128x128xf32, #tpu.memory_space<hbm>>
    %dma_start3A_118 = tpu.memref_squeeze %dma_start3A_117 : memref<1x128x128xf32, #tpu.memory_space<hbm>> -> memref<128x128xf32, #tpu.memory_space<hbm>>
    %dma_start3A_119 = arith.constant 0 : i32
    %dma_start3A_120 = tpu.memref_slice %arg10[%add3A_115, %dma_start3A_119] : memref<10240x128xf32, #tpu.memory_space<vmem_shared>> -> memref<128x128xf32, #tpu.memory_space<vmem_shared>>
    tpu.enqueue_dma source(%dma_start3A_120 : memref<128x128xf32, #tpu.memory_space<vmem_shared>>) target(%dma_start3A_118 : memref<128x128xf32, #tpu.memory_space<hbm>>) target_semaphore(%arg13 : memref<!tpu.dma_semaphore, #tpu.memory_space<semaphore_mem>>)
    %mul3A_121 = arith.constant 640 : i32
    %mul3A_122 = arith.muli %arg1, %mul3A_121 : i32
    %add3A_123 = arith.constant 384 : i32
    %add3A_124 = arith.addi %mul3A_122, %add3A_123 : i32
    %dma_start3A_125 = arith.constant 0 : i32
    %dma_start3A_126 = tpu.memref_slice %arg5[%arg0, %add3A_124, %dma_start3A_125] : memref<2x10240x128xf32, #tpu.memory_space<hbm>> -> memref<1x128x128xf32, #tpu.memory_space<hbm>>
    %dma_start3A_127 = tpu.memref_squeeze %dma_start3A_126 : memref<1x128x128xf32, #tpu.memory_space<hbm>> -> memref<128x128xf32, #tpu.memory_space<hbm>>
    %dma_start3A_128 = arith.constant 0 : i32
    %dma_start3A_129 = tpu.memref_slice %arg10[%add3A_124, %dma_start3A_128] : memref<10240x128xf32, #tpu.memory_space<vmem_shared>> -> memref<128x128xf32, #tpu.memory_space<vmem_shared>>
    tpu.enqueue_dma source(%dma_start3A_129 : memref<128x128xf32, #tpu.memory_space<vmem_shared>>) target(%dma_start3A_127 : memref<128x128xf32, #tpu.memory_space<hbm>>) target_semaphore(%arg13 : memref<!tpu.dma_semaphore, #tpu.memory_space<semaphore_mem>>)
    %mul3A_130 = arith.constant 640 : i32
    %mul3A_131 = arith.muli %arg1, %mul3A_130 : i32
    %add3A_132 = arith.constant 512 : i32
    %add3A_133 = arith.addi %mul3A_131, %add3A_132 : i32
    %dma_start3A_134 = arith.constant 0 : i32
    %dma_start3A_135 = tpu.memref_slice %arg5[%arg0, %add3A_133, %dma_start3A_134] : memref<2x10240x128xf32, #tpu.memory_space<hbm>> -> memref<1x128x128xf32, #tpu.memory_space<hbm>>
    %dma_start3A_136 = tpu.memref_squeeze %dma_start3A_135 : memref<1x128x128xf32, #tpu.memory_space<hbm>> -> memref<128x128xf32, #tpu.memory_space<hbm>>
    %dma_start3A_137 = arith.constant 0 : i32
    %dma_start3A_138 = tpu.memref_slice %arg10[%add3A_133, %dma_start3A_137] : memref<10240x128xf32, #tpu.memory_space<vmem_shared>> -> memref<128x128xf32, #tpu.memory_space<vmem_shared>>
    tpu.enqueue_dma source(%dma_start3A_138 : memref<128x128xf32, #tpu.memory_space<vmem_shared>>) target(%dma_start3A_136 : memref<128x128xf32, #tpu.memory_space<hbm>>) target_semaphore(%arg13 : memref<!tpu.dma_semaphore, #tpu.memory_space<semaphore_mem>>)
    %mul3A_139 = arith.constant 640 : i32
    %mul3A_140 = arith.muli %arg1, %mul3A_139 : i32
    %add3A_141 = arith.constant 0 : i32
    %add3A_142 = arith.addi %mul3A_140, %add3A_141 : i32
    %dma_wait3A_143 = arith.constant 0 : i32
    %dma_wait3A_144 = tpu.memref_slice %arg5[%arg0, %add3A_142, %dma_wait3A_143] : memref<2x10240x128xf32, #tpu.memory_space<hbm>> -> memref<1x128x128xf32, #tpu.memory_space<hbm>>
    %dma_wait3A_145 = tpu.memref_squeeze %dma_wait3A_144 : memref<1x128x128xf32, #tpu.memory_space<hbm>> -> memref<128x128xf32, #tpu.memory_space<hbm>>
    %dma_wait3A_146 = arith.constant 0 : i32
    %dma_wait3A_147 = tpu.memref_slice %arg10[%add3A_142, %dma_wait3A_146] : memref<10240x128xf32, #tpu.memory_space<vmem_shared>> -> memref<128x128xf32, #tpu.memory_space<vmem_shared>>
    tpu.wait_dma2 semaphore(%arg13 : memref<!tpu.dma_semaphore, #tpu.memory_space<semaphore_mem>>) src(%dma_wait3A_147 : memref<128x128xf32, #tpu.memory_space<vmem_shared>>) dst(%dma_wait3A_145 : memref<128x128xf32, #tpu.memory_space<hbm>>)
    %mul3A_148 = arith.constant 640 : i32
    %mul3A_149 = arith.muli %arg1, %mul3A_148 : i32
    %add3A_150 = arith.constant 128 : i32
    %add3A_151 = arith.addi %mul3A_149, %add3A_150 : i32
    %dma_wait3A_152 = arith.constant 0 : i32
    %dma_wait3A_153 = tpu.memref_slice %arg5[%arg0, %add3A_151, %dma_wait3A_152] : memref<2x10240x128xf32, #tpu.memory_space<hbm>> -> memref<1x128x128xf32, #tpu.memory_space<hbm>>
    %dma_wait3A_154 = tpu.memref_squeeze %dma_wait3A_153 : memref<1x128x128xf32, #tpu.memory_space<hbm>> -> memref<128x128xf32, #tpu.memory_space<hbm>>
    %dma_wait3A_155 = arith.constant 0 : i32
    %dma_wait3A_156 = tpu.memref_slice %arg10[%add3A_151, %dma_wait3A_155] : memref<10240x128xf32, #tpu.memory_space<vmem_shared>> -> memref<128x128xf32, #tpu.memory_space<vmem_shared>>
    tpu.wait_dma2 semaphore(%arg13 : memref<!tpu.dma_semaphore, #tpu.memory_space<semaphore_mem>>) src(%dma_wait3A_156 : memref<128x128xf32, #tpu.memory_space<vmem_shared>>) dst(%dma_wait3A_154 : memref<128x128xf32, #tpu.memory_space<hbm>>)
    %mul3A_157 = arith.constant 640 : i32
    %mul3A_158 = arith.muli %arg1, %mul3A_157 : i32
    %add3A_159 = arith.constant 256 : i32
    %add3A_160 = arith.addi %mul3A_158, %add3A_159 : i32
    %dma_wait3A_161 = arith.constant 0 : i32
    %dma_wait3A_162 = tpu.memref_slice %arg5[%arg0, %add3A_160, %dma_wait3A_161] : memref<2x10240x128xf32, #tpu.memory_space<hbm>> -> memref<1x128x128xf32, #tpu.memory_space<hbm>>
    %dma_wait3A_163 = tpu.memref_squeeze %dma_wait3A_162 : memref<1x128x128xf32, #tpu.memory_space<hbm>> -> memref<128x128xf32, #tpu.memory_space<hbm>>
    %dma_wait3A_164 = arith.constant 0 : i32
    %dma_wait3A_165 = tpu.memref_slice %arg10[%add3A_160, %dma_wait3A_164] : memref<10240x128xf32, #tpu.memory_space<vmem_shared>> -> memref<128x128xf32, #tpu.memory_space<vmem_shared>>
    tpu.wait_dma2 semaphore(%arg13 : memref<!tpu.dma_semaphore, #tpu.memory_space<semaphore_mem>>) src(%dma_wait3A_165 : memref<128x128xf32, #tpu.memory_space<vmem_shared>>) dst(%dma_wait3A_163 : memref<128x128xf32, #tpu.memory_space<hbm>>)
    %mul3A_166 = arith.constant 640 : i32
    %mul3A_167 = arith.muli %arg1, %mul3A_166 : i32
    %add3A_168 = arith.constant 384 : i32
    %add3A_169 = arith.addi %mul3A_167, %add3A_168 : i32
    %dma_wait3A_170 = arith.constant 0 : i32
    %dma_wait3A_171 = tpu.memref_slice %arg5[%arg0, %add3A_169, %dma_wait3A_170] : memref<2x10240x128xf32, #tpu.memory_space<hbm>> -> memref<1x128x128xf32, #tpu.memory_space<hbm>>
    %dma_wait3A_172 = tpu.memref_squeeze %dma_wait3A_171 : memref<1x128x128xf32, #tpu.memory_space<hbm>> -> memref<128x128xf32, #tpu.memory_space<hbm>>
    %dma_wait3A_173 = arith.constant 0 : i32
    %dma_wait3A_174 = tpu.memref_slice %arg10[%add3A_169, %dma_wait3A_173] : memref<10240x128xf32, #tpu.memory_space<vmem_shared>> -> memref<128x128xf32, #tpu.memory_space<vmem_shared>>
    tpu.wait_dma2 semaphore(%arg13 : memref<!tpu.dma_semaphore, #tpu.memory_space<semaphore_mem>>) src(%dma_wait3A_174 : memref<128x128xf32, #tpu.memory_space<vmem_shared>>) dst(%dma_wait3A_172 : memref<128x128xf32, #tpu.memory_space<hbm>>)
    %mul3A_175 = arith.constant 640 : i32
    %mul3A_176 = arith.muli %arg1, %mul3A_175 : i32
    %add3A_177 = arith.constant 512 : i32
    %add3A_178 = arith.addi %mul3A_176, %add3A_177 : i32
    %dma_wait3A_179 = arith.constant 0 : i32
    %dma_wait3A_180 = tpu.memref_slice %arg5[%arg0, %add3A_178, %dma_wait3A_179] : memref<2x10240x128xf32, #tpu.memory_space<hbm>> -> memref<1x128x128xf32, #tpu.memory_space<hbm>>
    %dma_wait3A_181 = tpu.memref_squeeze %dma_wait3A_180 : memref<1x128x128xf32, #tpu.memory_space<hbm>> -> memref<128x128xf32, #tpu.memory_space<hbm>>
    %dma_wait3A_182 = arith.constant 0 : i32
    %dma_wait3A_183 = tpu.memref_slice %arg10[%add3A_178, %dma_wait3A_182] : memref<10240x128xf32, #tpu.memory_space<vmem_shared>> -> memref<128x128xf32, #tpu.memory_space<vmem_shared>>
    tpu.wait_dma2 semaphore(%arg13 : memref<!tpu.dma_semaphore, #tpu.memory_space<semaphore_mem>>) src(%dma_wait3A_183 : memref<128x128xf32, #tpu.memory_space<vmem_shared>>) dst(%dma_wait3A_181 : memref<128x128xf32, #tpu.memory_space<hbm>>)
    return
  }
}

#map = affine_map<(d0, d1) -> (0, 0, 0)>
#map1 = affine_map<(d0, d1) -> (0)>
#map2 = affine_map<(d0, d1) -> (0, 0)>
module attributes {stable_mosaic.version = 14 : i64} {
  func.func @_deg_call(%arg0: i32, %arg1: i32, %arg2: memref<2x2560x128xi32, #tpu.memory_space<hbm>>, %arg3: memref<128xf32, #tpu.memory_space<hbm>>, %arg4: memref<640xf32, #tpu.memory_space<hbm>>, %arg5: memref<2x10240xf32, #tpu.memory_space<hbm>>, %arg6: memref<80x128xi32, #tpu.memory_space<vmem>>, %arg7: memref<128xf32, #tpu.memory_space<vmem>>, %arg8: memref<640xf32, #tpu.memory_space<vmem>>, %arg9: memref<10240xf32, #tpu.memory_space<vmem_shared>>, %arg10: memref<!tpu.dma_semaphore, #tpu.memory_space<semaphore_mem>>) attributes {dimension_semantics = [#tpu.dimension_semantics<core_parallel>, #tpu.dimension_semantics<subcore_parallel>], iteration_bounds = array<i64: 2, 16>, scalar_prefetch = 0 : i64, scratch_operands = 5 : i64, tpu.core_type = #tpu.core_type<sc_vector_subcore>, window_params = [{transform_indices = #map}, {transform_indices = #map1}, {transform_indices = #map1}, {transform_indices = #map2}]} {
    "tpu.region"() ({
      %run_scoped3A_15 = tpu.sem_alloc : memref<!tpu.dma_semaphore, #tpu.memory_space<semaphore_mem>>
      tpu.enqueue_dma source(%arg3 : memref<128xf32, #tpu.memory_space<hbm>>) target(%arg7 : memref<128xf32, #tpu.memory_space<vmem>>) target_semaphore(%run_scoped3A_15 : memref<!tpu.dma_semaphore, #tpu.memory_space<semaphore_mem>>)
      tpu.wait_dma2 semaphore(%run_scoped3A_15 : memref<!tpu.dma_semaphore, #tpu.memory_space<semaphore_mem>>) src(%arg3 : memref<128xf32, #tpu.memory_space<hbm>>) dst(%arg7 : memref<128xf32, #tpu.memory_space<vmem>>)
      tpu.yield
    }) : () -> ()
    "tpu.region"() ({
      %run_scoped3A_15 = tpu.sem_alloc : memref<!tpu.dma_semaphore, #tpu.memory_space<semaphore_mem>>
      tpu.enqueue_dma source(%arg4 : memref<640xf32, #tpu.memory_space<hbm>>) target(%arg8 : memref<640xf32, #tpu.memory_space<vmem>>) target_semaphore(%run_scoped3A_15 : memref<!tpu.dma_semaphore, #tpu.memory_space<semaphore_mem>>)
      tpu.wait_dma2 semaphore(%run_scoped3A_15 : memref<!tpu.dma_semaphore, #tpu.memory_space<semaphore_mem>>) src(%arg4 : memref<640xf32, #tpu.memory_space<hbm>>) dst(%arg8 : memref<640xf32, #tpu.memory_space<vmem>>)
      tpu.yield
    }) : () -> ()
    %mul3A = arith.constant 640 : i32
    %mul3A_0 = arith.muli %arg1, %mul3A : i32
    "tpu.region"() ({
      %run_scoped3A_15 = tpu.sem_alloc : memref<!tpu.dma_semaphore, #tpu.memory_space<semaphore_mem>>
      %dma_start3A = tpu.memref_slice %arg9[%mul3A_0] : memref<10240xf32, #tpu.memory_space<vmem_shared>> -> memref<640xf32, #tpu.memory_space<vmem_shared>>
      %dma_start3A_16 = tpu.memref_slice %arg9[%mul3A_0] : memref<10240xf32, #tpu.memory_space<vmem_shared>> -> memref<640xf32, #tpu.memory_space<vmem_shared>>
      tpu.enqueue_dma source(%arg8 : memref<640xf32, #tpu.memory_space<vmem>>) target(%dma_start3A_16 : memref<640xf32, #tpu.memory_space<vmem_shared>>) target_semaphore(%run_scoped3A_15 : memref<!tpu.dma_semaphore, #tpu.memory_space<semaphore_mem>>)
      %dma_wait3A = tpu.memref_slice %arg9[%mul3A_0] : memref<10240xf32, #tpu.memory_space<vmem_shared>> -> memref<640xf32, #tpu.memory_space<vmem_shared>>
      %dma_wait3A_17 = tpu.memref_slice %arg9[%mul3A_0] : memref<10240xf32, #tpu.memory_space<vmem_shared>> -> memref<640xf32, #tpu.memory_space<vmem_shared>>
      tpu.wait_dma2 semaphore(%run_scoped3A_15 : memref<!tpu.dma_semaphore, #tpu.memory_space<semaphore_mem>>) src(%arg8 : memref<640xf32, #tpu.memory_space<vmem>>) dst(%dma_wait3A_17 : memref<640xf32, #tpu.memory_space<vmem_shared>>)
      tpu.yield
    }) : () -> ()
    %mul3A_1 = arith.constant 16 : i32
    %mul3A_2 = arith.muli %arg0, %mul3A_1 : i32
    %add3A = arith.addi %mul3A_2, %arg1 : i32
    %mul3A_3 = arith.constant 80 : i32
    %mul3A_4 = arith.muli %add3A, %mul3A_3 : i32
    %run_scoped3A = arith.constant 1 : i32
    "tpu.region"() ({
      %run_scoped3A_15 = tpu.sem_alloc : memref<!tpu.dma_semaphore, #tpu.memory_space<semaphore_mem>>
      %dma_start3A = arith.constant 0 : i32
      %dma_start3A_16 = tpu.memref_slice %arg2[%run_scoped3A, %mul3A_4, %dma_start3A] : memref<2x2560x128xi32, #tpu.memory_space<hbm>> -> memref<1x80x128xi32, #tpu.memory_space<hbm>>
      %dma_start3A_17 = tpu.memref_squeeze %dma_start3A_16 : memref<1x80x128xi32, #tpu.memory_space<hbm>> -> memref<80x128xi32, #tpu.memory_space<hbm>>
      %dma_start3A_18 = arith.constant 0 : i32
      %dma_start3A_19 = tpu.memref_slice %arg2[%run_scoped3A, %mul3A_4, %dma_start3A_18] : memref<2x2560x128xi32, #tpu.memory_space<hbm>> -> memref<1x80x128xi32, #tpu.memory_space<hbm>>
      %dma_start3A_20 = tpu.memref_squeeze %dma_start3A_19 : memref<1x80x128xi32, #tpu.memory_space<hbm>> -> memref<80x128xi32, #tpu.memory_space<hbm>>
      tpu.enqueue_dma source(%dma_start3A_20 : memref<80x128xi32, #tpu.memory_space<hbm>>) target(%arg6 : memref<80x128xi32, #tpu.memory_space<vmem>>) target_semaphore(%run_scoped3A_15 : memref<!tpu.dma_semaphore, #tpu.memory_space<semaphore_mem>>)
      %dma_wait3A = arith.constant 0 : i32
      %dma_wait3A_21 = tpu.memref_slice %arg2[%run_scoped3A, %mul3A_4, %dma_wait3A] : memref<2x2560x128xi32, #tpu.memory_space<hbm>> -> memref<1x80x128xi32, #tpu.memory_space<hbm>>
      %dma_wait3A_22 = tpu.memref_squeeze %dma_wait3A_21 : memref<1x80x128xi32, #tpu.memory_space<hbm>> -> memref<80x128xi32, #tpu.memory_space<hbm>>
      %dma_wait3A_23 = arith.constant 0 : i32
      %dma_wait3A_24 = tpu.memref_slice %arg2[%run_scoped3A, %mul3A_4, %dma_wait3A_23] : memref<2x2560x128xi32, #tpu.memory_space<hbm>> -> memref<1x80x128xi32, #tpu.memory_space<hbm>>
      %dma_wait3A_25 = tpu.memref_squeeze %dma_wait3A_24 : memref<1x80x128xi32, #tpu.memory_space<hbm>> -> memref<80x128xi32, #tpu.memory_space<hbm>>
      tpu.wait_dma2 semaphore(%run_scoped3A_15 : memref<!tpu.dma_semaphore, #tpu.memory_space<semaphore_mem>>) src(%dma_wait3A_25 : memref<80x128xi32, #tpu.memory_space<hbm>>) dst(%arg6 : memref<80x128xi32, #tpu.memory_space<vmem>>)
      tpu.yield
    }) : () -> ()
    %barrier3A = arith.constant 0 : index
    tpu.barrier barrier_id(%barrier3A)
    %scan3A = arith.constant 0 : i32
    %scan3A_5 = arith.constant 0 : i32
    %scan3A_6 = arith.constant 5 : i32
    %scan3A_7 = arith.addi %scan3A_5, %scan3A_6 : i32
    %scan3A_8 = arith.constant 1 : i32
    scf.for %scan3A_15 = %scan3A_5 to %scan3A_7 step %scan3A_8  : i32 {
      %mul3A_16 = arith.constant 16 : i32
      %mul3A_17 = arith.muli %scan3A_15, %mul3A_16 : i32
      %add3A_18 = arith.constant 1 : i32
      %add3A_19 = arith.addi %scan3A_15, %add3A_18 : i32
      %mul3A_20 = arith.constant 16 : i32
      %mul3A_21 = arith.muli %add3A_19, %mul3A_20 : i32
      %while3A = arith.constant 0 : i32
      %while3A_22 = arith.subi %mul3A_21, %mul3A_17 : i32
      %while3A_23 = arith.addi %mul3A_17, %while3A_22 : i32
      %while3A_24 = arith.constant 1 : i32
      %while3A_25 = arith.divsi %while3A_22, %while3A_24 : i32
      %while3A_26 = arith.muli %while3A_25, %while3A_24 : i32
      %while3A_27 = arith.addi %mul3A_17, %while3A_26 : i32
      %while3A_28 = arith.constant 1 : i32
      scf.for %while3A_45 = %mul3A_17 to %while3A_27 step %while3A_28  : i32 {
        %dma_start3A = arith.constant 0 : i32
        %dma_start3A_46 = tpu.memref_slice %arg6[%while3A_45, %dma_start3A] : memref<80x128xi32, #tpu.memory_space<vmem>> -> memref<1x128xi32, #tpu.memory_space<vmem>>
        %dma_start3A_47 = tpu.memref_squeeze %dma_start3A_46 : memref<1x128xi32, #tpu.memory_space<vmem>> -> memref<128xi32, #tpu.memory_space<vmem>>
        %dma_start3A_48 = arith.constant 0 : i32
        %dma_start3A_49 = tpu.memref_slice %arg9[%dma_start3A_48] : memref<10240xf32, #tpu.memory_space<vmem_shared>> -> memref<10240xf32, #tpu.memory_space<vmem_shared>>
        tpu.enqueue_indirect_dma source(%arg7 : memref<128xf32, #tpu.memory_space<vmem>>) target(%dma_start3A_49 : memref<10240xf32, #tpu.memory_space<vmem_shared>>) offsets(%dma_start3A_47 : memref<128xi32, #tpu.memory_space<vmem>>) semaphore(%arg10 : memref<!tpu.dma_semaphore, #tpu.memory_space<semaphore_mem>>) {add = true}
      }
      %while3A_29 = arith.constant 1 : i32
      scf.for %while3A_45 = %while3A_27 to %while3A_23 step %while3A_29  : i32 {
        %dma_start3A = arith.constant 0 : i32
        %dma_start3A_46 = tpu.memref_slice %arg6[%while3A_45, %dma_start3A] : memref<80x128xi32, #tpu.memory_space<vmem>> -> memref<1x128xi32, #tpu.memory_space<vmem>>
        %dma_start3A_47 = tpu.memref_squeeze %dma_start3A_46 : memref<1x128xi32, #tpu.memory_space<vmem>> -> memref<128xi32, #tpu.memory_space<vmem>>
        %dma_start3A_48 = arith.constant 0 : i32
        %dma_start3A_49 = tpu.memref_slice %arg9[%dma_start3A_48] : memref<10240xf32, #tpu.memory_space<vmem_shared>> -> memref<10240xf32, #tpu.memory_space<vmem_shared>>
        tpu.enqueue_indirect_dma source(%arg7 : memref<128xf32, #tpu.memory_space<vmem>>) target(%dma_start3A_49 : memref<10240xf32, #tpu.memory_space<vmem_shared>>) offsets(%dma_start3A_47 : memref<128xi32, #tpu.memory_space<vmem>>) semaphore(%arg10 : memref<!tpu.dma_semaphore, #tpu.memory_space<semaphore_mem>>) {add = true}
      }
      %mul3A_30 = arith.constant 16 : i32
      %mul3A_31 = arith.muli %scan3A_15, %mul3A_30 : i32
      %add3A_32 = arith.constant 1 : i32
      %add3A_33 = arith.addi %scan3A_15, %add3A_32 : i32
      %mul3A_34 = arith.constant 16 : i32
      %mul3A_35 = arith.muli %add3A_33, %mul3A_34 : i32
      %while3A_36 = arith.constant 0 : i32
      %while3A_37 = arith.subi %mul3A_35, %mul3A_31 : i32
      %while3A_38 = arith.addi %mul3A_31, %while3A_37 : i32
      %while3A_39 = arith.constant 1 : i32
      %while3A_40 = arith.divsi %while3A_37, %while3A_39 : i32
      %while3A_41 = arith.muli %while3A_40, %while3A_39 : i32
      %while3A_42 = arith.addi %mul3A_31, %while3A_41 : i32
      %while3A_43 = arith.constant 1 : i32
      scf.for %while3A_45 = %mul3A_31 to %while3A_42 step %while3A_43  : i32 {
        %dma_wait3A = arith.constant 0 : i32
        %dma_wait3A_46 = tpu.memref_slice %arg6[%while3A_45, %dma_wait3A] : memref<80x128xi32, #tpu.memory_space<vmem>> -> memref<1x128xi32, #tpu.memory_space<vmem>>
        %dma_wait3A_47 = tpu.memref_squeeze %dma_wait3A_46 : memref<1x128xi32, #tpu.memory_space<vmem>> -> memref<128xi32, #tpu.memory_space<vmem>>
        %dma_wait3A_48 = arith.constant 0 : i32
        %dma_wait3A_49 = tpu.memref_slice %arg9[%dma_wait3A_48] : memref<10240xf32, #tpu.memory_space<vmem_shared>> -> memref<10240xf32, #tpu.memory_space<vmem_shared>>
        tpu.wait_indirect_dma semaphore(%arg10 : memref<!tpu.dma_semaphore, #tpu.memory_space<semaphore_mem>>) src(%arg7 : memref<128xf32, #tpu.memory_space<vmem>>) dst(%dma_wait3A_49 : memref<10240xf32, #tpu.memory_space<vmem_shared>>)
      }
      %while3A_44 = arith.constant 1 : i32
      scf.for %while3A_45 = %while3A_42 to %while3A_38 step %while3A_44  : i32 {
        %dma_wait3A = arith.constant 0 : i32
        %dma_wait3A_46 = tpu.memref_slice %arg6[%while3A_45, %dma_wait3A] : memref<80x128xi32, #tpu.memory_space<vmem>> -> memref<1x128xi32, #tpu.memory_space<vmem>>
        %dma_wait3A_47 = tpu.memref_squeeze %dma_wait3A_46 : memref<1x128xi32, #tpu.memory_space<vmem>> -> memref<128xi32, #tpu.memory_space<vmem>>
        %dma_wait3A_48 = arith.constant 0 : i32
        %dma_wait3A_49 = tpu.memref_slice %arg9[%dma_wait3A_48] : memref<10240xf32, #tpu.memory_space<vmem_shared>> -> memref<10240xf32, #tpu.memory_space<vmem_shared>>
        tpu.wait_indirect_dma semaphore(%arg10 : memref<!tpu.dma_semaphore, #tpu.memory_space<semaphore_mem>>) src(%arg7 : memref<128xf32, #tpu.memory_space<vmem>>) dst(%dma_wait3A_49 : memref<10240xf32, #tpu.memory_space<vmem_shared>>)
      }
    }
    %scan3A_9 = arith.constant 5 : i32
    %barrier3A_10 = arith.constant 0 : index
    tpu.barrier barrier_id(%barrier3A_10)
    %mul3A_11 = arith.constant 640 : i32
    %mul3A_12 = arith.muli %arg1, %mul3A_11 : i32
    %mul3A_13 = arith.constant 640 : i32
    %mul3A_14 = arith.muli %arg1, %mul3A_13 : i32
    "tpu.region"() ({
      %run_scoped3A_15 = tpu.sem_alloc : memref<!tpu.dma_semaphore, #tpu.memory_space<semaphore_mem>>
      %dma_start3A = tpu.memref_slice %arg5[%arg0, %mul3A_14] : memref<2x10240xf32, #tpu.memory_space<hbm>> -> memref<1x640xf32, #tpu.memory_space<hbm>>
      %dma_start3A_16 = tpu.memref_squeeze %dma_start3A : memref<1x640xf32, #tpu.memory_space<hbm>> -> memref<640xf32, #tpu.memory_space<hbm>>
      %dma_start3A_17 = tpu.memref_slice %arg9[%mul3A_12] : memref<10240xf32, #tpu.memory_space<vmem_shared>> -> memref<640xf32, #tpu.memory_space<vmem_shared>>
      tpu.enqueue_dma source(%dma_start3A_17 : memref<640xf32, #tpu.memory_space<vmem_shared>>) target(%dma_start3A_16 : memref<640xf32, #tpu.memory_space<hbm>>) target_semaphore(%run_scoped3A_15 : memref<!tpu.dma_semaphore, #tpu.memory_space<semaphore_mem>>)
      %dma_wait3A = tpu.memref_slice %arg5[%arg0, %mul3A_14] : memref<2x10240xf32, #tpu.memory_space<hbm>> -> memref<1x640xf32, #tpu.memory_space<hbm>>
      %dma_wait3A_18 = tpu.memref_squeeze %dma_wait3A : memref<1x640xf32, #tpu.memory_space<hbm>> -> memref<640xf32, #tpu.memory_space<hbm>>
      %dma_wait3A_19 = tpu.memref_slice %arg9[%mul3A_12] : memref<10240xf32, #tpu.memory_space<vmem_shared>> -> memref<640xf32, #tpu.memory_space<vmem_shared>>
      tpu.wait_dma2 semaphore(%run_scoped3A_15 : memref<!tpu.dma_semaphore, #tpu.memory_space<semaphore_mem>>) src(%dma_wait3A_19 : memref<640xf32, #tpu.memory_space<vmem_shared>>) dst(%dma_wait3A_18 : memref<640xf32, #tpu.memory_space<hbm>>)
      tpu.yield
    }) : () -> ()
    return
  }
}

#map = affine_map<(d0, d1) -> (0, 0)>
#map1 = affine_map<(d0, d1) -> (0, 0, 0)>
module attributes {stable_mosaic.version = 14 : i64} {
  func.func @_scatter_call(%arg0: i32, %arg1: i32, %arg2: memref<10000x128xf32, #tpu.memory_space<hbm>>, %arg3: memref<2x2560x128xi32, #tpu.memory_space<hbm>>, %arg4: memref<128x128xf32, #tpu.memory_space<hbm>>, %arg5: memref<2x10240x128xf32, #tpu.memory_space<hbm>>, %arg6: memref<40x128xi32, #tpu.memory_space<vmem>>, %arg7: memref<40x128xi32, #tpu.memory_space<vmem>>, %arg8: memref<128x128xf32, #tpu.memory_space<vmem>>, %arg9: memref<128x128xf32, #tpu.memory_space<vmem>>, %arg10: memref<10240x128xf32, #tpu.memory_space<vmem_shared>>, %arg11: memref<!tpu.dma_semaphore, #tpu.memory_space<semaphore_mem>>, %arg12: memref<!tpu.dma_semaphore, #tpu.memory_space<semaphore_mem>>, %arg13: memref<!tpu.dma_semaphore, #tpu.memory_space<semaphore_mem>>) attributes {dimension_semantics = [#tpu.dimension_semantics<core_parallel>, #tpu.dimension_semantics<subcore_parallel>], iteration_bounds = array<i64: 2, 16>, scalar_prefetch = 0 : i64, scratch_operands = 8 : i64, tpu.core_type = #tpu.core_type<sc_vector_subcore>, window_params = [{transform_indices = #map}, {transform_indices = #map1}, {transform_indices = #map}, {transform_indices = #map1}]} {
    %mul3A = arith.constant 16 : i32
    %mul3A_0 = arith.muli %arg0, %mul3A : i32
    %add3A = arith.addi %mul3A_0, %arg1 : i32
    %mul3A_1 = arith.constant 80 : i32
    %mul3A_2 = arith.muli %add3A, %mul3A_1 : i32
    %mul3A_3 = arith.constant 640 : i32
    %mul3A_4 = arith.muli %arg1, %mul3A_3 : i32
    %add3A_5 = arith.constant 0 : i32
    %add3A_6 = arith.addi %mul3A_4, %add3A_5 : i32
    %dma_start3A = arith.constant 0 : i32
    %dma_start3A_7 = tpu.memref_slice %arg10[%add3A_6, %dma_start3A] : memref<10240x128xf32, #tpu.memory_space<vmem_shared>> -> memref<128x128xf32, #tpu.memory_space<vmem_shared>>
    tpu.enqueue_dma source(%arg4 : memref<128x128xf32, #tpu.memory_space<hbm>>) target(%dma_start3A_7 : memref<128x128xf32, #tpu.memory_space<vmem_shared>>) target_semaphore(%arg13 : memref<!tpu.dma_semaphore, #tpu.memory_space<semaphore_mem>>)
    %mul3A_8 = arith.constant 640 : i32
    %mul3A_9 = arith.muli %arg1, %mul3A_8 : i32
    %add3A_10 = arith.constant 128 : i32
    %add3A_11 = arith.addi %mul3A_9, %add3A_10 : i32
    %dma_start3A_12 = arith.constant 0 : i32
    %dma_start3A_13 = tpu.memref_slice %arg10[%add3A_11, %dma_start3A_12] : memref<10240x128xf32, #tpu.memory_space<vmem_shared>> -> memref<128x128xf32, #tpu.memory_space<vmem_shared>>
    tpu.enqueue_dma source(%arg4 : memref<128x128xf32, #tpu.memory_space<hbm>>) target(%dma_start3A_13 : memref<128x128xf32, #tpu.memory_space<vmem_shared>>) target_semaphore(%arg13 : memref<!tpu.dma_semaphore, #tpu.memory_space<semaphore_mem>>)
    %mul3A_14 = arith.constant 640 : i32
    %mul3A_15 = arith.muli %arg1, %mul3A_14 : i32
    %add3A_16 = arith.constant 256 : i32
    %add3A_17 = arith.addi %mul3A_15, %add3A_16 : i32
    %dma_start3A_18 = arith.constant 0 : i32
    %dma_start3A_19 = tpu.memref_slice %arg10[%add3A_17, %dma_start3A_18] : memref<10240x128xf32, #tpu.memory_space<vmem_shared>> -> memref<128x128xf32, #tpu.memory_space<vmem_shared>>
    tpu.enqueue_dma source(%arg4 : memref<128x128xf32, #tpu.memory_space<hbm>>) target(%dma_start3A_19 : memref<128x128xf32, #tpu.memory_space<vmem_shared>>) target_semaphore(%arg13 : memref<!tpu.dma_semaphore, #tpu.memory_space<semaphore_mem>>)
    %mul3A_20 = arith.constant 640 : i32
    %mul3A_21 = arith.muli %arg1, %mul3A_20 : i32
    %add3A_22 = arith.constant 384 : i32
    %add3A_23 = arith.addi %mul3A_21, %add3A_22 : i32
    %dma_start3A_24 = arith.constant 0 : i32
    %dma_start3A_25 = tpu.memref_slice %arg10[%add3A_23, %dma_start3A_24] : memref<10240x128xf32, #tpu.memory_space<vmem_shared>> -> memref<128x128xf32, #tpu.memory_space<vmem_shared>>
    tpu.enqueue_dma source(%arg4 : memref<128x128xf32, #tpu.memory_space<hbm>>) target(%dma_start3A_25 : memref<128x128xf32, #tpu.memory_space<vmem_shared>>) target_semaphore(%arg13 : memref<!tpu.dma_semaphore, #tpu.memory_space<semaphore_mem>>)
    %mul3A_26 = arith.constant 640 : i32
    %mul3A_27 = arith.muli %arg1, %mul3A_26 : i32
    %add3A_28 = arith.constant 512 : i32
    %add3A_29 = arith.addi %mul3A_27, %add3A_28 : i32
    %dma_start3A_30 = arith.constant 0 : i32
    %dma_start3A_31 = tpu.memref_slice %arg10[%add3A_29, %dma_start3A_30] : memref<10240x128xf32, #tpu.memory_space<vmem_shared>> -> memref<128x128xf32, #tpu.memory_space<vmem_shared>>
    tpu.enqueue_dma source(%arg4 : memref<128x128xf32, #tpu.memory_space<hbm>>) target(%dma_start3A_31 : memref<128x128xf32, #tpu.memory_space<vmem_shared>>) target_semaphore(%arg13 : memref<!tpu.dma_semaphore, #tpu.memory_space<semaphore_mem>>)
    %run_scoped3A = arith.constant 0 : i32
    "tpu.region"() ({
      %run_scoped3A_184 = tpu.sem_alloc : memref<!tpu.dma_semaphore, #tpu.memory_space<semaphore_mem>>
      %dma_start3A_185 = arith.constant 0 : i32
      %dma_start3A_186 = tpu.memref_slice %arg3[%run_scoped3A, %mul3A_2, %dma_start3A_185] : memref<2x2560x128xi32, #tpu.memory_space<hbm>> -> memref<1x40x128xi32, #tpu.memory_space<hbm>>
      %dma_start3A_187 = tpu.memref_squeeze %dma_start3A_186 : memref<1x40x128xi32, #tpu.memory_space<hbm>> -> memref<40x128xi32, #tpu.memory_space<hbm>>
      %dma_start3A_188 = arith.constant 0 : i32
      %dma_start3A_189 = tpu.memref_slice %arg3[%run_scoped3A, %mul3A_2, %dma_start3A_188] : memref<2x2560x128xi32, #tpu.memory_space<hbm>> -> memref<1x40x128xi32, #tpu.memory_space<hbm>>
      %dma_start3A_190 = tpu.memref_squeeze %dma_start3A_189 : memref<1x40x128xi32, #tpu.memory_space<hbm>> -> memref<40x128xi32, #tpu.memory_space<hbm>>
      tpu.enqueue_dma source(%dma_start3A_190 : memref<40x128xi32, #tpu.memory_space<hbm>>) target(%arg6 : memref<40x128xi32, #tpu.memory_space<vmem>>) target_semaphore(%run_scoped3A_184 : memref<!tpu.dma_semaphore, #tpu.memory_space<semaphore_mem>>)
      %dma_wait3A_191 = arith.constant 0 : i32
      %dma_wait3A_192 = tpu.memref_slice %arg3[%run_scoped3A, %mul3A_2, %dma_wait3A_191] : memref<2x2560x128xi32, #tpu.memory_space<hbm>> -> memref<1x40x128xi32, #tpu.memory_space<hbm>>
      %dma_wait3A_193 = tpu.memref_squeeze %dma_wait3A_192 : memref<1x40x128xi32, #tpu.memory_space<hbm>> -> memref<40x128xi32, #tpu.memory_space<hbm>>
      %dma_wait3A_194 = arith.constant 0 : i32
      %dma_wait3A_195 = tpu.memref_slice %arg3[%run_scoped3A, %mul3A_2, %dma_wait3A_194] : memref<2x2560x128xi32, #tpu.memory_space<hbm>> -> memref<1x40x128xi32, #tpu.memory_space<hbm>>
      %dma_wait3A_196 = tpu.memref_squeeze %dma_wait3A_195 : memref<1x40x128xi32, #tpu.memory_space<hbm>> -> memref<40x128xi32, #tpu.memory_space<hbm>>
      tpu.wait_dma2 semaphore(%run_scoped3A_184 : memref<!tpu.dma_semaphore, #tpu.memory_space<semaphore_mem>>) src(%dma_wait3A_196 : memref<40x128xi32, #tpu.memory_space<hbm>>) dst(%arg6 : memref<40x128xi32, #tpu.memory_space<vmem>>)
      tpu.yield
    }) : () -> ()
    %run_scoped3A_32 = arith.constant 1 : i32
    "tpu.region"() ({
      %run_scoped3A_184 = tpu.sem_alloc : memref<!tpu.dma_semaphore, #tpu.memory_space<semaphore_mem>>
      %dma_start3A_185 = arith.constant 0 : i32
      %dma_start3A_186 = tpu.memref_slice %arg3[%run_scoped3A_32, %mul3A_2, %dma_start3A_185] : memref<2x2560x128xi32, #tpu.memory_space<hbm>> -> memref<1x40x128xi32, #tpu.memory_space<hbm>>
      %dma_start3A_187 = tpu.memref_squeeze %dma_start3A_186 : memref<1x40x128xi32, #tpu.memory_space<hbm>> -> memref<40x128xi32, #tpu.memory_space<hbm>>
      %dma_start3A_188 = arith.constant 0 : i32
      %dma_start3A_189 = tpu.memref_slice %arg3[%run_scoped3A_32, %mul3A_2, %dma_start3A_188] : memref<2x2560x128xi32, #tpu.memory_space<hbm>> -> memref<1x40x128xi32, #tpu.memory_space<hbm>>
      %dma_start3A_190 = tpu.memref_squeeze %dma_start3A_189 : memref<1x40x128xi32, #tpu.memory_space<hbm>> -> memref<40x128xi32, #tpu.memory_space<hbm>>
      tpu.enqueue_dma source(%dma_start3A_190 : memref<40x128xi32, #tpu.memory_space<hbm>>) target(%arg7 : memref<40x128xi32, #tpu.memory_space<vmem>>) target_semaphore(%run_scoped3A_184 : memref<!tpu.dma_semaphore, #tpu.memory_space<semaphore_mem>>)
      %dma_wait3A_191 = arith.constant 0 : i32
      %dma_wait3A_192 = tpu.memref_slice %arg3[%run_scoped3A_32, %mul3A_2, %dma_wait3A_191] : memref<2x2560x128xi32, #tpu.memory_space<hbm>> -> memref<1x40x128xi32, #tpu.memory_space<hbm>>
      %dma_wait3A_193 = tpu.memref_squeeze %dma_wait3A_192 : memref<1x40x128xi32, #tpu.memory_space<hbm>> -> memref<40x128xi32, #tpu.memory_space<hbm>>
      %dma_wait3A_194 = arith.constant 0 : i32
      %dma_wait3A_195 = tpu.memref_slice %arg3[%run_scoped3A_32, %mul3A_2, %dma_wait3A_194] : memref<2x2560x128xi32, #tpu.memory_space<hbm>> -> memref<1x40x128xi32, #tpu.memory_space<hbm>>
      %dma_wait3A_196 = tpu.memref_squeeze %dma_wait3A_195 : memref<1x40x128xi32, #tpu.memory_space<hbm>> -> memref<40x128xi32, #tpu.memory_space<hbm>>
      tpu.wait_dma2 semaphore(%run_scoped3A_184 : memref<!tpu.dma_semaphore, #tpu.memory_space<semaphore_mem>>) src(%dma_wait3A_196 : memref<40x128xi32, #tpu.memory_space<hbm>>) dst(%arg7 : memref<40x128xi32, #tpu.memory_space<vmem>>)
      tpu.yield
    }) : () -> ()
    %dma_start3A_33 = arith.constant 0 : i32
    %dma_start3A_34 = arith.constant 0 : i32
    %dma_start3A_35 = tpu.memref_slice %arg6[%dma_start3A_33, %dma_start3A_34] : memref<40x128xi32, #tpu.memory_space<vmem>> -> memref<1x128xi32, #tpu.memory_space<vmem>>
    %dma_start3A_36 = tpu.memref_squeeze %dma_start3A_35 : memref<1x128xi32, #tpu.memory_space<vmem>> -> memref<128xi32, #tpu.memory_space<vmem>>
    %dma_start3A_37 = arith.constant 0 : i32
    %dma_start3A_38 = arith.constant 0 : i32
    %dma_start3A_39 = tpu.memref_slice %arg2[%dma_start3A_37, %dma_start3A_38] : memref<10000x128xf32, #tpu.memory_space<hbm>> -> memref<10000x128xf32, #tpu.memory_space<hbm>>
    tpu.enqueue_indirect_dma source(%dma_start3A_39 : memref<10000x128xf32, #tpu.memory_space<hbm>>) target(%arg8 : memref<128x128xf32, #tpu.memory_space<vmem>>) offsets(%dma_start3A_36 : memref<128xi32, #tpu.memory_space<vmem>>) semaphore(%arg11 : memref<!tpu.dma_semaphore, #tpu.memory_space<semaphore_mem>>)
    %mul3A_40 = arith.constant 640 : i32
    %mul3A_41 = arith.muli %arg1, %mul3A_40 : i32
    %add3A_42 = arith.constant 0 : i32
    %add3A_43 = arith.addi %mul3A_41, %add3A_42 : i32
    %dma_wait3A = arith.constant 0 : i32
    %dma_wait3A_44 = tpu.memref_slice %arg10[%add3A_43, %dma_wait3A] : memref<10240x128xf32, #tpu.memory_space<vmem_shared>> -> memref<128x128xf32, #tpu.memory_space<vmem_shared>>
    tpu.wait_dma2 semaphore(%arg13 : memref<!tpu.dma_semaphore, #tpu.memory_space<semaphore_mem>>) src(%arg4 : memref<128x128xf32, #tpu.memory_space<hbm>>) dst(%dma_wait3A_44 : memref<128x128xf32, #tpu.memory_space<vmem_shared>>)
    %mul3A_45 = arith.constant 640 : i32
    %mul3A_46 = arith.muli %arg1, %mul3A_45 : i32
    %add3A_47 = arith.constant 128 : i32
    %add3A_48 = arith.addi %mul3A_46, %add3A_47 : i32
    %dma_wait3A_49 = arith.constant 0 : i32
    %dma_wait3A_50 = tpu.memref_slice %arg10[%add3A_48, %dma_wait3A_49] : memref<10240x128xf32, #tpu.memory_space<vmem_shared>> -> memref<128x128xf32, #tpu.memory_space<vmem_shared>>
    tpu.wait_dma2 semaphore(%arg13 : memref<!tpu.dma_semaphore, #tpu.memory_space<semaphore_mem>>) src(%arg4 : memref<128x128xf32, #tpu.memory_space<hbm>>) dst(%dma_wait3A_50 : memref<128x128xf32, #tpu.memory_space<vmem_shared>>)
    %mul3A_51 = arith.constant 640 : i32
    %mul3A_52 = arith.muli %arg1, %mul3A_51 : i32
    %add3A_53 = arith.constant 256 : i32
    %add3A_54 = arith.addi %mul3A_52, %add3A_53 : i32
    %dma_wait3A_55 = arith.constant 0 : i32
    %dma_wait3A_56 = tpu.memref_slice %arg10[%add3A_54, %dma_wait3A_55] : memref<10240x128xf32, #tpu.memory_space<vmem_shared>> -> memref<128x128xf32, #tpu.memory_space<vmem_shared>>
    tpu.wait_dma2 semaphore(%arg13 : memref<!tpu.dma_semaphore, #tpu.memory_space<semaphore_mem>>) src(%arg4 : memref<128x128xf32, #tpu.memory_space<hbm>>) dst(%dma_wait3A_56 : memref<128x128xf32, #tpu.memory_space<vmem_shared>>)
    %mul3A_57 = arith.constant 640 : i32
    %mul3A_58 = arith.muli %arg1, %mul3A_57 : i32
    %add3A_59 = arith.constant 384 : i32
    %add3A_60 = arith.addi %mul3A_58, %add3A_59 : i32
    %dma_wait3A_61 = arith.constant 0 : i32
    %dma_wait3A_62 = tpu.memref_slice %arg10[%add3A_60, %dma_wait3A_61] : memref<10240x128xf32, #tpu.memory_space<vmem_shared>> -> memref<128x128xf32, #tpu.memory_space<vmem_shared>>
    tpu.wait_dma2 semaphore(%arg13 : memref<!tpu.dma_semaphore, #tpu.memory_space<semaphore_mem>>) src(%arg4 : memref<128x128xf32, #tpu.memory_space<hbm>>) dst(%dma_wait3A_62 : memref<128x128xf32, #tpu.memory_space<vmem_shared>>)
    %mul3A_63 = arith.constant 640 : i32
    %mul3A_64 = arith.muli %arg1, %mul3A_63 : i32
    %add3A_65 = arith.constant 512 : i32
    %add3A_66 = arith.addi %mul3A_64, %add3A_65 : i32
    %dma_wait3A_67 = arith.constant 0 : i32
    %dma_wait3A_68 = tpu.memref_slice %arg10[%add3A_66, %dma_wait3A_67] : memref<10240x128xf32, #tpu.memory_space<vmem_shared>> -> memref<128x128xf32, #tpu.memory_space<vmem_shared>>
    tpu.wait_dma2 semaphore(%arg13 : memref<!tpu.dma_semaphore, #tpu.memory_space<semaphore_mem>>) src(%arg4 : memref<128x128xf32, #tpu.memory_space<hbm>>) dst(%dma_wait3A_68 : memref<128x128xf32, #tpu.memory_space<vmem_shared>>)
    %barrier3A = arith.constant 0 : index
    tpu.barrier barrier_id(%barrier3A)
    %scan3A = arith.constant 0 : i32
    %scan3A_69 = arith.constant 0 : i32
    %scan3A_70 = arith.constant 20 : i32
    %scan3A_71 = arith.addi %scan3A_69, %scan3A_70 : i32
    %scan3A_72 = arith.constant 1 : i32
    scf.for %scan3A_184 = %scan3A_69 to %scan3A_71 step %scan3A_72  : i32 {
      %mul3A_185 = arith.constant 2 : i32
      %mul3A_186 = arith.muli %mul3A_185, %scan3A_184 : i32
      %add3A_187 = arith.constant 1 : i32
      %add3A_188 = arith.addi %mul3A_186, %add3A_187 : i32
      %dma_start3A_189 = arith.constant 0 : i32
      %dma_start3A_190 = tpu.memref_slice %arg6[%add3A_188, %dma_start3A_189] : memref<40x128xi32, #tpu.memory_space<vmem>> -> memref<1x128xi32, #tpu.memory_space<vmem>>
      %dma_start3A_191 = tpu.memref_squeeze %dma_start3A_190 : memref<1x128xi32, #tpu.memory_space<vmem>> -> memref<128xi32, #tpu.memory_space<vmem>>
      %dma_start3A_192 = arith.constant 0 : i32
      %dma_start3A_193 = arith.constant 0 : i32
      %dma_start3A_194 = tpu.memref_slice %arg2[%dma_start3A_192, %dma_start3A_193] : memref<10000x128xf32, #tpu.memory_space<hbm>> -> memref<10000x128xf32, #tpu.memory_space<hbm>>
      tpu.enqueue_indirect_dma source(%dma_start3A_194 : memref<10000x128xf32, #tpu.memory_space<hbm>>) target(%arg9 : memref<128x128xf32, #tpu.memory_space<vmem>>) offsets(%dma_start3A_191 : memref<128xi32, #tpu.memory_space<vmem>>) semaphore(%arg12 : memref<!tpu.dma_semaphore, #tpu.memory_space<semaphore_mem>>)
      %dma_wait3A_195 = arith.constant 0 : i32
      %dma_wait3A_196 = tpu.memref_slice %arg6[%mul3A_186, %dma_wait3A_195] : memref<40x128xi32, #tpu.memory_space<vmem>> -> memref<1x128xi32, #tpu.memory_space<vmem>>
      %dma_wait3A_197 = tpu.memref_squeeze %dma_wait3A_196 : memref<1x128xi32, #tpu.memory_space<vmem>> -> memref<128xi32, #tpu.memory_space<vmem>>
      %dma_wait3A_198 = arith.constant 0 : i32
      %dma_wait3A_199 = arith.constant 0 : i32
      %dma_wait3A_200 = tpu.memref_slice %arg2[%dma_wait3A_198, %dma_wait3A_199] : memref<10000x128xf32, #tpu.memory_space<hbm>> -> memref<10000x128xf32, #tpu.memory_space<hbm>>
      tpu.wait_indirect_dma semaphore(%arg11 : memref<!tpu.dma_semaphore, #tpu.memory_space<semaphore_mem>>) src(%dma_wait3A_200 : memref<10000x128xf32, #tpu.memory_space<hbm>>) dst(%arg8 : memref<128x128xf32, #tpu.memory_space<vmem>>)
      "tpu.region"() ({
        %run_scoped3A_213 = tpu.sem_alloc : memref<!tpu.dma_semaphore, #tpu.memory_space<semaphore_mem>>
        %dma_start3A_214 = arith.constant 0 : i32
        %dma_start3A_215 = tpu.memref_slice %arg7[%mul3A_186, %dma_start3A_214] : memref<40x128xi32, #tpu.memory_space<vmem>> -> memref<1x128xi32, #tpu.memory_space<vmem>>
        %dma_start3A_216 = tpu.memref_squeeze %dma_start3A_215 : memref<1x128xi32, #tpu.memory_space<vmem>> -> memref<128xi32, #tpu.memory_space<vmem>>
        %dma_start3A_217 = arith.constant 0 : i32
        %dma_start3A_218 = arith.constant 0 : i32
        %dma_start3A_219 = tpu.memref_slice %arg10[%dma_start3A_217, %dma_start3A_218] : memref<10240x128xf32, #tpu.memory_space<vmem_shared>> -> memref<10240x128xf32, #tpu.memory_space<vmem_shared>>
        tpu.enqueue_indirect_dma source(%arg8 : memref<128x128xf32, #tpu.memory_space<vmem>>) target(%dma_start3A_219 : memref<10240x128xf32, #tpu.memory_space<vmem_shared>>) offsets(%dma_start3A_216 : memref<128xi32, #tpu.memory_space<vmem>>) semaphore(%run_scoped3A_213 : memref<!tpu.dma_semaphore, #tpu.memory_space<semaphore_mem>>) {add = true}
        %dma_wait3A_220 = arith.constant 0 : i32
        %dma_wait3A_221 = tpu.memref_slice %arg7[%mul3A_186, %dma_wait3A_220] : memref<40x128xi32, #tpu.memory_space<vmem>> -> memref<1x128xi32, #tpu.memory_space<vmem>>
        %dma_wait3A_222 = tpu.memref_squeeze %dma_wait3A_221 : memref<1x128xi32, #tpu.memory_space<vmem>> -> memref<128xi32, #tpu.memory_space<vmem>>
        %dma_wait3A_223 = arith.constant 0 : i32
        %dma_wait3A_224 = arith.constant 0 : i32
        %dma_wait3A_225 = tpu.memref_slice %arg10[%dma_wait3A_223, %dma_wait3A_224] : memref<10240x128xf32, #tpu.memory_space<vmem_shared>> -> memref<10240x128xf32, #tpu.memory_space<vmem_shared>>
        tpu.wait_indirect_dma semaphore(%run_scoped3A_213 : memref<!tpu.dma_semaphore, #tpu.memory_space<semaphore_mem>>) src(%arg8 : memref<128x128xf32, #tpu.memory_space<vmem>>) dst(%dma_wait3A_225 : memref<10240x128xf32, #tpu.memory_space<vmem_shared>>)
        tpu.yield
      }) : () -> ()
      %add3A_201 = arith.constant 2 : i32
      %add3A_202 = arith.addi %mul3A_186, %add3A_201 : i32
      %lt3A = arith.constant 40 : i32
      %lt3A_203 = arith.cmpi slt, %add3A_202, %lt3A : i32
      %convert_element_type3A = arith.extui %lt3A_203 : i1 to i32
      %cond3A = arith.constant 0 : i32
      %cond3A_204 = arith.cmpi ne, %convert_element_type3A, %cond3A : i32
      scf.if %cond3A_204 {
        %add3A_213 = arith.constant 2 : i32
        %add3A_214 = arith.addi %mul3A_186, %add3A_213 : i32
        %dma_start3A_215 = arith.constant 0 : i32
        %dma_start3A_216 = tpu.memref_slice %arg6[%add3A_214, %dma_start3A_215] : memref<40x128xi32, #tpu.memory_space<vmem>> -> memref<1x128xi32, #tpu.memory_space<vmem>>
        %dma_start3A_217 = tpu.memref_squeeze %dma_start3A_216 : memref<1x128xi32, #tpu.memory_space<vmem>> -> memref<128xi32, #tpu.memory_space<vmem>>
        %dma_start3A_218 = arith.constant 0 : i32
        %dma_start3A_219 = arith.constant 0 : i32
        %dma_start3A_220 = tpu.memref_slice %arg2[%dma_start3A_218, %dma_start3A_219] : memref<10000x128xf32, #tpu.memory_space<hbm>> -> memref<10000x128xf32, #tpu.memory_space<hbm>>
        tpu.enqueue_indirect_dma source(%dma_start3A_220 : memref<10000x128xf32, #tpu.memory_space<hbm>>) target(%arg8 : memref<128x128xf32, #tpu.memory_space<vmem>>) offsets(%dma_start3A_217 : memref<128xi32, #tpu.memory_space<vmem>>) semaphore(%arg11 : memref<!tpu.dma_semaphore, #tpu.memory_space<semaphore_mem>>)
      } else {
      }
      %dma_wait3A_205 = arith.constant 0 : i32
      %dma_wait3A_206 = tpu.memref_slice %arg6[%add3A_188, %dma_wait3A_205] : memref<40x128xi32, #tpu.memory_space<vmem>> -> memref<1x128xi32, #tpu.memory_space<vmem>>
      %dma_wait3A_207 = tpu.memref_squeeze %dma_wait3A_206 : memref<1x128xi32, #tpu.memory_space<vmem>> -> memref<128xi32, #tpu.memory_space<vmem>>
      %dma_wait3A_208 = arith.constant 0 : i32
      %dma_wait3A_209 = arith.constant 0 : i32
      %dma_wait3A_210 = tpu.memref_slice %arg2[%dma_wait3A_208, %dma_wait3A_209] : memref<10000x128xf32, #tpu.memory_space<hbm>> -> memref<10000x128xf32, #tpu.memory_space<hbm>>
      tpu.wait_indirect_dma semaphore(%arg12 : memref<!tpu.dma_semaphore, #tpu.memory_space<semaphore_mem>>) src(%dma_wait3A_210 : memref<10000x128xf32, #tpu.memory_space<hbm>>) dst(%arg9 : memref<128x128xf32, #tpu.memory_space<vmem>>)
      %add3A_211 = arith.constant 1 : i32
      %add3A_212 = arith.addi %mul3A_186, %add3A_211 : i32
      "tpu.region"() ({
        %run_scoped3A_213 = tpu.sem_alloc : memref<!tpu.dma_semaphore, #tpu.memory_space<semaphore_mem>>
        %dma_start3A_214 = arith.constant 0 : i32
        %dma_start3A_215 = tpu.memref_slice %arg7[%add3A_212, %dma_start3A_214] : memref<40x128xi32, #tpu.memory_space<vmem>> -> memref<1x128xi32, #tpu.memory_space<vmem>>
        %dma_start3A_216 = tpu.memref_squeeze %dma_start3A_215 : memref<1x128xi32, #tpu.memory_space<vmem>> -> memref<128xi32, #tpu.memory_space<vmem>>
        %dma_start3A_217 = arith.constant 0 : i32
        %dma_start3A_218 = arith.constant 0 : i32
        %dma_start3A_219 = tpu.memref_slice %arg10[%dma_start3A_217, %dma_start3A_218] : memref<10240x128xf32, #tpu.memory_space<vmem_shared>> -> memref<10240x128xf32, #tpu.memory_space<vmem_shared>>
        tpu.enqueue_indirect_dma source(%arg9 : memref<128x128xf32, #tpu.memory_space<vmem>>) target(%dma_start3A_219 : memref<10240x128xf32, #tpu.memory_space<vmem_shared>>) offsets(%dma_start3A_216 : memref<128xi32, #tpu.memory_space<vmem>>) semaphore(%run_scoped3A_213 : memref<!tpu.dma_semaphore, #tpu.memory_space<semaphore_mem>>) {add = true}
        %dma_wait3A_220 = arith.constant 0 : i32
        %dma_wait3A_221 = tpu.memref_slice %arg7[%add3A_212, %dma_wait3A_220] : memref<40x128xi32, #tpu.memory_space<vmem>> -> memref<1x128xi32, #tpu.memory_space<vmem>>
        %dma_wait3A_222 = tpu.memref_squeeze %dma_wait3A_221 : memref<1x128xi32, #tpu.memory_space<vmem>> -> memref<128xi32, #tpu.memory_space<vmem>>
        %dma_wait3A_223 = arith.constant 0 : i32
        %dma_wait3A_224 = arith.constant 0 : i32
        %dma_wait3A_225 = tpu.memref_slice %arg10[%dma_wait3A_223, %dma_wait3A_224] : memref<10240x128xf32, #tpu.memory_space<vmem_shared>> -> memref<10240x128xf32, #tpu.memory_space<vmem_shared>>
        tpu.wait_indirect_dma semaphore(%run_scoped3A_213 : memref<!tpu.dma_semaphore, #tpu.memory_space<semaphore_mem>>) src(%arg9 : memref<128x128xf32, #tpu.memory_space<vmem>>) dst(%dma_wait3A_225 : memref<10240x128xf32, #tpu.memory_space<vmem_shared>>)
        tpu.yield
      }) : () -> ()
    }
    %scan3A_73 = arith.constant 20 : i32
    %add3A_74 = arith.constant 40 : i32
    %add3A_75 = arith.addi %mul3A_2, %add3A_74 : i32
    %run_scoped3A_76 = arith.constant 0 : i32
    "tpu.region"() ({
      %run_scoped3A_184 = tpu.sem_alloc : memref<!tpu.dma_semaphore, #tpu.memory_space<semaphore_mem>>
      %dma_start3A_185 = arith.constant 0 : i32
      %dma_start3A_186 = tpu.memref_slice %arg3[%run_scoped3A_76, %add3A_75, %dma_start3A_185] : memref<2x2560x128xi32, #tpu.memory_space<hbm>> -> memref<1x40x128xi32, #tpu.memory_space<hbm>>
      %dma_start3A_187 = tpu.memref_squeeze %dma_start3A_186 : memref<1x40x128xi32, #tpu.memory_space<hbm>> -> memref<40x128xi32, #tpu.memory_space<hbm>>
      %dma_start3A_188 = arith.constant 0 : i32
      %dma_start3A_189 = tpu.memref_slice %arg3[%run_scoped3A_76, %add3A_75, %dma_start3A_188] : memref<2x2560x128xi32, #tpu.memory_space<hbm>> -> memref<1x40x128xi32, #tpu.memory_space<hbm>>
      %dma_start3A_190 = tpu.memref_squeeze %dma_start3A_189 : memref<1x40x128xi32, #tpu.memory_space<hbm>> -> memref<40x128xi32, #tpu.memory_space<hbm>>
      tpu.enqueue_dma source(%dma_start3A_190 : memref<40x128xi32, #tpu.memory_space<hbm>>) target(%arg6 : memref<40x128xi32, #tpu.memory_space<vmem>>) target_semaphore(%run_scoped3A_184 : memref<!tpu.dma_semaphore, #tpu.memory_space<semaphore_mem>>)
      %dma_wait3A_191 = arith.constant 0 : i32
      %dma_wait3A_192 = tpu.memref_slice %arg3[%run_scoped3A_76, %add3A_75, %dma_wait3A_191] : memref<2x2560x128xi32, #tpu.memory_space<hbm>> -> memref<1x40x128xi32, #tpu.memory_space<hbm>>
      %dma_wait3A_193 = tpu.memref_squeeze %dma_wait3A_192 : memref<1x40x128xi32, #tpu.memory_space<hbm>> -> memref<40x128xi32, #tpu.memory_space<hbm>>
      %dma_wait3A_194 = arith.constant 0 : i32
      %dma_wait3A_195 = tpu.memref_slice %arg3[%run_scoped3A_76, %add3A_75, %dma_wait3A_194] : memref<2x2560x128xi32, #tpu.memory_space<hbm>> -> memref<1x40x128xi32, #tpu.memory_space<hbm>>
      %dma_wait3A_196 = tpu.memref_squeeze %dma_wait3A_195 : memref<1x40x128xi32, #tpu.memory_space<hbm>> -> memref<40x128xi32, #tpu.memory_space<hbm>>
      tpu.wait_dma2 semaphore(%run_scoped3A_184 : memref<!tpu.dma_semaphore, #tpu.memory_space<semaphore_mem>>) src(%dma_wait3A_196 : memref<40x128xi32, #tpu.memory_space<hbm>>) dst(%arg6 : memref<40x128xi32, #tpu.memory_space<vmem>>)
      tpu.yield
    }) : () -> ()
    %add3A_77 = arith.constant 40 : i32
    %add3A_78 = arith.addi %mul3A_2, %add3A_77 : i32
    %run_scoped3A_79 = arith.constant 1 : i32
    "tpu.region"() ({
      %run_scoped3A_184 = tpu.sem_alloc : memref<!tpu.dma_semaphore, #tpu.memory_space<semaphore_mem>>
      %dma_start3A_185 = arith.constant 0 : i32
      %dma_start3A_186 = tpu.memref_slice %arg3[%run_scoped3A_79, %add3A_78, %dma_start3A_185] : memref<2x2560x128xi32, #tpu.memory_space<hbm>> -> memref<1x40x128xi32, #tpu.memory_space<hbm>>
      %dma_start3A_187 = tpu.memref_squeeze %dma_start3A_186 : memref<1x40x128xi32, #tpu.memory_space<hbm>> -> memref<40x128xi32, #tpu.memory_space<hbm>>
      %dma_start3A_188 = arith.constant 0 : i32
      %dma_start3A_189 = tpu.memref_slice %arg3[%run_scoped3A_79, %add3A_78, %dma_start3A_188] : memref<2x2560x128xi32, #tpu.memory_space<hbm>> -> memref<1x40x128xi32, #tpu.memory_space<hbm>>
      %dma_start3A_190 = tpu.memref_squeeze %dma_start3A_189 : memref<1x40x128xi32, #tpu.memory_space<hbm>> -> memref<40x128xi32, #tpu.memory_space<hbm>>
      tpu.enqueue_dma source(%dma_start3A_190 : memref<40x128xi32, #tpu.memory_space<hbm>>) target(%arg7 : memref<40x128xi32, #tpu.memory_space<vmem>>) target_semaphore(%run_scoped3A_184 : memref<!tpu.dma_semaphore, #tpu.memory_space<semaphore_mem>>)
      %dma_wait3A_191 = arith.constant 0 : i32
      %dma_wait3A_192 = tpu.memref_slice %arg3[%run_scoped3A_79, %add3A_78, %dma_wait3A_191] : memref<2x2560x128xi32, #tpu.memory_space<hbm>> -> memref<1x40x128xi32, #tpu.memory_space<hbm>>
      %dma_wait3A_193 = tpu.memref_squeeze %dma_wait3A_192 : memref<1x40x128xi32, #tpu.memory_space<hbm>> -> memref<40x128xi32, #tpu.memory_space<hbm>>
      %dma_wait3A_194 = arith.constant 0 : i32
      %dma_wait3A_195 = tpu.memref_slice %arg3[%run_scoped3A_79, %add3A_78, %dma_wait3A_194] : memref<2x2560x128xi32, #tpu.memory_space<hbm>> -> memref<1x40x128xi32, #tpu.memory_space<hbm>>
      %dma_wait3A_196 = tpu.memref_squeeze %dma_wait3A_195 : memref<1x40x128xi32, #tpu.memory_space<hbm>> -> memref<40x128xi32, #tpu.memory_space<hbm>>
      tpu.wait_dma2 semaphore(%run_scoped3A_184 : memref<!tpu.dma_semaphore, #tpu.memory_space<semaphore_mem>>) src(%dma_wait3A_196 : memref<40x128xi32, #tpu.memory_space<hbm>>) dst(%arg7 : memref<40x128xi32, #tpu.memory_space<vmem>>)
      tpu.yield
    }) : () -> ()
    %dma_start3A_80 = arith.constant 0 : i32
    %dma_start3A_81 = arith.constant 0 : i32
    %dma_start3A_82 = tpu.memref_slice %arg6[%dma_start3A_80, %dma_start3A_81] : memref<40x128xi32, #tpu.memory_space<vmem>> -> memref<1x128xi32, #tpu.memory_space<vmem>>
    %dma_start3A_83 = tpu.memref_squeeze %dma_start3A_82 : memref<1x128xi32, #tpu.memory_space<vmem>> -> memref<128xi32, #tpu.memory_space<vmem>>
    %dma_start3A_84 = arith.constant 0 : i32
    %dma_start3A_85 = arith.constant 0 : i32
    %dma_start3A_86 = tpu.memref_slice %arg2[%dma_start3A_84, %dma_start3A_85] : memref<10000x128xf32, #tpu.memory_space<hbm>> -> memref<10000x128xf32, #tpu.memory_space<hbm>>
    tpu.enqueue_indirect_dma source(%dma_start3A_86 : memref<10000x128xf32, #tpu.memory_space<hbm>>) target(%arg8 : memref<128x128xf32, #tpu.memory_space<vmem>>) offsets(%dma_start3A_83 : memref<128xi32, #tpu.memory_space<vmem>>) semaphore(%arg11 : memref<!tpu.dma_semaphore, #tpu.memory_space<semaphore_mem>>)
    %scan3A_87 = arith.constant 0 : i32
    %scan3A_88 = arith.constant 0 : i32
    %scan3A_89 = arith.constant 20 : i32
    %scan3A_90 = arith.addi %scan3A_88, %scan3A_89 : i32
    %scan3A_91 = arith.constant 1 : i32
    scf.for %scan3A_184 = %scan3A_88 to %scan3A_90 step %scan3A_91  : i32 {
      %mul3A_185 = arith.constant 2 : i32
      %mul3A_186 = arith.muli %mul3A_185, %scan3A_184 : i32
      %add3A_187 = arith.constant 1 : i32
      %add3A_188 = arith.addi %mul3A_186, %add3A_187 : i32
      %dma_start3A_189 = arith.constant 0 : i32
      %dma_start3A_190 = tpu.memref_slice %arg6[%add3A_188, %dma_start3A_189] : memref<40x128xi32, #tpu.memory_space<vmem>> -> memref<1x128xi32, #tpu.memory_space<vmem>>
      %dma_start3A_191 = tpu.memref_squeeze %dma_start3A_190 : memref<1x128xi32, #tpu.memory_space<vmem>> -> memref<128xi32, #tpu.memory_space<vmem>>
      %dma_start3A_192 = arith.constant 0 : i32
      %dma_start3A_193 = arith.constant 0 : i32
      %dma_start3A_194 = tpu.memref_slice %arg2[%dma_start3A_192, %dma_start3A_193] : memref<10000x128xf32, #tpu.memory_space<hbm>> -> memref<10000x128xf32, #tpu.memory_space<hbm>>
      tpu.enqueue_indirect_dma source(%dma_start3A_194 : memref<10000x128xf32, #tpu.memory_space<hbm>>) target(%arg9 : memref<128x128xf32, #tpu.memory_space<vmem>>) offsets(%dma_start3A_191 : memref<128xi32, #tpu.memory_space<vmem>>) semaphore(%arg12 : memref<!tpu.dma_semaphore, #tpu.memory_space<semaphore_mem>>)
      %dma_wait3A_195 = arith.constant 0 : i32
      %dma_wait3A_196 = tpu.memref_slice %arg6[%mul3A_186, %dma_wait3A_195] : memref<40x128xi32, #tpu.memory_space<vmem>> -> memref<1x128xi32, #tpu.memory_space<vmem>>
      %dma_wait3A_197 = tpu.memref_squeeze %dma_wait3A_196 : memref<1x128xi32, #tpu.memory_space<vmem>> -> memref<128xi32, #tpu.memory_space<vmem>>
      %dma_wait3A_198 = arith.constant 0 : i32
      %dma_wait3A_199 = arith.constant 0 : i32
      %dma_wait3A_200 = tpu.memref_slice %arg2[%dma_wait3A_198, %dma_wait3A_199] : memref<10000x128xf32, #tpu.memory_space<hbm>> -> memref<10000x128xf32, #tpu.memory_space<hbm>>
      tpu.wait_indirect_dma semaphore(%arg11 : memref<!tpu.dma_semaphore, #tpu.memory_space<semaphore_mem>>) src(%dma_wait3A_200 : memref<10000x128xf32, #tpu.memory_space<hbm>>) dst(%arg8 : memref<128x128xf32, #tpu.memory_space<vmem>>)
      "tpu.region"() ({
        %run_scoped3A_213 = tpu.sem_alloc : memref<!tpu.dma_semaphore, #tpu.memory_space<semaphore_mem>>
        %dma_start3A_214 = arith.constant 0 : i32
        %dma_start3A_215 = tpu.memref_slice %arg7[%mul3A_186, %dma_start3A_214] : memref<40x128xi32, #tpu.memory_space<vmem>> -> memref<1x128xi32, #tpu.memory_space<vmem>>
        %dma_start3A_216 = tpu.memref_squeeze %dma_start3A_215 : memref<1x128xi32, #tpu.memory_space<vmem>> -> memref<128xi32, #tpu.memory_space<vmem>>
        %dma_start3A_217 = arith.constant 0 : i32
        %dma_start3A_218 = arith.constant 0 : i32
        %dma_start3A_219 = tpu.memref_slice %arg10[%dma_start3A_217, %dma_start3A_218] : memref<10240x128xf32, #tpu.memory_space<vmem_shared>> -> memref<10240x128xf32, #tpu.memory_space<vmem_shared>>
        tpu.enqueue_indirect_dma source(%arg8 : memref<128x128xf32, #tpu.memory_space<vmem>>) target(%dma_start3A_219 : memref<10240x128xf32, #tpu.memory_space<vmem_shared>>) offsets(%dma_start3A_216 : memref<128xi32, #tpu.memory_space<vmem>>) semaphore(%run_scoped3A_213 : memref<!tpu.dma_semaphore, #tpu.memory_space<semaphore_mem>>) {add = true}
        %dma_wait3A_220 = arith.constant 0 : i32
        %dma_wait3A_221 = tpu.memref_slice %arg7[%mul3A_186, %dma_wait3A_220] : memref<40x128xi32, #tpu.memory_space<vmem>> -> memref<1x128xi32, #tpu.memory_space<vmem>>
        %dma_wait3A_222 = tpu.memref_squeeze %dma_wait3A_221 : memref<1x128xi32, #tpu.memory_space<vmem>> -> memref<128xi32, #tpu.memory_space<vmem>>
        %dma_wait3A_223 = arith.constant 0 : i32
        %dma_wait3A_224 = arith.constant 0 : i32
        %dma_wait3A_225 = tpu.memref_slice %arg10[%dma_wait3A_223, %dma_wait3A_224] : memref<10240x128xf32, #tpu.memory_space<vmem_shared>> -> memref<10240x128xf32, #tpu.memory_space<vmem_shared>>
        tpu.wait_indirect_dma semaphore(%run_scoped3A_213 : memref<!tpu.dma_semaphore, #tpu.memory_space<semaphore_mem>>) src(%arg8 : memref<128x128xf32, #tpu.memory_space<vmem>>) dst(%dma_wait3A_225 : memref<10240x128xf32, #tpu.memory_space<vmem_shared>>)
        tpu.yield
      }) : () -> ()
      %add3A_201 = arith.constant 2 : i32
      %add3A_202 = arith.addi %mul3A_186, %add3A_201 : i32
      %lt3A = arith.constant 40 : i32
      %lt3A_203 = arith.cmpi slt, %add3A_202, %lt3A : i32
      %convert_element_type3A = arith.extui %lt3A_203 : i1 to i32
      %cond3A = arith.constant 0 : i32
      %cond3A_204 = arith.cmpi ne, %convert_element_type3A, %cond3A : i32
      scf.if %cond3A_204 {
        %add3A_213 = arith.constant 2 : i32
        %add3A_214 = arith.addi %mul3A_186, %add3A_213 : i32
        %dma_start3A_215 = arith.constant 0 : i32
        %dma_start3A_216 = tpu.memref_slice %arg6[%add3A_214, %dma_start3A_215] : memref<40x128xi32, #tpu.memory_space<vmem>> -> memref<1x128xi32, #tpu.memory_space<vmem>>
        %dma_start3A_217 = tpu.memref_squeeze %dma_start3A_216 : memref<1x128xi32, #tpu.memory_space<vmem>> -> memref<128xi32, #tpu.memory_space<vmem>>
        %dma_start3A_218 = arith.constant 0 : i32
        %dma_start3A_219 = arith.constant 0 : i32
        %dma_start3A_220 = tpu.memref_slice %arg2[%dma_start3A_218, %dma_start3A_219] : memref<10000x128xf32, #tpu.memory_space<hbm>> -> memref<10000x128xf32, #tpu.memory_space<hbm>>
        tpu.enqueue_indirect_dma source(%dma_start3A_220 : memref<10000x128xf32, #tpu.memory_space<hbm>>) target(%arg8 : memref<128x128xf32, #tpu.memory_space<vmem>>) offsets(%dma_start3A_217 : memref<128xi32, #tpu.memory_space<vmem>>) semaphore(%arg11 : memref<!tpu.dma_semaphore, #tpu.memory_space<semaphore_mem>>)
      } else {
      }
      %dma_wait3A_205 = arith.constant 0 : i32
      %dma_wait3A_206 = tpu.memref_slice %arg6[%add3A_188, %dma_wait3A_205] : memref<40x128xi32, #tpu.memory_space<vmem>> -> memref<1x128xi32, #tpu.memory_space<vmem>>
      %dma_wait3A_207 = tpu.memref_squeeze %dma_wait3A_206 : memref<1x128xi32, #tpu.memory_space<vmem>> -> memref<128xi32, #tpu.memory_space<vmem>>
      %dma_wait3A_208 = arith.constant 0 : i32
      %dma_wait3A_209 = arith.constant 0 : i32
      %dma_wait3A_210 = tpu.memref_slice %arg2[%dma_wait3A_208, %dma_wait3A_209] : memref<10000x128xf32, #tpu.memory_space<hbm>> -> memref<10000x128xf32, #tpu.memory_space<hbm>>
      tpu.wait_indirect_dma semaphore(%arg12 : memref<!tpu.dma_semaphore, #tpu.memory_space<semaphore_mem>>) src(%dma_wait3A_210 : memref<10000x128xf32, #tpu.memory_space<hbm>>) dst(%arg9 : memref<128x128xf32, #tpu.memory_space<vmem>>)
      %add3A_211 = arith.constant 1 : i32
      %add3A_212 = arith.addi %mul3A_186, %add3A_211 : i32
      "tpu.region"() ({
        %run_scoped3A_213 = tpu.sem_alloc : memref<!tpu.dma_semaphore, #tpu.memory_space<semaphore_mem>>
        %dma_start3A_214 = arith.constant 0 : i32
        %dma_start3A_215 = tpu.memref_slice %arg7[%add3A_212, %dma_start3A_214] : memref<40x128xi32, #tpu.memory_space<vmem>> -> memref<1x128xi32, #tpu.memory_space<vmem>>
        %dma_start3A_216 = tpu.memref_squeeze %dma_start3A_215 : memref<1x128xi32, #tpu.memory_space<vmem>> -> memref<128xi32, #tpu.memory_space<vmem>>
        %dma_start3A_217 = arith.constant 0 : i32
        %dma_start3A_218 = arith.constant 0 : i32
        %dma_start3A_219 = tpu.memref_slice %arg10[%dma_start3A_217, %dma_start3A_218] : memref<10240x128xf32, #tpu.memory_space<vmem_shared>> -> memref<10240x128xf32, #tpu.memory_space<vmem_shared>>
        tpu.enqueue_indirect_dma source(%arg9 : memref<128x128xf32, #tpu.memory_space<vmem>>) target(%dma_start3A_219 : memref<10240x128xf32, #tpu.memory_space<vmem_shared>>) offsets(%dma_start3A_216 : memref<128xi32, #tpu.memory_space<vmem>>) semaphore(%run_scoped3A_213 : memref<!tpu.dma_semaphore, #tpu.memory_space<semaphore_mem>>) {add = true}
        %dma_wait3A_220 = arith.constant 0 : i32
        %dma_wait3A_221 = tpu.memref_slice %arg7[%add3A_212, %dma_wait3A_220] : memref<40x128xi32, #tpu.memory_space<vmem>> -> memref<1x128xi32, #tpu.memory_space<vmem>>
        %dma_wait3A_222 = tpu.memref_squeeze %dma_wait3A_221 : memref<1x128xi32, #tpu.memory_space<vmem>> -> memref<128xi32, #tpu.memory_space<vmem>>
        %dma_wait3A_223 = arith.constant 0 : i32
        %dma_wait3A_224 = arith.constant 0 : i32
        %dma_wait3A_225 = tpu.memref_slice %arg10[%dma_wait3A_223, %dma_wait3A_224] : memref<10240x128xf32, #tpu.memory_space<vmem_shared>> -> memref<10240x128xf32, #tpu.memory_space<vmem_shared>>
        tpu.wait_indirect_dma semaphore(%run_scoped3A_213 : memref<!tpu.dma_semaphore, #tpu.memory_space<semaphore_mem>>) src(%arg9 : memref<128x128xf32, #tpu.memory_space<vmem>>) dst(%dma_wait3A_225 : memref<10240x128xf32, #tpu.memory_space<vmem_shared>>)
        tpu.yield
      }) : () -> ()
    }
    %scan3A_92 = arith.constant 20 : i32
    %barrier3A_93 = arith.constant 0 : index
    tpu.barrier barrier_id(%barrier3A_93)
    %mul3A_94 = arith.constant 640 : i32
    %mul3A_95 = arith.muli %arg1, %mul3A_94 : i32
    %add3A_96 = arith.constant 0 : i32
    %add3A_97 = arith.addi %mul3A_95, %add3A_96 : i32
    %dma_start3A_98 = arith.constant 0 : i32
    %dma_start3A_99 = tpu.memref_slice %arg5[%arg0, %add3A_97, %dma_start3A_98] : memref<2x10240x128xf32, #tpu.memory_space<hbm>> -> memref<1x128x128xf32, #tpu.memory_space<hbm>>
    %dma_start3A_100 = tpu.memref_squeeze %dma_start3A_99 : memref<1x128x128xf32, #tpu.memory_space<hbm>> -> memref<128x128xf32, #tpu.memory_space<hbm>>
    %dma_start3A_101 = arith.constant 0 : i32
    %dma_start3A_102 = tpu.memref_slice %arg10[%add3A_97, %dma_start3A_101] : memref<10240x128xf32, #tpu.memory_space<vmem_shared>> -> memref<128x128xf32, #tpu.memory_space<vmem_shared>>
    tpu.enqueue_dma source(%dma_start3A_102 : memref<128x128xf32, #tpu.memory_space<vmem_shared>>) target(%dma_start3A_100 : memref<128x128xf32, #tpu.memory_space<hbm>>) target_semaphore(%arg13 : memref<!tpu.dma_semaphore, #tpu.memory_space<semaphore_mem>>)
    %mul3A_103 = arith.constant 640 : i32
    %mul3A_104 = arith.muli %arg1, %mul3A_103 : i32
    %add3A_105 = arith.constant 128 : i32
    %add3A_106 = arith.addi %mul3A_104, %add3A_105 : i32
    %dma_start3A_107 = arith.constant 0 : i32
    %dma_start3A_108 = tpu.memref_slice %arg5[%arg0, %add3A_106, %dma_start3A_107] : memref<2x10240x128xf32, #tpu.memory_space<hbm>> -> memref<1x128x128xf32, #tpu.memory_space<hbm>>
    %dma_start3A_109 = tpu.memref_squeeze %dma_start3A_108 : memref<1x128x128xf32, #tpu.memory_space<hbm>> -> memref<128x128xf32, #tpu.memory_space<hbm>>
    %dma_start3A_110 = arith.constant 0 : i32
    %dma_start3A_111 = tpu.memref_slice %arg10[%add3A_106, %dma_start3A_110] : memref<10240x128xf32, #tpu.memory_space<vmem_shared>> -> memref<128x128xf32, #tpu.memory_space<vmem_shared>>
    tpu.enqueue_dma source(%dma_start3A_111 : memref<128x128xf32, #tpu.memory_space<vmem_shared>>) target(%dma_start3A_109 : memref<128x128xf32, #tpu.memory_space<hbm>>) target_semaphore(%arg13 : memref<!tpu.dma_semaphore, #tpu.memory_space<semaphore_mem>>)
    %mul3A_112 = arith.constant 640 : i32
    %mul3A_113 = arith.muli %arg1, %mul3A_112 : i32
    %add3A_114 = arith.constant 256 : i32
    %add3A_115 = arith.addi %mul3A_113, %add3A_114 : i32
    %dma_start3A_116 = arith.constant 0 : i32
    %dma_start3A_117 = tpu.memref_slice %arg5[%arg0, %add3A_115, %dma_start3A_116] : memref<2x10240x128xf32, #tpu.memory_space<hbm>> -> memref<1x128x128xf32, #tpu.memory_space<hbm>>
    %dma_start3A_118 = tpu.memref_squeeze %dma_start3A_117 : memref<1x128x128xf32, #tpu.memory_space<hbm>> -> memref<128x128xf32, #tpu.memory_space<hbm>>
    %dma_start3A_119 = arith.constant 0 : i32
    %dma_start3A_120 = tpu.memref_slice %arg10[%add3A_115, %dma_start3A_119] : memref<10240x128xf32, #tpu.memory_space<vmem_shared>> -> memref<128x128xf32, #tpu.memory_space<vmem_shared>>
    tpu.enqueue_dma source(%dma_start3A_120 : memref<128x128xf32, #tpu.memory_space<vmem_shared>>) target(%dma_start3A_118 : memref<128x128xf32, #tpu.memory_space<hbm>>) target_semaphore(%arg13 : memref<!tpu.dma_semaphore, #tpu.memory_space<semaphore_mem>>)
    %mul3A_121 = arith.constant 640 : i32
    %mul3A_122 = arith.muli %arg1, %mul3A_121 : i32
    %add3A_123 = arith.constant 384 : i32
    %add3A_124 = arith.addi %mul3A_122, %add3A_123 : i32
    %dma_start3A_125 = arith.constant 0 : i32
    %dma_start3A_126 = tpu.memref_slice %arg5[%arg0, %add3A_124, %dma_start3A_125] : memref<2x10240x128xf32, #tpu.memory_space<hbm>> -> memref<1x128x128xf32, #tpu.memory_space<hbm>>
    %dma_start3A_127 = tpu.memref_squeeze %dma_start3A_126 : memref<1x128x128xf32, #tpu.memory_space<hbm>> -> memref<128x128xf32, #tpu.memory_space<hbm>>
    %dma_start3A_128 = arith.constant 0 : i32
    %dma_start3A_129 = tpu.memref_slice %arg10[%add3A_124, %dma_start3A_128] : memref<10240x128xf32, #tpu.memory_space<vmem_shared>> -> memref<128x128xf32, #tpu.memory_space<vmem_shared>>
    tpu.enqueue_dma source(%dma_start3A_129 : memref<128x128xf32, #tpu.memory_space<vmem_shared>>) target(%dma_start3A_127 : memref<128x128xf32, #tpu.memory_space<hbm>>) target_semaphore(%arg13 : memref<!tpu.dma_semaphore, #tpu.memory_space<semaphore_mem>>)
    %mul3A_130 = arith.constant 640 : i32
    %mul3A_131 = arith.muli %arg1, %mul3A_130 : i32
    %add3A_132 = arith.constant 512 : i32
    %add3A_133 = arith.addi %mul3A_131, %add3A_132 : i32
    %dma_start3A_134 = arith.constant 0 : i32
    %dma_start3A_135 = tpu.memref_slice %arg5[%arg0, %add3A_133, %dma_start3A_134] : memref<2x10240x128xf32, #tpu.memory_space<hbm>> -> memref<1x128x128xf32, #tpu.memory_space<hbm>>
    %dma_start3A_136 = tpu.memref_squeeze %dma_start3A_135 : memref<1x128x128xf32, #tpu.memory_space<hbm>> -> memref<128x128xf32, #tpu.memory_space<hbm>>
    %dma_start3A_137 = arith.constant 0 : i32
    %dma_start3A_138 = tpu.memref_slice %arg10[%add3A_133, %dma_start3A_137] : memref<10240x128xf32, #tpu.memory_space<vmem_shared>> -> memref<128x128xf32, #tpu.memory_space<vmem_shared>>
    tpu.enqueue_dma source(%dma_start3A_138 : memref<128x128xf32, #tpu.memory_space<vmem_shared>>) target(%dma_start3A_136 : memref<128x128xf32, #tpu.memory_space<hbm>>) target_semaphore(%arg13 : memref<!tpu.dma_semaphore, #tpu.memory_space<semaphore_mem>>)
    %mul3A_139 = arith.constant 640 : i32
    %mul3A_140 = arith.muli %arg1, %mul3A_139 : i32
    %add3A_141 = arith.constant 0 : i32
    %add3A_142 = arith.addi %mul3A_140, %add3A_141 : i32
    %dma_wait3A_143 = arith.constant 0 : i32
    %dma_wait3A_144 = tpu.memref_slice %arg5[%arg0, %add3A_142, %dma_wait3A_143] : memref<2x10240x128xf32, #tpu.memory_space<hbm>> -> memref<1x128x128xf32, #tpu.memory_space<hbm>>
    %dma_wait3A_145 = tpu.memref_squeeze %dma_wait3A_144 : memref<1x128x128xf32, #tpu.memory_space<hbm>> -> memref<128x128xf32, #tpu.memory_space<hbm>>
    %dma_wait3A_146 = arith.constant 0 : i32
    %dma_wait3A_147 = tpu.memref_slice %arg10[%add3A_142, %dma_wait3A_146] : memref<10240x128xf32, #tpu.memory_space<vmem_shared>> -> memref<128x128xf32, #tpu.memory_space<vmem_shared>>
    tpu.wait_dma2 semaphore(%arg13 : memref<!tpu.dma_semaphore, #tpu.memory_space<semaphore_mem>>) src(%dma_wait3A_147 : memref<128x128xf32, #tpu.memory_space<vmem_shared>>) dst(%dma_wait3A_145 : memref<128x128xf32, #tpu.memory_space<hbm>>)
    %mul3A_148 = arith.constant 640 : i32
    %mul3A_149 = arith.muli %arg1, %mul3A_148 : i32
    %add3A_150 = arith.constant 128 : i32
    %add3A_151 = arith.addi %mul3A_149, %add3A_150 : i32
    %dma_wait3A_152 = arith.constant 0 : i32
    %dma_wait3A_153 = tpu.memref_slice %arg5[%arg0, %add3A_151, %dma_wait3A_152] : memref<2x10240x128xf32, #tpu.memory_space<hbm>> -> memref<1x128x128xf32, #tpu.memory_space<hbm>>
    %dma_wait3A_154 = tpu.memref_squeeze %dma_wait3A_153 : memref<1x128x128xf32, #tpu.memory_space<hbm>> -> memref<128x128xf32, #tpu.memory_space<hbm>>
    %dma_wait3A_155 = arith.constant 0 : i32
    %dma_wait3A_156 = tpu.memref_slice %arg10[%add3A_151, %dma_wait3A_155] : memref<10240x128xf32, #tpu.memory_space<vmem_shared>> -> memref<128x128xf32, #tpu.memory_space<vmem_shared>>
    tpu.wait_dma2 semaphore(%arg13 : memref<!tpu.dma_semaphore, #tpu.memory_space<semaphore_mem>>) src(%dma_wait3A_156 : memref<128x128xf32, #tpu.memory_space<vmem_shared>>) dst(%dma_wait3A_154 : memref<128x128xf32, #tpu.memory_space<hbm>>)
    %mul3A_157 = arith.constant 640 : i32
    %mul3A_158 = arith.muli %arg1, %mul3A_157 : i32
    %add3A_159 = arith.constant 256 : i32
    %add3A_160 = arith.addi %mul3A_158, %add3A_159 : i32
    %dma_wait3A_161 = arith.constant 0 : i32
    %dma_wait3A_162 = tpu.memref_slice %arg5[%arg0, %add3A_160, %dma_wait3A_161] : memref<2x10240x128xf32, #tpu.memory_space<hbm>> -> memref<1x128x128xf32, #tpu.memory_space<hbm>>
    %dma_wait3A_163 = tpu.memref_squeeze %dma_wait3A_162 : memref<1x128x128xf32, #tpu.memory_space<hbm>> -> memref<128x128xf32, #tpu.memory_space<hbm>>
    %dma_wait3A_164 = arith.constant 0 : i32
    %dma_wait3A_165 = tpu.memref_slice %arg10[%add3A_160, %dma_wait3A_164] : memref<10240x128xf32, #tpu.memory_space<vmem_shared>> -> memref<128x128xf32, #tpu.memory_space<vmem_shared>>
    tpu.wait_dma2 semaphore(%arg13 : memref<!tpu.dma_semaphore, #tpu.memory_space<semaphore_mem>>) src(%dma_wait3A_165 : memref<128x128xf32, #tpu.memory_space<vmem_shared>>) dst(%dma_wait3A_163 : memref<128x128xf32, #tpu.memory_space<hbm>>)
    %mul3A_166 = arith.constant 640 : i32
    %mul3A_167 = arith.muli %arg1, %mul3A_166 : i32
    %add3A_168 = arith.constant 384 : i32
    %add3A_169 = arith.addi %mul3A_167, %add3A_168 : i32
    %dma_wait3A_170 = arith.constant 0 : i32
    %dma_wait3A_171 = tpu.memref_slice %arg5[%arg0, %add3A_169, %dma_wait3A_170] : memref<2x10240x128xf32, #tpu.memory_space<hbm>> -> memref<1x128x128xf32, #tpu.memory_space<hbm>>
    %dma_wait3A_172 = tpu.memref_squeeze %dma_wait3A_171 : memref<1x128x128xf32, #tpu.memory_space<hbm>> -> memref<128x128xf32, #tpu.memory_space<hbm>>
    %dma_wait3A_173 = arith.constant 0 : i32
    %dma_wait3A_174 = tpu.memref_slice %arg10[%add3A_169, %dma_wait3A_173] : memref<10240x128xf32, #tpu.memory_space<vmem_shared>> -> memref<128x128xf32, #tpu.memory_space<vmem_shared>>
    tpu.wait_dma2 semaphore(%arg13 : memref<!tpu.dma_semaphore, #tpu.memory_space<semaphore_mem>>) src(%dma_wait3A_174 : memref<128x128xf32, #tpu.memory_space<vmem_shared>>) dst(%dma_wait3A_172 : memref<128x128xf32, #tpu.memory_space<hbm>>)
    %mul3A_175 = arith.constant 640 : i32
    %mul3A_176 = arith.muli %arg1, %mul3A_175 : i32
    %add3A_177 = arith.constant 512 : i32
    %add3A_178 = arith.addi %mul3A_176, %add3A_177 : i32
    %dma_wait3A_179 = arith.constant 0 : i32
    %dma_wait3A_180 = tpu.memref_slice %arg5[%arg0, %add3A_178, %dma_wait3A_179] : memref<2x10240x128xf32, #tpu.memory_space<hbm>> -> memref<1x128x128xf32, #tpu.memory_space<hbm>>
    %dma_wait3A_181 = tpu.memref_squeeze %dma_wait3A_180 : memref<1x128x128xf32, #tpu.memory_space<hbm>> -> memref<128x128xf32, #tpu.memory_space<hbm>>
    %dma_wait3A_182 = arith.constant 0 : i32
    %dma_wait3A_183 = tpu.memref_slice %arg10[%add3A_178, %dma_wait3A_182] : memref<10240x128xf32, #tpu.memory_space<vmem_shared>> -> memref<128x128xf32, #tpu.memory_space<vmem_shared>>
    tpu.wait_dma2 semaphore(%arg13 : memref<!tpu.dma_semaphore, #tpu.memory_space<semaphore_mem>>) src(%dma_wait3A_183 : memref<128x128xf32, #tpu.memory_space<vmem_shared>>) dst(%dma_wait3A_181 : memref<128x128xf32, #tpu.memory_space<hbm>>)
    return
  }
}

module attributes {stable_mosaic.version = 14 : i64} {
  func.func @_prep_body(%arg0: i32, %arg1: memref<2x2000x1xf32, #tpu.memory_space<vmem>>, %arg2: memref<2000x128xf32, #tpu.memory_space<vmem>>, %arg3: memref<128x128xf32, #tpu.memory_space<vmem>>, %arg4: memref<2000x1xf32, #tpu.memory_space<vmem>>, %arg5: memref<2000x128xf32, #tpu.memory_space<vmem>>) attributes {dimension_semantics = [#tpu.dimension_semantics<parallel>], iteration_bounds = array<i64: 5>, scalar_prefetch = 0 : i64, scratch_operands = 0 : i64, tpu.core_type = #tpu.core_type<tc>, window_params = [{transform_indices = @transform_0, window_bounds = array<i64: 2, 2000, 1>}, {transform_indices = @transform_1, window_bounds = array<i64: 2000, 128>}, {pipeline_mode = #tpu.pipeline_mode<synchronous>, transform_indices = @transform_2, window_bounds = array<i64: 128, 128>}, {transform_indices = @transform_3, window_bounds = array<i64: 2000, 1>}, {transform_indices = @transform_4, window_bounds = array<i64: 2000, 128>}]} {
    %get3A = arith.constant 0 : index
    %get3A_0 = arith.constant 0 : index
    %get3A_1 = arith.constant 0 : index
    %get3A_2 = vector.load %arg1[%get3A, %get3A_0, %get3A_1] : memref<2x2000x1xf32, #tpu.memory_space<vmem>>, vector<1x2000x1xf32>
    %get3A_3 = vector.shape_cast %get3A_2 : vector<1x2000x1xf32> to vector<2000x1xf32>
    %get3A_4 = arith.constant 1 : index
    %get3A_5 = arith.constant 0 : index
    %get3A_6 = arith.constant 0 : index
    %get3A_7 = vector.load %arg1[%get3A_4, %get3A_5, %get3A_6] : memref<2x2000x1xf32, #tpu.memory_space<vmem>>, vector<1x2000x1xf32>
    %get3A_8 = vector.shape_cast %get3A_7 : vector<1x2000x1xf32> to vector<2000x1xf32>
    %add3A = arith.addf %get3A_3, %get3A_8 : vector<2000x1xf32>
    %add3A_9 = arith.constant 1.000000e+00 : f32
    %add3A_10 = vector.broadcast %add3A_9 : f32 to vector<2000x1xf32>
    %add3A_11 = arith.addf %add3A, %add3A_10 : vector<2000x1xf32>
    %max3A = arith.constant 1.000000e+00 : f32
    %max3A_12 = vector.broadcast %max3A : f32 to vector<2000x1xf32>
    %max3A_13 = arith.maximumf %add3A_11, %max3A_12 : vector<2000x1xf32>
    %rsqrt3A = math.rsqrt %max3A_13 : vector<2000x1xf32>
    %get3A_14 = arith.constant 0 : index
    %get3A_15 = arith.constant 0 : index
    %get3A_16 = vector.load %arg2[%get3A_14, %get3A_15] : memref<2000x128xf32, #tpu.memory_space<vmem>>, vector<2000x128xf32>
    %get3A_17 = arith.constant 0 : index
    %get3A_18 = arith.constant 0 : index
    %get3A_19 = vector.load %arg3[%get3A_17, %get3A_18] : memref<128x128xf32, #tpu.memory_space<vmem>>, vector<128x128xf32>
    %dot_general3A = arith.constant dense<0.000000e+00> : vector<2000x128xf32>
    %dot_general3A_20 = tpu.matmul %get3A_16, %get3A_19, %dot_general3A {dimension_numbers = #tpu.dot_dimension_numbers<[1], [0], [0], [1], [0, 0, 1, 1], [], []>, transpose_lhs_hint = false} : vector<2000x128xf32>, vector<128x128xf32>, vector<2000x128xf32> -> vector<2000x128xf32>
    %swap3A = arith.constant 0 : index
    %swap3A_21 = arith.constant 0 : index
    %swap3A_22 = vector.load %arg4[%swap3A, %swap3A_21] : memref<2000x1xf32, #tpu.memory_space<vmem>>, vector<2000x1xf32>
    tpu.vector_store %arg4[%swap3A, %swap3A_21], %rsqrt3A {strides = array<i32>} : memref<2000x1xf32, #tpu.memory_space<vmem>>, vector<2000x1xf32>,
    %mul3A = vector.broadcast %rsqrt3A : vector<2000x1xf32> to vector<2000x128xf32>
    %mul3A_23 = arith.mulf %dot_general3A_20, %mul3A : vector<2000x128xf32>
    %swap3A_24 = arith.constant 0 : index
    %swap3A_25 = arith.constant 0 : index
    %swap3A_26 = vector.load %arg5[%swap3A_24, %swap3A_25] : memref<2000x128xf32, #tpu.memory_space<vmem>>, vector<2000x128xf32>
    tpu.vector_store %arg5[%swap3A_24, %swap3A_25], %mul3A_23 {strides = array<i32>} : memref<2000x128xf32, #tpu.memory_space<vmem>>, vector<2000x128xf32>,
    return
  }
  func.func @transform_0(%arg0: i32) -> (i32, i32, i32) {
    %c0_i32 = arith.constant 0 : i32
    %c0_i32_0 = arith.constant 0 : i32
    %c0_i32_1 = arith.constant 0 : i32
    return %c0_i32, %arg0, %c0_i32_0 : i32, i32, i32
  }
  func.func @transform_1(%arg0: i32) -> (i32, i32) {
    %c0_i32 = arith.constant 0 : i32
    %c0_i32_0 = arith.constant 0 : i32
    return %arg0, %c0_i32 : i32, i32
  }
  func.func @transform_2(%arg0: i32) -> (i32, i32) {
    %c0_i32 = arith.constant 0 : i32
    %c0_i32_0 = arith.constant 0 : i32
    %c0_i32_1 = arith.constant 0 : i32
    return %c0_i32, %c0_i32_0 : i32, i32
  }
  func.func @transform_3(%arg0: i32) -> (i32, i32) {
    %c0_i32 = arith.constant 0 : i32
    %c0_i32_0 = arith.constant 0 : i32
    return %arg0, %c0_i32 : i32, i32
  }
  func.func @transform_4(%arg0: i32) -> (i32, i32) {
    %c0_i32 = arith.constant 0 : i32
    %c0_i32_0 = arith.constant 0 : i32
    return %arg0, %c0_i32 : i32, i32
  }
}

module attributes {stable_mosaic.version = 14 : i64} {
  func.func @_mid_body(%arg0: i32, %arg1: memref<2x2000x128xf32, #tpu.memory_space<vmem>>, %arg2: memref<2000x128xf32, #tpu.memory_space<vmem>>, %arg3: memref<2000x1xf32, #tpu.memory_space<vmem>>, %arg4: memref<1x128xf32, #tpu.memory_space<vmem>>, %arg5: memref<128x128xf32, #tpu.memory_space<vmem>>, %arg6: memref<2000x128xf32, #tpu.memory_space<vmem>>) attributes {dimension_semantics = [#tpu.dimension_semantics<parallel>], iteration_bounds = array<i64: 5>, scalar_prefetch = 0 : i64, scratch_operands = 0 : i64, tpu.core_type = #tpu.core_type<tc>, window_params = [{transform_indices = @transform_0, window_bounds = array<i64: 2, 2000, 128>}, {transform_indices = @transform_1, window_bounds = array<i64: 2000, 128>}, {transform_indices = @transform_2, window_bounds = array<i64: 2000, 1>}, {pipeline_mode = #tpu.pipeline_mode<synchronous>, transform_indices = @transform_3, window_bounds = array<i64: 1, 128>}, {pipeline_mode = #tpu.pipeline_mode<synchronous>, transform_indices = @transform_4, window_bounds = array<i64: 128, 128>}, {transform_indices = @transform_5, window_bounds = array<i64: 2000, 128>}]} {
    %get3A = arith.constant 0 : index
    %get3A_0 = arith.constant 0 : index
    %get3A_1 = arith.constant 0 : index
    %get3A_2 = vector.load %arg1[%get3A, %get3A_0, %get3A_1] : memref<2x2000x128xf32, #tpu.memory_space<vmem>>, vector<1x2000x128xf32>
    %get3A_3 = vector.shape_cast %get3A_2 : vector<1x2000x128xf32> to vector<2000x128xf32>
    %get3A_4 = arith.constant 1 : index
    %get3A_5 = arith.constant 0 : index
    %get3A_6 = arith.constant 0 : index
    %get3A_7 = vector.load %arg1[%get3A_4, %get3A_5, %get3A_6] : memref<2x2000x128xf32, #tpu.memory_space<vmem>>, vector<1x2000x128xf32>
    %get3A_8 = vector.shape_cast %get3A_7 : vector<1x2000x128xf32> to vector<2000x128xf32>
    %add3A = arith.addf %get3A_3, %get3A_8 : vector<2000x128xf32>
    %get3A_9 = arith.constant 0 : index
    %get3A_10 = arith.constant 0 : index
    %get3A_11 = vector.load %arg2[%get3A_9, %get3A_10] : memref<2000x128xf32, #tpu.memory_space<vmem>>, vector<2000x128xf32>
    %add3A_12 = arith.addf %add3A, %get3A_11 : vector<2000x128xf32>
    %get3A_13 = arith.constant 0 : index
    %get3A_14 = arith.constant 0 : index
    %get3A_15 = vector.load %arg3[%get3A_13, %get3A_14] : memref<2000x1xf32, #tpu.memory_space<vmem>>, vector<2000x1xf32>
    %mul3A = vector.broadcast %get3A_15 : vector<2000x1xf32> to vector<2000x128xf32>
    %mul3A_16 = arith.mulf %mul3A, %add3A_12 : vector<2000x128xf32>
    %get3A_17 = arith.constant 0 : index
    %get3A_18 = arith.constant 0 : index
    %get3A_19 = vector.load %arg4[%get3A_17, %get3A_18] : memref<1x128xf32, #tpu.memory_space<vmem>>, vector<1x128xf32>
    %add3A_20 = vector.broadcast %get3A_19 : vector<1x128xf32> to vector<2000x128xf32>
    %add3A_21 = arith.addf %mul3A_16, %add3A_20 : vector<2000x128xf32>
    %max3A = arith.constant 0.000000e+00 : f32
    %max3A_22 = vector.broadcast %max3A : f32 to vector<2000x128xf32>
    %max3A_23 = arith.maximumf %add3A_21, %max3A_22 : vector<2000x128xf32>
    %get3A_24 = arith.constant 0 : index
    %get3A_25 = arith.constant 0 : index
    %get3A_26 = vector.load %arg3[%get3A_24, %get3A_25] : memref<2000x1xf32, #tpu.memory_space<vmem>>, vector<2000x1xf32>
    %get3A_27 = arith.constant 0 : index
    %get3A_28 = arith.constant 0 : index
    %get3A_29 = vector.load %arg5[%get3A_27, %get3A_28] : memref<128x128xf32, #tpu.memory_space<vmem>>, vector<128x128xf32>
    %dot_general3A = arith.constant dense<0.000000e+00> : vector<2000x128xf32>
    %dot_general3A_30 = tpu.matmul %max3A_23, %get3A_29, %dot_general3A {dimension_numbers = #tpu.dot_dimension_numbers<[1], [0], [0], [1], [0, 0, 1, 1], [], []>, transpose_lhs_hint = false} : vector<2000x128xf32>, vector<128x128xf32>, vector<2000x128xf32> -> vector<2000x128xf32>
    %mul3A_31 = vector.broadcast %get3A_26 : vector<2000x1xf32> to vector<2000x128xf32>
    %mul3A_32 = arith.mulf %mul3A_31, %dot_general3A_30 : vector<2000x128xf32>
    %swap3A = arith.constant 0 : index
    %swap3A_33 = arith.constant 0 : index
    %swap3A_34 = vector.load %arg6[%swap3A, %swap3A_33] : memref<2000x128xf32, #tpu.memory_space<vmem>>, vector<2000x128xf32>
    tpu.vector_store %arg6[%swap3A, %swap3A_33], %mul3A_32 {strides = array<i32>} : memref<2000x128xf32, #tpu.memory_space<vmem>>, vector<2000x128xf32>,
    return
  }
  func.func @transform_0(%arg0: i32) -> (i32, i32, i32) {
    %c0_i32 = arith.constant 0 : i32
    %c0_i32_0 = arith.constant 0 : i32
    %c0_i32_1 = arith.constant 0 : i32
    return %c0_i32, %arg0, %c0_i32_0 : i32, i32, i32
  }
  func.func @transform_1(%arg0: i32) -> (i32, i32) {
    %c0_i32 = arith.constant 0 : i32
    %c0_i32_0 = arith.constant 0 : i32
    return %arg0, %c0_i32 : i32, i32
  }
  func.func @transform_2(%arg0: i32) -> (i32, i32) {
    %c0_i32 = arith.constant 0 : i32
    %c0_i32_0 = arith.constant 0 : i32
    return %arg0, %c0_i32 : i32, i32
  }
  func.func @transform_3(%arg0: i32) -> (i32, i32) {
    %c0_i32 = arith.constant 0 : i32
    %c0_i32_0 = arith.constant 0 : i32
    %c0_i32_1 = arith.constant 0 : i32
    return %c0_i32, %c0_i32_0 : i32, i32
  }
  func.func @transform_4(%arg0: i32) -> (i32, i32) {
    %c0_i32 = arith.constant 0 : i32
    %c0_i32_0 = arith.constant 0 : i32
    %c0_i32_1 = arith.constant 0 : i32
    return %c0_i32, %c0_i32_0 : i32, i32
  }
  func.func @transform_5(%arg0: i32) -> (i32, i32) {
    %c0_i32 = arith.constant 0 : i32
    %c0_i32_0 = arith.constant 0 : i32
    return %arg0, %c0_i32 : i32, i32
  }
}

module attributes {stable_mosaic.version = 14 : i64} {
  func.func @_pool_body(%arg0: i32, %arg1: memref<2x2000x128xf32, #tpu.memory_space<vmem>>, %arg2: memref<2000x128xf32, #tpu.memory_space<vmem>>, %arg3: memref<2000x1xf32, #tpu.memory_space<vmem>>, %arg4: memref<1x128xf32, #tpu.memory_space<vmem>>, %arg5: memref<2000x1xi32, #tpu.memory_space<vmem>>, %arg6: memref<64x128xf32, #tpu.memory_space<vmem>>, %arg7: memref<64x128xf32, #tpu.memory_space<vmem>>, %arg8: memref<64x128xf32, #tpu.memory_space<vmem>>) attributes {dimension_semantics = [#tpu.dimension_semantics<arbitrary>], iteration_bounds = array<i64: 5>, scalar_prefetch = 0 : i64, scratch_operands = 2 : i64, tpu.core_type = #tpu.core_type<tc>, window_params = [{transform_indices = @transform_0, window_bounds = array<i64: 2, 2000, 128>}, {transform_indices = @transform_1, window_bounds = array<i64: 2000, 128>}, {transform_indices = @transform_2, window_bounds = array<i64: 2000, 1>}, {pipeline_mode = #tpu.pipeline_mode<synchronous>, transform_indices = @transform_3, window_bounds = array<i64: 1, 128>}, {transform_indices = @transform_4, window_bounds = array<i64: 2000, 1>}, {pipeline_mode = #tpu.pipeline_mode<synchronous>, transform_indices = @transform_5, window_bounds = array<i64: 64, 128>}]} {
    %get3A = arith.constant 0 : index
    %get3A_0 = arith.constant 0 : index
    %get3A_1 = arith.constant 0 : index
    %get3A_2 = vector.load %arg1[%get3A, %get3A_0, %get3A_1] : memref<2x2000x128xf32, #tpu.memory_space<vmem>>, vector<1x2000x128xf32>
    %get3A_3 = vector.shape_cast %get3A_2 : vector<1x2000x128xf32> to vector<2000x128xf32>
    %get3A_4 = arith.constant 1 : index
    %get3A_5 = arith.constant 0 : index
    %get3A_6 = arith.constant 0 : index
    %get3A_7 = vector.load %arg1[%get3A_4, %get3A_5, %get3A_6] : memref<2x2000x128xf32, #tpu.memory_space<vmem>>, vector<1x2000x128xf32>
    %get3A_8 = vector.shape_cast %get3A_7 : vector<1x2000x128xf32> to vector<2000x128xf32>
    %add3A = arith.addf %get3A_3, %get3A_8 : vector<2000x128xf32>
    %get3A_9 = arith.constant 0 : index
    %get3A_10 = arith.constant 0 : index
    %get3A_11 = vector.load %arg2[%get3A_9, %get3A_10] : memref<2000x128xf32, #tpu.memory_space<vmem>>, vector<2000x128xf32>
    %add3A_12 = arith.addf %add3A, %get3A_11 : vector<2000x128xf32>
    %get3A_13 = arith.constant 0 : index
    %get3A_14 = arith.constant 0 : index
    %get3A_15 = vector.load %arg3[%get3A_13, %get3A_14] : memref<2000x1xf32, #tpu.memory_space<vmem>>, vector<2000x1xf32>
    %mul3A = vector.broadcast %get3A_15 : vector<2000x1xf32> to vector<2000x128xf32>
    %mul3A_16 = arith.mulf %mul3A, %add3A_12 : vector<2000x128xf32>
    %get3A_17 = arith.constant 0 : index
    %get3A_18 = arith.constant 0 : index
    %get3A_19 = vector.load %arg4[%get3A_17, %get3A_18] : memref<1x128xf32, #tpu.memory_space<vmem>>, vector<1x128xf32>
    %add3A_20 = vector.broadcast %get3A_19 : vector<1x128xf32> to vector<2000x128xf32>
    %add3A_21 = arith.addf %mul3A_16, %add3A_20 : vector<2000x128xf32>
    %max3A = arith.constant 0.000000e+00 : f32
    %max3A_22 = vector.broadcast %max3A : f32 to vector<2000x128xf32>
    %max3A_23 = arith.maximumf %add3A_21, %max3A_22 : vector<2000x128xf32>
    %get3A_24 = arith.constant 0 : index
    %get3A_25 = arith.constant 0 : index
    %get3A_26 = vector.load %arg5[%get3A_24, %get3A_25] : memref<2000x1xi32, #tpu.memory_space<vmem>>, vector<2000x1xi32>
    %iota3A = tpu.iota {dimensions = array<i32: 1>} : vector<1x64xi32>
    %eq3A = vector.broadcast %get3A_26 : vector<2000x1xi32> to vector<2000x64xi32>
    %eq3A_27 = vector.broadcast %iota3A : vector<1x64xi32> to vector<2000x64xi32>
    %eq3A_28 = arith.cmpi eq, %eq3A, %eq3A_27 : vector<2000x64xi32>
    %convert_element_type3A = arith.extui %eq3A_28 : vector<2000x64xi1> to vector<2000x64xi32>
    %convert_element_type3A_29 = arith.sitofp %convert_element_type3A : vector<2000x64xi32> to vector<2000x64xf32>
    %dot_general3A = arith.constant dense<0.000000e+00> : vector<64x128xf32>
    %dot_general3A_30 = tpu.matmul %convert_element_type3A_29, %max3A_23, %dot_general3A {dimension_numbers = #tpu.dot_dimension_numbers<[0], [0], [1], [1], [0, 1, 1, 1], [], []>, transpose_lhs_hint = false} : vector<2000x64xf32>, vector<2000x128xf32>, vector<64x128xf32> -> vector<64x128xf32>
    %broadcast_in_dim3A = arith.constant 1.000000e+00 : f32
    %broadcast_in_dim3A_31 = vector.broadcast %broadcast_in_dim3A : f32 to vector<2000x128xf32>
    %dot_general3A_32 = arith.constant dense<0.000000e+00> : vector<64x128xf32>
    %dot_general3A_33 = tpu.matmul %convert_element_type3A_29, %broadcast_in_dim3A_31, %dot_general3A_32 {dimension_numbers = #tpu.dot_dimension_numbers<[0], [0], [1], [1], [0, 1, 1, 1], [], []>, transpose_lhs_hint = false} : vector<2000x64xf32>, vector<2000x128xf32>, vector<64x128xf32> -> vector<64x128xf32>
    %eq3A_34 = arith.constant 0 : i32
    %eq3A_35 = arith.cmpi eq, %arg0, %eq3A_34 : i32
    %convert_element_type3A_36 = arith.extui %eq3A_35 : i1 to i32
    %cond3A = arith.constant 0 : i32
    %cond3A_37 = arith.cmpi ne, %convert_element_type3A_36, %cond3A : i32
    scf.if %cond3A_37 {
      %broadcast_in_dim3A_56 = arith.constant 0.000000e+00 : f32
      %broadcast_in_dim3A_57 = vector.broadcast %broadcast_in_dim3A_56 : f32 to vector<64x128xf32>
      %swap3A_58 = arith.constant 0 : index
      %swap3A_59 = arith.constant 0 : index
      %swap3A_60 = vector.load %arg7[%swap3A_58, %swap3A_59] : memref<64x128xf32, #tpu.memory_space<vmem>>, vector<64x128xf32>
      tpu.vector_store %arg7[%swap3A_58, %swap3A_59], %broadcast_in_dim3A_57 {strides = array<i32>} : memref<64x128xf32, #tpu.memory_space<vmem>>, vector<64x128xf32>,
      %broadcast_in_dim3A_61 = arith.constant 0.000000e+00 : f32
      %broadcast_in_dim3A_62 = vector.broadcast %broadcast_in_dim3A_61 : f32 to vector<64x128xf32>
      %swap3A_63 = arith.constant 0 : index
      %swap3A_64 = arith.constant 0 : index
      %swap3A_65 = vector.load %arg8[%swap3A_63, %swap3A_64] : memref<64x128xf32, #tpu.memory_space<vmem>>, vector<64x128xf32>
      tpu.vector_store %arg8[%swap3A_63, %swap3A_64], %broadcast_in_dim3A_62 {strides = array<i32>} : memref<64x128xf32, #tpu.memory_space<vmem>>, vector<64x128xf32>,
    } else {
    }
    %get3A_38 = arith.constant 0 : index
    %get3A_39 = arith.constant 0 : index
    %get3A_40 = vector.load %arg7[%get3A_38, %get3A_39] : memref<64x128xf32, #tpu.memory_space<vmem>>, vector<64x128xf32>
    %add3A_41 = arith.addf %get3A_40, %dot_general3A_30 : vector<64x128xf32>
    %swap3A = arith.constant 0 : index
    %swap3A_42 = arith.constant 0 : index
    %swap3A_43 = vector.load %arg7[%swap3A, %swap3A_42] : memref<64x128xf32, #tpu.memory_space<vmem>>, vector<64x128xf32>
    tpu.vector_store %arg7[%swap3A, %swap3A_42], %add3A_41 {strides = array<i32>} : memref<64x128xf32, #tpu.memory_space<vmem>>, vector<64x128xf32>,
    %get3A_44 = arith.constant 0 : index
    %get3A_45 = arith.constant 0 : index
    %get3A_46 = vector.load %arg8[%get3A_44, %get3A_45] : memref<64x128xf32, #tpu.memory_space<vmem>>, vector<64x128xf32>
    %add3A_47 = arith.addf %get3A_46, %dot_general3A_33 : vector<64x128xf32>
    %swap3A_48 = arith.constant 0 : index
    %swap3A_49 = arith.constant 0 : index
    %swap3A_50 = vector.load %arg8[%swap3A_48, %swap3A_49] : memref<64x128xf32, #tpu.memory_space<vmem>>, vector<64x128xf32>
    tpu.vector_store %arg8[%swap3A_48, %swap3A_49], %add3A_47 {strides = array<i32>} : memref<64x128xf32, #tpu.memory_space<vmem>>, vector<64x128xf32>,
    %eq3A_51 = arith.constant 4 : i32
    %eq3A_52 = arith.cmpi eq, %arg0, %eq3A_51 : i32
    %convert_element_type3A_53 = arith.extui %eq3A_52 : i1 to i32
    %cond3A_54 = arith.constant 0 : i32
    %cond3A_55 = arith.cmpi ne, %convert_element_type3A_53, %cond3A_54 : i32
    scf.if %cond3A_55 {
      %get3A_56 = arith.constant 0 : index
      %get3A_57 = arith.constant 0 : index
      %get3A_58 = vector.load %arg7[%get3A_56, %get3A_57] : memref<64x128xf32, #tpu.memory_space<vmem>>, vector<64x128xf32>
      %get3A_59 = arith.constant 0 : index
      %get3A_60 = arith.constant 0 : index
      %get3A_61 = vector.load %arg8[%get3A_59, %get3A_60] : memref<64x128xf32, #tpu.memory_space<vmem>>, vector<64x128xf32>
      %max3A_62 = arith.constant 1.000000e+00 : f32
      %max3A_63 = vector.broadcast %max3A_62 : f32 to vector<64x128xf32>
      %max3A_64 = arith.maximumf %get3A_61, %max3A_63 : vector<64x128xf32>
      %div3A = arith.divf %get3A_58, %max3A_64 : vector<64x128xf32>
      %swap3A_65 = arith.constant 0 : index
      %swap3A_66 = arith.constant 0 : index
      %swap3A_67 = vector.load %arg6[%swap3A_65, %swap3A_66] : memref<64x128xf32, #tpu.memory_space<vmem>>, vector<64x128xf32>
      tpu.vector_store %arg6[%swap3A_65, %swap3A_66], %div3A {strides = array<i32>} : memref<64x128xf32, #tpu.memory_space<vmem>>, vector<64x128xf32>,
    } else {
    }
    return
  }
  func.func @transform_0(%arg0: i32) -> (i32, i32, i32) {
    %c0_i32 = arith.constant 0 : i32
    %c0_i32_0 = arith.constant 0 : i32
    %c0_i32_1 = arith.constant 0 : i32
    return %c0_i32, %arg0, %c0_i32_0 : i32, i32, i32
  }
  func.func @transform_1(%arg0: i32) -> (i32, i32) {
    %c0_i32 = arith.constant 0 : i32
    %c0_i32_0 = arith.constant 0 : i32
    return %arg0, %c0_i32 : i32, i32
  }
  func.func @transform_2(%arg0: i32) -> (i32, i32) {
    %c0_i32 = arith.constant 0 : i32
    %c0_i32_0 = arith.constant 0 : i32
    return %arg0, %c0_i32 : i32, i32
  }
  func.func @transform_3(%arg0: i32) -> (i32, i32) {
    %c0_i32 = arith.constant 0 : i32
    %c0_i32_0 = arith.constant 0 : i32
    %c0_i32_1 = arith.constant 0 : i32
    return %c0_i32, %c0_i32_0 : i32, i32
  }
  func.func @transform_4(%arg0: i32) -> (i32, i32) {
    %c0_i32 = arith.constant 0 : i32
    %c0_i32_0 = arith.constant 0 : i32
    return %arg0, %c0_i32 : i32, i32
  }
  func.func @transform_5(%arg0: i32) -> (i32, i32) {
    %c0_i32 = arith.constant 0 : i32
    %c0_i32_0 = arith.constant 0 : i32
    %c0_i32_1 = arith.constant 0 : i32
    return %c0_i32, %c0_i32_0 : i32, i32
  }
}

</mosaic_0001>

<sc_bundles>
// kernel: kernel.11.cloned.1.call-start
scs
__scs_entry_jumppad:
0x0: {  	(pc) =	sbr.rel $0x88, $3  }
0x1: {  	(tag) =	ssettag $0x0;
	lr =	simm.s32 $0x1  }
0x2: {  	[smem:$0x3F9A] =	sst lr;
	_ =	strace $0xD0000000  }
0x3: {  	_ = 	snop  }
0x4: {  	_ = 	snop  }
0x5: {  	_ = 	snop  }
0x6: {  	_ = 	snop  }
0x7: {  	_ = 	snop  }
__scs_overlays_trampoline_lowered:
0x8: {  	[smem:$0x3FA9] =	sst s0  }
0x9: {  	[smem:$0x3FAA] =	sst s1  }
0xa: {  	[smem:$0x3FAB] =	sst s2  }
0xb: {  	[smem:$0x3FAC] =	sst s3  }
0xc: {  	[smem:$0x3FAD] =	sst s4  }
0xd: {  	[smem:$0x3FAE] =	sst s5  }
0xe: {  	[smem:$0x3FAF] =	sst s6  }
0xf: {  	[smem:$0x3FB0] =	sst s7  }
0x10: {  	[smem:$0x3FB1] =	sst s8  }
0x11: {  	[smem:$0x3FB2] =	sst s9;
	s0 =	simm.s32 @!p0 $0x0  }
0x12: {  	s1 =	sld [smem:$0x3F98];
	s0 =	simm.s32 @p0 $0x1  }
0x13: {  	[smem:$0x3FB3] =	sst s0;
	s0 =	simm.s32 @!p1 $0x0  }
0x14: {  	s2 =	sld [smem:$0x3F97];
	s0 =	simm.s32 @p1 $0x1  }
0x15: {  	[smem:$0x3FB4] =	sst s0;
	s0 =	simm.s32 @!p2 $0x0  }
0x16: {  	s3 =	sld [smem:$0x3FDB];
	s0 =	simm.s32 @p2 $0x1  }
0x17: {  	s4 =	simm.s32 $0x1BF5;
	[smem:$0x3FB6] =	sst s0  }
0x18: {  	s0 =	sld [smem:$0x3F99];
	_ =	swait.ge [sflag:s4], $0x0  }
0x19: {  	s7 =	sld [smem:$0x3F9A]  }
0x1a: {  	s8 =	sadd.s32 $0xFFFFE003, lr  }
0x1b: {  	s9 =	sadd.s32 $0xFFFFFEF7, lr;
	s5 =	simm.s32 $0xFFFFFFFF;
	p2 =	slt.u32 s8, $0xFFFFF086  }
0x1c: {  	p1 =	slt.u32 s9, $0xF7A;
	s5 =	simm.s32 @!p2 $0x0  }
0x1d: {  	s5 =	simm.s32 @p1 $0x1;
	p0 =	seq.s32 s7, s2  }
0x1e: {  	s7 =	smul.u32 @!p0 $0xF7A, s2;
	p2 =	seq.s32 @!p0 s5, $0x0  }
0x1f: {  	s9 =	smul.u32 $0xF7A, s1;
	s8 =	simm.s32 @!p0 $0x1BF5;
	p2 =	por !p2, p0  }
0x20: {  	[sflag:s8] =	ssyncset.s32 @!p0 $0xFFFFF086;
	s6 =	sadd.s32 @!p0 s3, s7;
	s7 =	simm.s32 @!p0 $0x108  }
0x21: {  	s3 =	sadd.s32 s3, s9;
	s6 =	sadd.s32 @!p0 $0x88, s6;
	s7 =	simm.s32 @p2 $0x1082  }
0x22: {  	[simem:s7], [sflag:s8] =	dma.local @!p0 [hbm:s6], $0xF7A  }
0x23: {  	s9 =	sor.u32 $0xD0000000, s2;
	s6 =	simm.s32 $0x108;
	_ =	swait.ge @!p0 [sflag:s8], $0x0  }
0x24: {  	s3 =	sadd.s32 $0x88, s3;
	s6 =	simm.s32 @!p1 $0x1082;
	[sflag:s4] =	ssyncset.s32 $0xFFFFF086  }
0x25: {  	[simem:s6], [sflag:s4] =	dma.local [hbm:s3], $0xF7A  }
0x26: {  	[smem:$0x3F9A] =	sst s1;
	(tag) =	ssettag s2;
	_ =	strace s9  }
0x27: {  	s1 =	sld [smem:$0x3FAA]  }
0x28: {  	s2 =	sld [smem:$0x3FAB]  }
0x29: {  	s4 =	sld [smem:$0x3FAD]  }
0x2a: {  	p0 =	seq.s32 s5, $0x0;
	s5 =	sld [smem:$0x3FAE]  }
0x2b: {  	s6 =	sld [smem:$0x3FAF]  }
0x2c: {  	s7 =	sld [smem:$0x3FB0]  }
0x2d: {  	s3 =	simm.s32 $0x108;
	s8 =	sld [smem:$0x3FB1]  }
0x2e: {  	s3 =	simm.s32 @!p0 $0x1082;
	s9 =	sld [smem:$0x3FB2]  }
0x2f: {  	lr =	sadd.s32 s0, s3;
	s0 =	sld [smem:$0x3FA9]  }
0x30: {  	s3 =	sld [smem:$0x3FAC]  }
0x31: {  	[smem:$0x3FB5] =	sst s10  }
0x32: {  	s10 =	sld [smem:$0x3FB3];
	_ =	sdelay $0x3  }
0x33: {  	p0 =	seq.s32 s10, $0x1;
	s10 =	sld [smem:$0x3FB5];
	_ =	sdelay $0x3  }
0x34: {  	[smem:$0x3FB5] =	sst s10  }
0x35: {  	s10 =	sld [smem:$0x3FB4];
	_ =	sdelay $0x3  }
0x36: {  	p1 =	seq.s32 s10, $0x1;
	s10 =	sld [smem:$0x3FB5];
	_ =	sdelay $0x3  }
0x37: {  	[smem:$0x3FB5] =	sst s10  }
0x38: {  	s10 =	sld [smem:$0x3FB6]  }
0x39: {  	_ = 	snop;
	(pc) =	sbr.ind lr, $3  }
0x3a: {  	_ = 	snop  }
0x3b: {  	_ = 	snop  }
0x3c: {  	p2 =	seq.s32 s10, $0x1;
	s10 =	sld [smem:$0x3FB5]  }
0x3d: {  	_ =	shalt  }
0x3e: {  	_ =	shalt  }
0x3f: {  	_ =	shalt  }
0x40: {  	_ =	shalt  }
0x41: {  	_ =	shalt  }
0x42: {  	_ =	shalt  }
0x43: {  	_ =	shalt  }
0x44: {  	_ =	shalt  }
0x45: {  	_ =	shalt  }
0x46: {  	_ =	shalt  }
0x47: {  	_ =	shalt  }
0x48: {  	_ =	shalt  }
0x49: {  	_ =	shalt  }
0x4a: {  	_ =	shalt  }
0x4b: {  	_ =	shalt  }
0x4c: {  	_ =	shalt  }
0x4d: {  	_ =	shalt  }
0x4e: {  	_ =	shalt  }
0x4f: {  	_ =	shalt  }
0x50: {  	_ =	shalt  }
0x51: {  	_ =	shalt  }
0x52: {  	_ =	shalt  }
0x53: {  	_ =	shalt  }
0x54: {  	_ =	shalt  }
0x55: {  	_ =	shalt  }
0x56: {  	_ =	shalt  }
0x57: {  	_ =	shalt  }
0x58: {  	_ =	shalt  }
0x59: {  	_ =	shalt  }
0x5a: {  	_ =	shalt  }
0x5b: {  	_ =	shalt  }
0x5c: {  	_ =	shalt  }
0x5d: {  	_ =	shalt  }
0x5e: {  	_ =	shalt  }
0x5f: {  	_ =	shalt  }
0x60: {  	_ =	shalt  }
0x61: {  	_ =	shalt  }
0x62: {  	_ =	shalt  }
0x63: {  	_ =	shalt  }
0x64: {  	_ =	shalt  }
0x65: {  	_ =	shalt  }
0x66: {  	_ =	shalt  }
0x67: {  	_ =	shalt  }
0x68: {  	_ =	shalt  }
0x69: {  	_ =	shalt  }
0x6a: {  	_ =	shalt  }
0x6b: {  	_ =	shalt  }
0x6c: {  	_ =	shalt  }
0x6d: {  	_ =	shalt  }
0x6e: {  	_ =	shalt  }
0x6f: {  	_ =	shalt  }
0x70: {  	_ =	shalt  }
0x71: {  	_ =	shalt  }
0x72: {  	_ =	shalt  }
0x73: {  	_ =	shalt  }
0x74: {  	_ =	shalt  }
0x75: {  	_ =	shalt  }
0x76: {  	_ =	shalt  }
0x77: {  	_ =	shalt  }
0x78: {  	_ =	shalt  }
0x79: {  	_ =	shalt  }
0x7a: {  	_ =	shalt  }
0x7b: {  	_ =	shalt  }
0x7c: {  	_ =	shalt  }
0x7d: {  	_ =	shalt  }
0x7e: {  	_ =	shalt  }
0x7f: {  	_ =	shalt  }
0x80: {  	_ =	shalt  }
0x81: {  	_ =	shalt  }
0x82: {  	_ =	shalt  }
0x83: {  	_ =	shalt  }
0x84: {  	_ =	shalt  }
0x85: {  	_ =	shalt  }
0x86: {  	_ =	shalt  }
0x87: {  	_ =	shalt  }
.Lfunc_end0:
.L_simem_size_0:
called_computation.1_lowered:
.L_overlay_start_0:
0x88: {  	s2 =	sld [smem:$0x3FD9]  }
0x89: {  	s3 =	sld [smem:$0x3FFE];
	_ =	sdelay $0x1  }
0x8a: {  	s1 =	srdreg.scid  }
0x8b: {  	s0 =	sand.u32 $0x1, s1  }
0x8c: {  	s16 =	sshll.u32 s0, $0xA;
	s2 =	sadd.s32 s3, s2  }
0x8d: {  	s2 =	sadd.s32 s2, s16  }
0x8e: {  	[smem:$0x3FC1] =	sst s2  }
0x8f: {  	_ = 	snop  }
0x90: {  	(tm) =	ssettm $0x1  }
0x91: {  	s17 =	sld [smem:$0x3FFB];
	_ =	sdelay $0x3  }
0x92: {  	_ =	strace s17  }
0x93: {  	s2 =	sld [smem:$0x3FFC];
	_ =	sdelay $0x3  }
0x94: {  	_ =	strace s2  }
0x95: {  	s2 =	sld [smem:$0x3FFD];
	_ =	sdelay $0x3  }
0x96: {  	_ =	strace s2  }
0x97: {  	_ =	strace $0x8FFFFFFF  }
0x98: {  	s18 =	sld [smem:$0x3FDB];
	_ =	sdelay $0x1  }
0x99: {  	s19 =	simm.s32 $_scs_section_size  }
0x9a: {  	s4 =	simm.s32 $_size__tile_overlayer_lowered;
	s5 =	simm.s32 $_tile_overlayer_lowered  }
0x9b: {  	s22 =	simm.s32 $0x1BFF;
	s21 =	sshll.u32 s5, $0x1;
	s2 =	sadd.s32 s19, s18  }
0x9c: {  	s6 =	simm.s32 $0x0;
	s20 =	sshll.u32 s4, $0x1;
	s4 =	sadd.s32 s21, s2  }
0x9d: {  	[timem:s6], [sflag:s22] =	dma.local [hbm:s4], s20  }
0x9e: {  	_ =	swait.ge [sflag:s22], s20  }
0x9f: {  	s3 =	ssub.s32 $0x0, s20;
	[sflag:s22] =	ssyncset.done $0x0  }
0xa0: {  	[sflag:s22] =	ssyncadd.s32 s3;
	_ =	sdelay $0x1  }
0xa1: {  	s23 =	simm.s32 $0x1B8B  }
0xa2: {  	_ =	swait.ge [sflag:s23], $0x1  }
0xa3: {  	[sflag:s23] =	ssyncset.done $0x0  }
0xa4: {  	s25 =	simm.s32 $0x1B8E;
	s24 =	sld [smem:$0x3FFE];
	[sflag:s23] =	ssyncadd.s32 $0xFFFFFFFF  }
0xa5: {  	s26 =	simm.s32 $execute0_lowered;
	[smem:$0x3FD2] =	sst s25  }
0xa6: {  	s4 =	sshll.u32 s26, $0x1;
	_ =	strace $0x80000049;
	[dreg:$0x1] =	wrdreg $0xFFFFFFFF  }
0xa7: {  	s28 =	simm.s32 $_size_execute0_lowered;
	s2 =	sadd.s32 s2, s4;
	[dreg:$0x0] =	wrdreg $0x0  }
0xa8: {  	s4 =	sshll.u32 s28, $0x1;
	[dreg:$0x2] =	wrdreg s2  }
0xa9: {  	[dreg:$0x3] =	wrdreg s4  }
0xaa: {  	[dreg:$0x4] =	wrdreg $0xC0  }
0xab: {  	_ =	task [dreg:s6], $0x5FFFF  }
0xac: {  	[dreg:$0x1] =	wrdreg $0xFFFFFFFF  }
0xad: {  	[dreg:$0x0] =	wrdreg $0x60  }
0xae: {  	[dreg:$0x2] =	wrdreg s24  }
0xaf: {  	[dreg:$0x3] =	wrdreg $0xA8000  }
0xb0: {  	[dreg:$0x4] =	wrdreg $0x9  }
0xb1: {  	_ =	task.clear_ibuf [dreg:s6], $0x5FFFF;
	_ =	strace $0x90000049  }
0xb2: {  	s29 =	simm.s32 $0x9;
	_ =	strace $0x8000004B  }
0xb3: {  	_ =	swait.ge [sflag:s29], $0x1  }
0xb4: {  	[sflag:s29] =	ssyncadd.s32 $0xFFFFFFFF  }
0xb5: {  	_ =	strace $0x9000004B  }
0xb6: {  	_ =	sfence  }
0xb7: {  	s30 =	sld [smem:$0x0];
	_ =	sdelay $0x2  }
0xb8: {  	s31 =	sshll.u32 s1, $0xD;
	s1 =	sshrl.u32 s1, $0x2  }
0xb9: {  	s3 =	sand.u32 $0x4000, s31;
	s1 =	sadd.s32 s1, s30  }
0xba: {  	s0 =	sor.u32 s3, s0;
	s1 =	sshll.u32 s1, $0x11  }
0xbb: {  	s0 =	sor.u32 s1, s0  }
0xbc: {  	s0 =	sadd.s32 $0x8F2B, s0  }
0xbd: {  	[sflag:s0] =	ssyncadd.remote.s32 $0x1  }
0xbe: {  	_ =	sfence.sel $0xFFFF  }
0xbf: {  	[dreg:$0x0] =	wrdreg $0xFFFFFFFF;
	(pc) =	sbr.abs _section_cstart, $3  }
0xc0: {  	[dreg:$0x1] =	wrdreg $0xFFFFFFFF  }
0xc1: {  	_ =	task.clear_ibuf [dreg:s6], $0x2FFFF;
	_ =	strace $0x9FFFFFFF  }
0xc2: {  	(tm) =	ssettm $0x7FFFFFFF  }
0xc3: {  	_ =	shalt  }
tec
execute0_lowered:
.L_overlay_start_1:
0x0: {  	(tag) =	ssettag $0x1  }
0x1: {  	s0 =	srdreg.scid;
	s1 =	rddreg [dreg:$0x0]  }
0x2: {  	s11 =	stileid.u32;
	s2 =	rddreg [dreg:$0x1];
	s28 =	simm.s32 $0x6800  }
0x3: {  	s29 =	simm.s32 $0x1;
	s30 =	simm.s32 $0x2;
	s7 =	smul.u32 $0x50000, s11  }
0x4: {  	s31 =	simm.s32 $0x1380;
	s0 =	sand.u32 $0x1, s0;
	s10 =	smul.u32 $0x14000, s11  }
0x5: {  	s3 =	sshll.u32 s0, $0x4;
	s8 =	ssub.s32 $0x2, s0;
	s0 =	smul.u32 $0x140000, s0  }
0x6: {  	s4 =	sor.u32 s11, s3;
	s3 =	simm.s32 $0x0;
	s9 =	sshrl.u32 s8, $0x1  }
0x7: {  	s7 =	sshrl.u32 s7, $0x2;
	s15 =	sadd.s32 $0x8000, s10;
	s17 =	sadd.s32 $0xC000, s10  }
0x8: {  	s18 =	sadd.s32 $0x10000, s10;
	s4 =	smul.u32 $0x2800, s4;
	[smem:$0x7FF] =	sst s3  }
0x9: {  	s8 =	ssub.s32 s8, s9;
	s7 =	sadd.s32 s7, s2;
	s9 =	sshll.u32 s11, $0x6  }
0xa: {  	s11 =	sadd.s32 $0x4000, s10;
	s16 =	sadd.s32 s15, s2;
	s13 =	sadd.s32 s17, s2  }
0xb: {  	s14 =	sadd.s32 s18, s2;
	_ =	strace $0x8000004A;
	[dreg:$0x3] =	wrdreg s7  }
0xc: {  	s10 =	sadd.s32 s10, s0;
	s24 =	sadd.s32 s0, s15;
	[dreg:$0x5] =	wrdreg s16  }
0xd: {  	s25 =	sadd.s32 s0, s17;
	s7 =	sor.u32 $0x1C03, s9;
	[dreg:$0x6] =	wrdreg s13  }
0xe: {  	s12 =	sadd.s32 s11, s2;
	[dreg:$0x7] =	wrdreg s14;
	s9 =	sadd.s32 s0, s11  }
0xf: {  	s22 =	sshrl.u32 s10, $0x3;
	s0 =	sadd.s32 s0, s18;
	s5 =	sshrl.u32 s4, $0x3  }
0x10: {  	s26 =	sshrl.u32 s25, $0x3;
	s25 =	simm.s32 $0x2800;
	s6 =	sadd.s32 s5, s1  }
0x11: {  	s4 =	sadd.s32 $0x17000, s1;
	[dreg:$0x4] =	wrdreg s12;
	s19 =	sadd.s32 $0x3000, s6  }
0x12: {  	s9 =	sshrl.u32 s9, $0x3;
	s20 =	sadd.s32 $0xD000, s6;
	[dreg:$0x8] =	wrdreg s19  }
0x13: {  	s5 =	sadd.s32 $0x3E200, s1;
	s21 =	sadd.s32 $0x3280, s6;
	[dreg:$0x9] =	wrdreg s20  }
0x14: {  	s1 =	sadd.s32 $0x3EA00, s1;
	s6 =	sadd.s32 $0xD280, s6;
	[dreg:$0xa] =	wrdreg s21  }
0x15: {  	s0 =	sshrl.u32 s0, $0x3;
	s23 =	sadd.s32 s1, s9;
	[dreg:$0xb] =	wrdreg s6  }
0x16: {  	s6 =	sadd.s32 s1, s22;
	[dreg:$0xd] =	wrdreg s23;
	s19 =	sadd.s32 s1, s26  }
0x17: {  	s20 =	sadd.s32 s1, s0;
	s21 =	smax.u32 s8, $0x1;
	s22 =	simm.s32 $0x4  }
0x18: {  	s23 =	simm.s32 $0x1400;
	s26 =	simm.s32 $0x3;
	s0 =	simm.s32 $0x2780  }
0x19: {  	[dreg:$0xc] =	wrdreg s6;
	s6 =	sshrl.u32 s24, $0x3;
	s24 =	simm.s32 $0x80  }
0x1a: {  	s18 =	sadd.s32 s1, s6;
	s1 =	simm.s32 $0x2700;
	s6 =	simm.s32 $0x0  }
.LBB2_1:
0x1b: {  	s8 =	rddreg [dreg:$0x3]  }
0x1c: {  	s8 =	sshrl.u32 s8, $0x3  }
0x1d: {  	[spmem:s8], [sflag:s7] =	dma.local [hbm:s5], $0x800  }
0x1e: {  	s9 =	rddreg [dreg:$0x4]  }
0x1f: {  	s9 =	sshrl.u32 s9, $0x3  }
0x20: {  	[spmem:s9], [sflag:s7] =	dma.local [hbm:s5], $0x800  }
0x21: {  	s10 =	rddreg [dreg:$0x5]  }
0x22: {  	s10 =	sshrl.u32 s10, $0x3  }
0x23: {  	[spmem:s10], [sflag:s7] =	dma.local [hbm:s5], $0x800  }
0x24: {  	s11 =	rddreg [dreg:$0x6]  }
0x25: {  	s11 =	sshrl.u32 s11, $0x3  }
0x26: {  	[spmem:s11], [sflag:s7] =	dma.local [hbm:s5], $0x800  }
0x27: {  	s12 =	rddreg [dreg:$0x7]  }
0x28: {  	s12 =	sshrl.u32 s12, $0x3  }
0x29: {  	[spmem:s12], [sflag:s7] =	dma.local [hbm:s5], $0x800  }
0x2a: {  	s13 =	rddreg [dreg:$0x8]  }
0x2b: {  	[tilespmem:s3], [sflag:$0x4] =	stream.linear.gather [hbm4b:s13+s3], $0x1400, $0x38;
	[tilespmem:$0x1E800] =	vst v63  }
0x2c: {  	_ =	swait.ge [sflag:s22], $0x1400  }
0x2d: {  	[sflag:s22] =	ssyncset.done $0x0  }
0x2e: {  	s17 =	rddreg [dreg:$0x9];
	[sflag:s22] =	ssyncadd.s32 $0xFFFFEC00  }
0x2f: {  	[tilespmem:s23], [sflag:$0x4] =	stream.linear.gather [hbm4b:s17+s3], $0x1400, $0x38;
	[tilespmem:$0x1E800] =	vst v63  }
0x30: {  	_ =	swait.ge [sflag:s22], $0x1400  }
0x31: {  	[sflag:s22] =	ssyncset.done $0x0  }
0x32: {  	[sflag:s22] =	ssyncadd.s32 $0xFFFFEC00  }
0x33: {  	[tilespmem:s25], [sflag:$0x1] =	stream.indirect.gather [hbm4b:s4+s24], $0x80, s3, s24, $0xb8;
	[tilespmem:$0x1E800] =	vst v63  }
0x34: {  	_ =	swait.ge [sflag:s26], $0x800  }
0x35: {  	[sflag:s26] =	ssyncset.done $0x0  }
0x36: {  	[sflag:s26] =	ssyncadd.s32 $0xFFFFF800  }
0x37: {  	_ =	swait.ge [sflag:s26], $0x800  }
0x38: {  	[sflag:s26] =	ssyncset.done $0x0  }
0x39: {  	[sflag:s26] =	ssyncadd.s32 $0xFFFFF800  }
0x3a: {  	_ =	swait.ge [sflag:s26], $0x800  }
0x3b: {  	[sflag:s26] =	ssyncset.done $0x0  }
0x3c: {  	[sflag:s26] =	ssyncadd.s32 $0xFFFFF800  }
0x3d: {  	_ =	swait.ge [sflag:s26], $0x800  }
0x3e: {  	[sflag:s26] =	ssyncset.done $0x0  }
0x3f: {  	[sflag:s26] =	ssyncadd.s32 $0xFFFFF800  }
0x40: {  	_ =	swait.ge [sflag:s26], $0x800  }
0x41: {  	[sflag:s26] =	ssyncset.done $0x0  }
0x42: {  	[sflag:s26] =	ssyncadd.s32 $0xFFFFF800  }
0x43: {  	s14 =	simm.s32 $0x80;
	[bflag:$0x0] =	sbarrier.arrive $0xFFFF  }
0x44: {  	[tilespmem:s28], [sflag:$0x2] =	stream.indirect.gather [hbm4b:s4+s24], $0x80, s14, s24, $0xb8;
	[tilespmem:$0x1E800] =	vst v63  }
0x45: {  	_ =	swait.ge [sflag:s29], $0x4000  }
0x46: {  	[sflag:s29] =	ssyncset.done $0x0  }
0x47: {  	s15 =	simm.s32 $0x1400;
	[sflag:s29] =	ssyncadd.s32 $0xFFFFC000  }
0x48: {  	[spmem:s2] =	stream.indirect.scatter.add.f32 [tilespmem:s25], [sflag:$0x4], $0x80, s15, s24, $0xb8;
	[tilespmem:$0x1E800] =	vst v63  }
0x49: {  	_ =	swait.ge [sflag:s22], $0x4000  }
0x4a: {  	[sflag:s22] =	ssyncset.done $0x0  }
0x4b: {  	s16 =	simm.s32 $0x100;
	[sflag:s22] =	ssyncadd.s32 $0xFFFFC000  }
0x4c: {  	[tilespmem:s25], [sflag:$0x1] =	stream.indirect.gather [hbm4b:s4+s24], $0x80, s16, s24, $0xb8;
	[tilespmem:$0x1E800] =	vst v63  }
0x4d: {  	_ =	swait.ge [sflag:s30], $0x4000  }
0x4e: {  	[sflag:s30] =	ssyncset.done $0x0  }
0x4f: {  	s17 =	simm.s32 $0x1480;
	[sflag:s30] =	ssyncadd.s32 $0xFFFFC000  }
0x50: {  	[spmem:s2] =	stream.indirect.scatter.add.f32 [tilespmem:s28], [sflag:$0x4], $0x80, s17, s24, $0xb8;
	[tilespmem:$0x1E800] =	vst v63  }
0x51: {  	_ =	swait.ge [sflag:s22], $0x4000  }
0x52: {  	s13 =	simm.s32 $0x100;
	s14 =	simm.s32 $0x800;
	[sflag:s22] =	ssyncset.done $0x0  }
.LBB2_2:
0x53: {  	s15 =	sadd.s32 $0x80, s13  }
0x54: {  	[sflag:s22] =	ssyncadd.s32 $0xFFFFC000;
	s16 =	smov.u32 s14;
	s17 =	sadd.s32 $0x400, s14  }
0x55: {  	[tilespmem:s28], [sflag:$0x2] =	stream.indirect.gather [hbm4b:s4+s24], $0x80, s15, s24, $0xb8;
	[tilespmem:$0x1E800] =	vst v63  }
0x56: {  	p0 =	sne.s32 s14, $0x4800;
	_ =	swait.ge [sflag:s29], $0x4000  }
0x57: {  	[sflag:s29] =	ssyncset.done $0x0  }
0x58: {  	s14 =	sadd.s32 $0x1400, s13;
	[sflag:s29] =	ssyncadd.s32 $0xFFFFC000  }
0x59: {  	[spmem:s2] =	stream.indirect.scatter.add.f32 [tilespmem:s25], [sflag:$0x4], $0x80, s14, s24, $0xb8;
	[tilespmem:$0x1E800] =	vst v63  }
0x5a: {  	_ =	swait.ge [sflag:s22], $0x4000  }
0x5b: {  	[sflag:s22] =	ssyncset.done $0x0  }
0x5c: {  	s14 =	sadd.s32 $0x100, s13;
	[sflag:s22] =	ssyncadd.s32 $0xFFFFC000  }
0x5d: {  	[tilespmem:s25], [sflag:$0x1] =	stream.indirect.gather [hbm4b:s4+s24], $0x80, s14, s24, $0xb8;
	[tilespmem:$0x1E800] =	vst v63  }
0x5e: {  	_ =	swait.ge [sflag:s30], $0x4000  }
.Ltmp0:
0x5f: {  	[sflag:s30] =	ssyncset.done $0x0;
	(pc) =	sbr.rel @p0 .LBB2_2-.Ltmp0, $4  }
0x60: {  	s13 =	sadd.s32 $0x1480, s13;
	[sflag:s30] =	ssyncadd.s32 $0xFFFFC000  }
0x61: {  	[spmem:s2] =	stream.indirect.scatter.add.f32 [tilespmem:s28], [sflag:$0x4], $0x80, s13, s24, $0xb8;
	[tilespmem:$0x1E800] =	vst v63  }
0x62: {  	_ =	swait.ge [sflag:s22], $0x4000  }
0x63: {  	s14 =	smov.u32 s17;
	s13 =	sshra.s32 s16, $0x2;
	[sflag:s22] =	ssyncset.done $0x0  }
0x64: {  	s14 =	sadd.s32 $0x80, s13;
	[sflag:s22] =	ssyncadd.s32 $0xFFFFC000  }
0x65: {  	[tilespmem:s28], [sflag:$0x2] =	stream.indirect.gather [hbm4b:s4+s24], $0x80, s14, s24, $0xb8;
	[tilespmem:$0x1E800] =	vst v63  }
0x66: {  	_ =	swait.ge [sflag:s29], $0x4000  }
0x67: {  	[sflag:s29] =	ssyncset.done $0x0  }
0x68: {  	s16 =	sadd.s32 $0x1400, s13;
	[sflag:s29] =	ssyncadd.s32 $0xFFFFC000  }
0x69: {  	[spmem:s2] =	stream.indirect.scatter.add.f32 [tilespmem:s25], [sflag:$0x4], $0x80, s16, s24, $0xb8;
	[tilespmem:$0x1E800] =	vst v63  }
0x6a: {  	_ =	swait.ge [sflag:s22], $0x4000  }
0x6b: {  	[sflag:s22] =	ssyncset.done $0x0  }
0x6c: {  	s17 =	sadd.s32 $0x100, s13;
	[sflag:s22] =	ssyncadd.s32 $0xFFFFC000  }
0x6d: {  	[tilespmem:s25], [sflag:$0x1] =	stream.indirect.gather [hbm4b:s4+s24], $0x80, s17, s24, $0xb8;
	[tilespmem:$0x1E800] =	vst v63  }
0x6e: {  	_ =	swait.ge [sflag:s30], $0x4000  }
0x6f: {  	[sflag:s30] =	ssyncset.done $0x0  }
0x70: {  	s14 =	sadd.s32 $0x1480, s13;
	[sflag:s30] =	ssyncadd.s32 $0xFFFFC000  }
0x71: {  	[spmem:s2] =	stream.indirect.scatter.add.f32 [tilespmem:s28], [sflag:$0x4], $0x80, s14, s24, $0xb8;
	[tilespmem:$0x1E800] =	vst v63  }
0x72: {  	_ =	swait.ge [sflag:s22], $0x4000  }
0x73: {  	[sflag:s22] =	ssyncset.done $0x0  }
0x74: {  	[sflag:s22] =	ssyncadd.s32 $0xFFFFC000  }
0x75: {  	[tilespmem:s28], [sflag:$0x2] =	stream.indirect.gather [hbm4b:s4+s24], $0x80, s31, s24, $0xb8;
	[tilespmem:$0x1E800] =	vst v63  }
0x76: {  	_ =	swait.ge [sflag:s29], $0x4000  }
0x77: {  	[sflag:s29] =	ssyncset.done $0x0  }
0x78: {  	[sflag:s29] =	ssyncadd.s32 $0xFFFFC000  }
0x79: {  	[spmem:s2] =	stream.indirect.scatter.add.f32 [tilespmem:s25], [sflag:$0x4], $0x80, s1, s24, $0xb8;
	[tilespmem:$0x1E800] =	vst v63  }
0x7a: {  	_ =	swait.ge [sflag:s22], $0x4000  }
0x7b: {  	[sflag:s22] =	ssyncset.done $0x0  }
0x7c: {  	[sflag:s22] =	ssyncadd.s32 $0xFFFFC000  }
0x7d: {  	_ =	swait.ge [sflag:s30], $0x4000  }
0x7e: {  	[sflag:s30] =	ssyncset.done $0x0  }
0x7f: {  	[sflag:s30] =	ssyncadd.s32 $0xFFFFC000  }
0x80: {  	[spmem:s2] =	stream.indirect.scatter.add.f32 [tilespmem:s28], [sflag:$0x4], $0x80, s0, s24, $0xb8;
	[tilespmem:$0x1E800] =	vst v63  }
0x81: {  	_ =	swait.ge [sflag:s22], $0x4000  }
0x82: {  	[sflag:s22] =	ssyncset.done $0x0  }
0x83: {  	s15 =	simm.s32 $0x0;
	s16 =	rddreg [dreg:$0xa];
	[sflag:s22] =	ssyncadd.s32 $0xFFFFC000  }
0x84: {  	[tilespmem:s15], [sflag:$0x4] =	stream.linear.gather [hbm4b:s16+s15], $0x1400, $0x38;
	[tilespmem:$0x1E800] =	vst v63  }
0x85: {  	_ =	swait.ge [sflag:s22], $0x1400  }
0x86: {  	[sflag:s22] =	ssyncset.done $0x0  }
0x87: {  	s17 =	rddreg [dreg:$0xb];
	[sflag:s22] =	ssyncadd.s32 $0xFFFFEC00  }
0x88: {  	[tilespmem:s23], [sflag:$0x4] =	stream.linear.gather [hbm4b:s17+s15], $0x1400, $0x38;
	[tilespmem:$0x1E800] =	vst v63  }
0x89: {  	_ =	swait.ge [sflag:s22], $0x1400  }
0x8a: {  	[sflag:s22] =	ssyncset.done $0x0  }
0x8b: {  	[sflag:s22] =	ssyncadd.s32 $0xFFFFEC00  }
0x8c: {  	[tilespmem:s25], [sflag:$0x1] =	stream.indirect.gather [hbm4b:s4+s24], $0x80, s15, s24, $0xb8;
	[tilespmem:$0x1E800] =	vst v63  }
0x8d: {  	s14 =	simm.s32 $0x80  }
0x8e: {  	[tilespmem:s28], [sflag:$0x2] =	stream.indirect.gather [hbm4b:s4+s24], $0x80, s14, s24, $0xb8;
	[tilespmem:$0x1E800] =	vst v63  }
0x8f: {  	_ =	swait.ge [sflag:s29], $0x4000  }
0x90: {  	[sflag:s29] =	ssyncset.done $0x0  }
0x91: {  	s15 =	simm.s32 $0x1400;
	[sflag:s29] =	ssyncadd.s32 $0xFFFFC000  }
0x92: {  	[spmem:s2] =	stream.indirect.scatter.add.f32 [tilespmem:s25], [sflag:$0x4], $0x80, s15, s24, $0xb8;
	[tilespmem:$0x1E800] =	vst v63  }
0x93: {  	_ =	swait.ge [sflag:s22], $0x4000  }
0x94: {  	[sflag:s22] =	ssyncset.done $0x0  }
0x95: {  	s16 =	simm.s32 $0x100;
	[sflag:s22] =	ssyncadd.s32 $0xFFFFC000  }
0x96: {  	[tilespmem:s25], [sflag:$0x1] =	stream.indirect.gather [hbm4b:s4+s24], $0x80, s16, s24, $0xb8;
	[tilespmem:$0x1E800] =	vst v63  }
0x97: {  	_ =	swait.ge [sflag:s30], $0x4000  }
0x98: {  	[sflag:s30] =	ssyncset.done $0x0  }
0x99: {  	s17 =	simm.s32 $0x1480;
	[sflag:s30] =	ssyncadd.s32 $0xFFFFC000  }
0x9a: {  	[spmem:s2] =	stream.indirect.scatter.add.f32 [tilespmem:s28], [sflag:$0x4], $0x80, s17, s24, $0xb8;
	[tilespmem:$0x1E800] =	vst v63  }
0x9b: {  	_ =	swait.ge [sflag:s22], $0x4000  }
0x9c: {  	s13 =	simm.s32 $0x100;
	s14 =	simm.s32 $0x800;
	[sflag:s22] =	ssyncset.done $0x0  }
.LBB2_4:
0x9d: {  	s15 =	sadd.s32 $0x80, s13  }
0x9e: {  	[sflag:s22] =	ssyncadd.s32 $0xFFFFC000;
	s16 =	smov.u32 s14;
	s17 =	sadd.s32 $0x400, s14  }
0x9f: {  	[tilespmem:s28], [sflag:$0x2] =	stream.indirect.gather [hbm4b:s4+s24], $0x80, s15, s24, $0xb8;
	[tilespmem:$0x1E800] =	vst v63  }
0xa0: {  	p0 =	sne.s32 s14, $0x4800;
	_ =	swait.ge [sflag:s29], $0x4000  }
0xa1: {  	[sflag:s29] =	ssyncset.done $0x0  }
0xa2: {  	s14 =	sadd.s32 $0x1400, s13;
	[sflag:s29] =	ssyncadd.s32 $0xFFFFC000  }
0xa3: {  	[spmem:s2] =	stream.indirect.scatter.add.f32 [tilespmem:s25], [sflag:$0x4], $0x80, s14, s24, $0xb8;
	[tilespmem:$0x1E800] =	vst v63  }
0xa4: {  	_ =	swait.ge [sflag:s22], $0x4000  }
0xa5: {  	[sflag:s22] =	ssyncset.done $0x0  }
0xa6: {  	s14 =	sadd.s32 $0x100, s13;
	[sflag:s22] =	ssyncadd.s32 $0xFFFFC000  }
0xa7: {  	[tilespmem:s25], [sflag:$0x1] =	stream.indirect.gather [hbm4b:s4+s24], $0x80, s14, s24, $0xb8;
	[tilespmem:$0x1E800] =	vst v63  }
0xa8: {  	_ =	swait.ge [sflag:s30], $0x4000  }
.Ltmp1:
0xa9: {  	[sflag:s30] =	ssyncset.done $0x0;
	(pc) =	sbr.rel @p0 .LBB2_4-.Ltmp1, $4  }
0xaa: {  	s13 =	sadd.s32 $0x1480, s13;
	[sflag:s30] =	ssyncadd.s32 $0xFFFFC000  }
0xab: {  	[spmem:s2] =	stream.indirect.scatter.add.f32 [tilespmem:s28], [sflag:$0x4], $0x80, s13, s24, $0xb8;
	[tilespmem:$0x1E800] =	vst v63  }
0xac: {  	_ =	swait.ge [sflag:s22], $0x4000  }
0xad: {  	s14 =	smov.u32 s17;
	s13 =	sshra.s32 s16, $0x2;
	[sflag:s22] =	ssyncset.done $0x0  }
0xae: {  	s14 =	sadd.s32 $0x80, s13;
	[sflag:s22] =	ssyncadd.s32 $0xFFFFC000  }
0xaf: {  	[tilespmem:s28], [sflag:$0x2] =	stream.indirect.gather [hbm4b:s4+s24], $0x80, s14, s24, $0xb8;
	[tilespmem:$0x1E800] =	vst v63  }
0xb0: {  	_ =	swait.ge [sflag:s29], $0x4000  }
0xb1: {  	[sflag:s29] =	ssyncset.done $0x0  }
0xb2: {  	s17 =	sadd.s32 $0x1400, s13;
	[sflag:s29] =	ssyncadd.s32 $0xFFFFC000  }
0xb3: {  	[spmem:s2] =	stream.indirect.scatter.add.f32 [tilespmem:s25], [sflag:$0x4], $0x80, s17, s24, $0xb8;
	[tilespmem:$0x1E800] =	vst v63  }
0xb4: {  	_ =	swait.ge [sflag:s22], $0x4000  }
0xb5: {  	[sflag:s22] =	ssyncset.done $0x0  }
0xb6: {  	s15 =	sadd.s32 $0x100, s13;
	[sflag:s22] =	ssyncadd.s32 $0xFFFFC000  }
0xb7: {  	[tilespmem:s25], [sflag:$0x1] =	stream.indirect.gather [hbm4b:s4+s24], $0x80, s15, s24, $0xb8;
	[tilespmem:$0x1E800] =	vst v63  }
0xb8: {  	_ =	swait.ge [sflag:s30], $0x4000  }
0xb9: {  	[sflag:s30] =	ssyncset.done $0x0  }
0xba: {  	s16 =	sadd.s32 $0x1480, s13;
	[sflag:s30] =	ssyncadd.s32 $0xFFFFC000  }
0xbb: {  	[spmem:s2] =	stream.indirect.scatter.add.f32 [tilespmem:s28], [sflag:$0x4], $0x80, s16, s24, $0xb8;
	[tilespmem:$0x1E800] =	vst v63  }
0xbc: {  	_ =	swait.ge [sflag:s22], $0x4000  }
0xbd: {  	[sflag:s22] =	ssyncset.done $0x0  }
0xbe: {  	[sflag:s22] =	ssyncadd.s32 $0xFFFFC000  }
0xbf: {  	[tilespmem:s28], [sflag:$0x2] =	stream.indirect.gather [hbm4b:s4+s24], $0x80, s31, s24, $0xb8;
	[tilespmem:$0x1E800] =	vst v63  }
0xc0: {  	_ =	swait.ge [sflag:s29], $0x4000  }
0xc1: {  	[sflag:s29] =	ssyncset.done $0x0  }
0xc2: {  	[sflag:s29] =	ssyncadd.s32 $0xFFFFC000  }
0xc3: {  	[spmem:s2] =	stream.indirect.scatter.add.f32 [tilespmem:s25], [sflag:$0x4], $0x80, s1, s24, $0xb8;
	[tilespmem:$0x1E800] =	vst v63  }
0xc4: {  	_ =	swait.ge [sflag:s22], $0x4000  }
0xc5: {  	[sflag:s22] =	ssyncset.done $0x0  }
0xc6: {  	[sflag:s22] =	ssyncadd.s32 $0xFFFFC000  }
0xc7: {  	_ =	swait.ge [sflag:s30], $0x4000  }
0xc8: {  	[sflag:s30] =	ssyncset.done $0x0  }
0xc9: {  	[sflag:s30] =	ssyncadd.s32 $0xFFFFC000  }
0xca: {  	[spmem:s2] =	stream.indirect.scatter.add.f32 [tilespmem:s28], [sflag:$0x4], $0x80, s0, s24, $0xb8;
	[tilespmem:$0x1E800] =	vst v63  }
0xcb: {  	_ =	swait.ge [sflag:s22], $0x4000  }
0xcc: {  	[sflag:s22] =	ssyncset.done $0x0  }
0xcd: {  	[sflag:s22] =	ssyncadd.s32 $0xFFFFC000  }
0xce: {  	[bflag:$0x0] =	sbarrier.arrive $0xFFFF  }
0xcf: {  	s17 =	rddreg [dreg:$0xc]  }
0xd0: {  	[hbm:s17], [sflag:s7] =	dma.local [spmem:s8], $0x800  }
0xd1: {  	s8 =	rddreg [dreg:$0xd]  }
0xd2: {  	[hbm:s8], [sflag:s7] =	dma.local [spmem:s9], $0x800  }
0xd3: {  	[hbm:s18], [sflag:s7] =	dma.local [spmem:s10], $0x800  }
0xd4: {  	[hbm:s19], [sflag:s7] =	dma.local [spmem:s11], $0x800  }
0xd5: {  	[hbm:s20], [sflag:s7] =	dma.local [spmem:s12], $0x800  }
0xd6: {  	_ =	swait.ge [sflag:s26], $0x800  }
0xd7: {  	[sflag:s26] =	ssyncset.done $0x0  }
0xd8: {  	[sflag:s26] =	ssyncadd.s32 $0xFFFFF800  }
0xd9: {  	_ =	swait.ge [sflag:s26], $0x800  }
0xda: {  	[sflag:s26] =	ssyncset.done $0x0  }
0xdb: {  	[sflag:s26] =	ssyncadd.s32 $0xFFFFF800  }
0xdc: {  	_ =	swait.ge [sflag:s26], $0x800  }
0xdd: {  	[sflag:s26] =	ssyncset.done $0x0  }
0xde: {  	s6 =	sadd.s32 $0x1, s6;
	[sflag:s26] =	ssyncadd.s32 $0xFFFFF800  }
0xdf: {  	p0 =	sne.s32 s6, s21;
	_ =	swait.ge [sflag:s26], $0x800  }
.Ltmp2:
0xe0: {  	[sflag:s26] =	ssyncset.done $0x0;
	(pc) =	sbr.rel @p0 .LBB2_1-.Ltmp2, $4  }
0xe1: {  	[sflag:s26] =	ssyncadd.s32 $0xFFFFF800  }
0xe2: {  	_ =	swait.ge [sflag:s26], $0x800  }
0xe3: {  	[sflag:s26] =	ssyncset.done $0x0  }
0xe4: {  	[sflag:s26] =	ssyncadd.s32 $0xFFFFF800  }
0xe5: {  	_ =	sfence.sel $0x180000  }
0xe6: {  	[bflag:$0x0] =	sbarrier.arrive $0xFFFF  }
0xe7: {  	_ =	strace $0x9000004A  }
0xe8: {  	s0 =	stileid.u32;
	[bflag:$0x2] =	sbarrier.arrive $0xFFFF  }
0xe9: {  	p0 =	sne.s32 s0, $0x0;
	s0 =	rddreg [dreg:$0x2]  }
0xea: {  	s0 =	sadd.s32 @!p0 $0x100000, s0  }
0xeb: {  	[sflag:s0] =	ssyncadd.tile.s32 @!p0 $0x1;
	_ =	shalt  }
.Lfunc_end2:
_tile_overlayer_lowered:
.L_overlay_start_2:
0xec: {  	(tag) =	ssettag $0x2  }
0xed: {  	s0 =	rddreg [dreg:$0x0];
	s2 =	stileid.u32  }
0xee: {  	s1 =	rddreg [dreg:$0x1];
	p0 =	sne.s32 s2, $0x0  }
0xef: {  	s3 =	rddreg [dreg:$0x2];
	[bflag:$0x3] =	sbarrier.arrive $0xFFFF;
	s2 =	simm.s32 @!p0 $0x1C04  }
0xf0: {  	[timem:s3], [sflag:s2] =	dma.local @!p0 [hbm:s0], s1  }
0xf1: {  	s0 =	simm.s32 @!p0 $0x4  }
0xf2: {  	_ =	swait.ge @!p0 [sflag:s0], s1  }
0xf3: {  	s1 =	ssub.s32 @!p0 $0x0, s1;
	[sflag:s0] =	ssyncset.done @!p0 $0x0  }
0xf4: {  	[sflag:s0] =	ssyncadd.s32 @!p0 s1  }
0xf5: {  	[bflag:$0x3] =	sbarrier.arrive $0xFFFF  }
0xf6: {  	_ =	shalt  }

// kernel: kernel.14.cloned.1.call-start
scs
__scs_entry_jumppad:
0x0: {  	(pc) =	sbr.rel $0x88, $3  }
0x1: {  	(tag) =	ssettag $0x0;
	lr =	simm.s32 $0x1  }
0x2: {  	[smem:$0x3F9A] =	sst lr;
	_ =	strace $0xD0000000  }
0x3: {  	_ = 	snop  }
0x4: {  	_ = 	snop  }
0x5: {  	_ = 	snop  }
0x6: {  	_ = 	snop  }
0x7: {  	_ = 	snop  }
__scs_overlays_trampoline_lowered:
0x8: {  	[smem:$0x3FA9] =	sst s0  }
0x9: {  	[smem:$0x3FAA] =	sst s1  }
0xa: {  	[smem:$0x3FAB] =	sst s2  }
0xb: {  	[smem:$0x3FAC] =	sst s3  }
0xc: {  	[smem:$0x3FAD] =	sst s4  }
0xd: {  	[smem:$0x3FAE] =	sst s5  }
0xe: {  	[smem:$0x3FAF] =	sst s6  }
0xf: {  	[smem:$0x3FB0] =	sst s7  }
0x10: {  	[smem:$0x3FB1] =	sst s8  }
0x11: {  	[smem:$0x3FB2] =	sst s9;
	s0 =	simm.s32 @!p0 $0x0  }
0x12: {  	s1 =	sld [smem:$0x3F98];
	s0 =	simm.s32 @p0 $0x1  }
0x13: {  	[smem:$0x3FB3] =	sst s0;
	s0 =	simm.s32 @!p1 $0x0  }
0x14: {  	s2 =	sld [smem:$0x3F97];
	s0 =	simm.s32 @p1 $0x1  }
0x15: {  	[smem:$0x3FB4] =	sst s0;
	s0 =	simm.s32 @!p2 $0x0  }
0x16: {  	s3 =	sld [smem:$0x3FDB];
	s0 =	simm.s32 @p2 $0x1  }
0x17: {  	s4 =	simm.s32 $0x1BF5;
	[smem:$0x3FB6] =	sst s0  }
0x18: {  	s0 =	sld [smem:$0x3F99];
	_ =	swait.ge [sflag:s4], $0x0  }
0x19: {  	s7 =	sld [smem:$0x3F9A]  }
0x1a: {  	s8 =	sadd.s32 $0xFFFFE003, lr  }
0x1b: {  	s9 =	sadd.s32 $0xFFFFFEF7, lr;
	s5 =	simm.s32 $0xFFFFFFFF;
	p2 =	slt.u32 s8, $0xFFFFF086  }
0x1c: {  	p1 =	slt.u32 s9, $0xF7A;
	s5 =	simm.s32 @!p2 $0x0  }
0x1d: {  	s5 =	simm.s32 @p1 $0x1;
	p0 =	seq.s32 s7, s2  }
0x1e: {  	s7 =	smul.u32 @!p0 $0xF7A, s2;
	p2 =	seq.s32 @!p0 s5, $0x0  }
0x1f: {  	s9 =	smul.u32 $0xF7A, s1;
	s8 =	simm.s32 @!p0 $0x1BF5;
	p2 =	por !p2, p0  }
0x20: {  	[sflag:s8] =	ssyncset.s32 @!p0 $0xFFFFF086;
	s6 =	sadd.s32 @!p0 s3, s7;
	s7 =	simm.s32 @!p0 $0x108  }
0x21: {  	s3 =	sadd.s32 s3, s9;
	s6 =	sadd.s32 @!p0 $0x88, s6;
	s7 =	simm.s32 @p2 $0x1082  }
0x22: {  	[simem:s7], [sflag:s8] =	dma.local @!p0 [hbm:s6], $0xF7A  }
0x23: {  	s9 =	sor.u32 $0xD0000000, s2;
	s6 =	simm.s32 $0x108;
	_ =	swait.ge @!p0 [sflag:s8], $0x0  }
0x24: {  	s3 =	sadd.s32 $0x88, s3;
	s6 =	simm.s32 @!p1 $0x1082;
	[sflag:s4] =	ssyncset.s32 $0xFFFFF086  }
0x25: {  	[simem:s6], [sflag:s4] =	dma.local [hbm:s3], $0xF7A  }
0x26: {  	[smem:$0x3F9A] =	sst s1;
	(tag) =	ssettag s2;
	_ =	strace s9  }
0x27: {  	s1 =	sld [smem:$0x3FAA]  }
0x28: {  	s2 =	sld [smem:$0x3FAB]  }
0x29: {  	s4 =	sld [smem:$0x3FAD]  }
0x2a: {  	p0 =	seq.s32 s5, $0x0;
	s5 =	sld [smem:$0x3FAE]  }
0x2b: {  	s6 =	sld [smem:$0x3FAF]  }
0x2c: {  	s7 =	sld [smem:$0x3FB0]  }
0x2d: {  	s3 =	simm.s32 $0x108;
	s8 =	sld [smem:$0x3FB1]  }
0x2e: {  	s3 =	simm.s32 @!p0 $0x1082;
	s9 =	sld [smem:$0x3FB2]  }
0x2f: {  	lr =	sadd.s32 s0, s3;
	s0 =	sld [smem:$0x3FA9]  }
0x30: {  	s3 =	sld [smem:$0x3FAC]  }
0x31: {  	[smem:$0x3FB5] =	sst s10  }
0x32: {  	s10 =	sld [smem:$0x3FB3];
	_ =	sdelay $0x3  }
0x33: {  	p0 =	seq.s32 s10, $0x1;
	s10 =	sld [smem:$0x3FB5];
	_ =	sdelay $0x3  }
0x34: {  	[smem:$0x3FB5] =	sst s10  }
0x35: {  	s10 =	sld [smem:$0x3FB4];
	_ =	sdelay $0x3  }
0x36: {  	p1 =	seq.s32 s10, $0x1;
	s10 =	sld [smem:$0x3FB5];
	_ =	sdelay $0x3  }
0x37: {  	[smem:$0x3FB5] =	sst s10  }
0x38: {  	s10 =	sld [smem:$0x3FB6]  }
0x39: {  	_ = 	snop;
	(pc) =	sbr.ind lr, $3  }
0x3a: {  	_ = 	snop  }
0x3b: {  	_ = 	snop  }
0x3c: {  	p2 =	seq.s32 s10, $0x1;
	s10 =	sld [smem:$0x3FB5]  }
0x3d: {  	_ =	shalt  }
0x3e: {  	_ =	shalt  }
0x3f: {  	_ =	shalt  }
0x40: {  	_ =	shalt  }
0x41: {  	_ =	shalt  }
0x42: {  	_ =	shalt  }
0x43: {  	_ =	shalt  }
0x44: {  	_ =	shalt  }
0x45: {  	_ =	shalt  }
0x46: {  	_ =	shalt  }
0x47: {  	_ =	shalt  }
0x48: {  	_ =	shalt  }
0x49: {  	_ =	shalt  }
0x4a: {  	_ =	shalt  }
0x4b: {  	_ =	shalt  }
0x4c: {  	_ =	shalt  }
0x4d: {  	_ =	shalt  }
0x4e: {  	_ =	shalt  }
0x4f: {  	_ =	shalt  }
0x50: {  	_ =	shalt  }
0x51: {  	_ =	shalt  }
0x52: {  	_ =	shalt  }
0x53: {  	_ =	shalt  }
0x54: {  	_ =	shalt  }
0x55: {  	_ =	shalt  }
0x56: {  	_ =	shalt  }
0x57: {  	_ =	shalt  }
0x58: {  	_ =	shalt  }
0x59: {  	_ =	shalt  }
0x5a: {  	_ =	shalt  }
0x5b: {  	_ =	shalt  }
0x5c: {  	_ =	shalt  }
0x5d: {  	_ =	shalt  }
0x5e: {  	_ =	shalt  }
0x5f: {  	_ =	shalt  }
0x60: {  	_ =	shalt  }
0x61: {  	_ =	shalt  }
0x62: {  	_ =	shalt  }
0x63: {  	_ =	shalt  }
0x64: {  	_ =	shalt  }
0x65: {  	_ =	shalt  }
0x66: {  	_ =	shalt  }
0x67: {  	_ =	shalt  }
0x68: {  	_ =	shalt  }
0x69: {  	_ =	shalt  }
0x6a: {  	_ =	shalt  }
0x6b: {  	_ =	shalt  }
0x6c: {  	_ =	shalt  }
0x6d: {  	_ =	shalt  }
0x6e: {  	_ =	shalt  }
0x6f: {  	_ =	shalt  }
0x70: {  	_ =	shalt  }
0x71: {  	_ =	shalt  }
0x72: {  	_ =	shalt  }
0x73: {  	_ =	shalt  }
0x74: {  	_ =	shalt  }
0x75: {  	_ =	shalt  }
0x76: {  	_ =	shalt  }
0x77: {  	_ =	shalt  }
0x78: {  	_ =	shalt  }
0x79: {  	_ =	shalt  }
0x7a: {  	_ =	shalt  }
0x7b: {  	_ =	shalt  }
0x7c: {  	_ =	shalt  }
0x7d: {  	_ =	shalt  }
0x7e: {  	_ =	shalt  }
0x7f: {  	_ =	shalt  }
0x80: {  	_ =	shalt  }
0x81: {  	_ =	shalt  }
0x82: {  	_ =	shalt  }
0x83: {  	_ =	shalt  }
0x84: {  	_ =	shalt  }
0x85: {  	_ =	shalt  }
0x86: {  	_ =	shalt  }
0x87: {  	_ =	shalt  }
.Lfunc_end0:
.L_simem_size_0:
called_computation.2_lowered:
.L_overlay_start_0:
0x88: {  	s2 =	sld [smem:$0x3FD9]  }
0x89: {  	s3 =	sld [smem:$0x3FFE];
	_ =	sdelay $0x1  }
0x8a: {  	s1 =	srdreg.scid  }
0x8b: {  	s0 =	sand.u32 $0x1, s1  }
0x8c: {  	s16 =	sshll.u32 s0, $0xA;
	s2 =	sadd.s32 s3, s2  }
0x8d: {  	s2 =	sadd.s32 s2, s16  }
0x8e: {  	[smem:$0x3FC1] =	sst s2  }
0x8f: {  	_ = 	snop  }
0x90: {  	(tm) =	ssettm $0x1  }
0x91: {  	s17 =	sld [smem:$0x3FFB];
	_ =	sdelay $0x3  }
0x92: {  	_ =	strace s17  }
0x93: {  	s2 =	sld [smem:$0x3FFC];
	_ =	sdelay $0x3  }
0x94: {  	_ =	strace s2  }
0x95: {  	s2 =	sld [smem:$0x3FFD];
	_ =	sdelay $0x3  }
0x96: {  	_ =	strace s2  }
0x97: {  	_ =	strace $0x8FFFFFFF  }
0x98: {  	s18 =	sld [smem:$0x3FDB];
	_ =	sdelay $0x1  }
0x99: {  	s19 =	simm.s32 $_scs_section_size  }
0x9a: {  	s4 =	simm.s32 $_size__tile_overlayer_lowered;
	s5 =	simm.s32 $_tile_overlayer_lowered  }
0x9b: {  	s22 =	simm.s32 $0x1BFF;
	s21 =	sshll.u32 s5, $0x1;
	s2 =	sadd.s32 s19, s18  }
0x9c: {  	s6 =	simm.s32 $0x0;
	s20 =	sshll.u32 s4, $0x1;
	s4 =	sadd.s32 s21, s2  }
0x9d: {  	[timem:s6], [sflag:s22] =	dma.local [hbm:s4], s20  }
0x9e: {  	_ =	swait.ge [sflag:s22], s20  }
0x9f: {  	s3 =	ssub.s32 $0x0, s20;
	[sflag:s22] =	ssyncset.done $0x0  }
0xa0: {  	[sflag:s22] =	ssyncadd.s32 s3;
	_ =	sdelay $0x1  }
0xa1: {  	s23 =	simm.s32 $0x1B8B  }
0xa2: {  	_ =	swait.ge [sflag:s23], $0x1  }
0xa3: {  	[sflag:s23] =	ssyncset.done $0x0  }
0xa4: {  	s25 =	simm.s32 $0x1B8E;
	s24 =	sld [smem:$0x3FFE];
	[sflag:s23] =	ssyncadd.s32 $0xFFFFFFFF  }
0xa5: {  	s26 =	simm.s32 $execute0_lowered;
	[smem:$0x3FD2] =	sst s25  }
0xa6: {  	s4 =	sshll.u32 s26, $0x1;
	_ =	strace $0x8000004C;
	[dreg:$0x1] =	wrdreg $0xFFFFFFFF  }
0xa7: {  	s28 =	simm.s32 $_size_execute0_lowered;
	s2 =	sadd.s32 s2, s4;
	[dreg:$0x0] =	wrdreg $0x0  }
0xa8: {  	s4 =	sshll.u32 s28, $0x1;
	[dreg:$0x2] =	wrdreg s2  }
0xa9: {  	[dreg:$0x3] =	wrdreg s4  }
0xaa: {  	[dreg:$0x4] =	wrdreg $0xC0  }
0xab: {  	_ =	task [dreg:s6], $0x5FFFF  }
0xac: {  	[dreg:$0x1] =	wrdreg $0xFFFFFFFF  }
0xad: {  	[dreg:$0x0] =	wrdreg $0x60  }
0xae: {  	[dreg:$0x2] =	wrdreg s24  }
0xaf: {  	[dreg:$0x3] =	wrdreg $0xA8000  }
0xb0: {  	[dreg:$0x4] =	wrdreg $0x9  }
0xb1: {  	_ =	task.clear_ibuf [dreg:s6], $0x5FFFF;
	_ =	strace $0x9000004C  }
0xb2: {  	s29 =	simm.s32 $0x9;
	_ =	strace $0x8000004E  }
0xb3: {  	_ =	swait.ge [sflag:s29], $0x1  }
0xb4: {  	[sflag:s29] =	ssyncadd.s32 $0xFFFFFFFF  }
0xb5: {  	_ =	strace $0x9000004E  }
0xb6: {  	_ =	sfence  }
0xb7: {  	s30 =	sld [smem:$0x0];
	_ =	sdelay $0x2  }
0xb8: {  	s31 =	sshll.u32 s1, $0xD;
	s1 =	sshrl.u32 s1, $0x2  }
0xb9: {  	s3 =	sand.u32 $0x4000, s31;
	s1 =	sadd.s32 s1, s30  }
0xba: {  	s0 =	sor.u32 s3, s0;
	s1 =	sshll.u32 s1, $0x11  }
0xbb: {  	s0 =	sor.u32 s1, s0  }
0xbc: {  	s0 =	sadd.s32 $0x8F2B, s0  }
0xbd: {  	[sflag:s0] =	ssyncadd.remote.s32 $0x1  }
0xbe: {  	_ =	sfence.sel $0xFFFF  }
0xbf: {  	[dreg:$0x0] =	wrdreg $0xFFFFFFFF;
	(pc) =	sbr.abs _section_cstart, $3  }
0xc0: {  	[dreg:$0x1] =	wrdreg $0xFFFFFFFF  }
0xc1: {  	_ =	task.clear_ibuf [dreg:s6], $0x2FFFF;
	_ =	strace $0x9FFFFFFF  }
0xc2: {  	(tm) =	ssettm $0x7FFFFFFF  }
0xc3: {  	_ =	shalt  }
tec
execute0_lowered:
.L_overlay_start_1:
0x0: {  	(tag) =	ssettag $0x1  }
0x1: {  	s0 =	srdreg.scid;
	s1 =	rddreg [dreg:$0x0]  }
0x2: {  	s11 =	stileid.u32;
	s2 =	rddreg [dreg:$0x1];
	s28 =	simm.s32 $0x6800  }
0x3: {  	s29 =	simm.s32 $0x1;
	s30 =	simm.s32 $0x2;
	s7 =	smul.u32 $0x50000, s11  }
0x4: {  	s31 =	simm.s32 $0x1380;
	s0 =	sand.u32 $0x1, s0;
	s10 =	smul.u32 $0x14000, s11  }
0x5: {  	s3 =	sshll.u32 s0, $0x4;
	s8 =	ssub.s32 $0x2, s0;
	s0 =	smul.u32 $0x140000, s0  }
0x6: {  	s4 =	sor.u32 s11, s3;
	s3 =	simm.s32 $0x0;
	s9 =	sshrl.u32 s8, $0x1  }
0x7: {  	s7 =	sshrl.u32 s7, $0x2;
	s15 =	sadd.s32 $0x8000, s10;
	s17 =	sadd.s32 $0xC000, s10  }
0x8: {  	s18 =	sadd.s32 $0x10000, s10;
	s4 =	smul.u32 $0x2800, s4;
	[smem:$0x7FF] =	sst s3  }
0x9: {  	s8 =	ssub.s32 s8, s9;
	s7 =	sadd.s32 s7, s2;
	s9 =	sshll.u32 s11, $0x6  }
0xa: {  	s11 =	sadd.s32 $0x4000, s10;
	s16 =	sadd.s32 s15, s2;
	s13 =	sadd.s32 s17, s2  }
0xb: {  	s14 =	sadd.s32 s18, s2;
	_ =	strace $0x8000004D;
	[dreg:$0x3] =	wrdreg s7  }
0xc: {  	s10 =	sadd.s32 s10, s0;
	s24 =	sadd.s32 s0, s15;
	[dreg:$0x5] =	wrdreg s16  }
0xd: {  	s25 =	sadd.s32 s0, s17;
	s7 =	sor.u32 $0x1C03, s9;
	[dreg:$0x6] =	wrdreg s13  }
0xe: {  	s12 =	sadd.s32 s11, s2;
	[dreg:$0x7] =	wrdreg s14;
	s9 =	sadd.s32 s0, s11  }
0xf: {  	s22 =	sshrl.u32 s10, $0x3;
	s0 =	sadd.s32 s0, s18;
	s5 =	sshrl.u32 s4, $0x3  }
0x10: {  	s26 =	sshrl.u32 s25, $0x3;
	s25 =	simm.s32 $0x2800;
	s6 =	sadd.s32 s5, s1  }
0x11: {  	s4 =	sadd.s32 $0x17000, s1;
	[dreg:$0x4] =	wrdreg s12;
	s19 =	sadd.s32 $0x3000, s6  }
0x12: {  	s9 =	sshrl.u32 s9, $0x3;
	s20 =	sadd.s32 $0xD000, s6;
	[dreg:$0x8] =	wrdreg s19  }
0x13: {  	s5 =	sadd.s32 $0x3E200, s1;
	s21 =	sadd.s32 $0x3280, s6;
	[dreg:$0x9] =	wrdreg s20  }
0x14: {  	s1 =	sadd.s32 $0x3EA00, s1;
	s6 =	sadd.s32 $0xD280, s6;
	[dreg:$0xa] =	wrdreg s21  }
0x15: {  	s0 =	sshrl.u32 s0, $0x3;
	s23 =	sadd.s32 s1, s9;
	[dreg:$0xb] =	wrdreg s6  }
0x16: {  	s6 =	sadd.s32 s1, s22;
	[dreg:$0xd] =	wrdreg s23;
	s19 =	sadd.s32 s1, s26  }
0x17: {  	s20 =	sadd.s32 s1, s0;
	s21 =	smax.u32 s8, $0x1;
	s22 =	simm.s32 $0x4  }
0x18: {  	s23 =	simm.s32 $0x1400;
	s26 =	simm.s32 $0x3;
	s0 =	simm.s32 $0x2780  }
0x19: {  	[dreg:$0xc] =	wrdreg s6;
	s6 =	sshrl.u32 s24, $0x3;
	s24 =	simm.s32 $0x80  }
0x1a: {  	s18 =	sadd.s32 s1, s6;
	s1 =	simm.s32 $0x2700;
	s6 =	simm.s32 $0x0  }
.LBB2_1:
0x1b: {  	s8 =	rddreg [dreg:$0x3]  }
0x1c: {  	s8 =	sshrl.u32 s8, $0x3  }
0x1d: {  	[spmem:s8], [sflag:s7] =	dma.local [hbm:s5], $0x800  }
0x1e: {  	s9 =	rddreg [dreg:$0x4]  }
0x1f: {  	s9 =	sshrl.u32 s9, $0x3  }
0x20: {  	[spmem:s9], [sflag:s7] =	dma.local [hbm:s5], $0x800  }
0x21: {  	s10 =	rddreg [dreg:$0x5]  }
0x22: {  	s10 =	sshrl.u32 s10, $0x3  }
0x23: {  	[spmem:s10], [sflag:s7] =	dma.local [hbm:s5], $0x800  }
0x24: {  	s11 =	rddreg [dreg:$0x6]  }
0x25: {  	s11 =	sshrl.u32 s11, $0x3  }
0x26: {  	[spmem:s11], [sflag:s7] =	dma.local [hbm:s5], $0x800  }
0x27: {  	s12 =	rddreg [dreg:$0x7]  }
0x28: {  	s12 =	sshrl.u32 s12, $0x3  }
0x29: {  	[spmem:s12], [sflag:s7] =	dma.local [hbm:s5], $0x800  }
0x2a: {  	s13 =	rddreg [dreg:$0x8]  }
0x2b: {  	[tilespmem:s3], [sflag:$0x4] =	stream.linear.gather [hbm4b:s13+s3], $0x1400, $0x38;
	[tilespmem:$0x1E800] =	vst v63  }
0x2c: {  	_ =	swait.ge [sflag:s22], $0x1400  }
0x2d: {  	[sflag:s22] =	ssyncset.done $0x0  }
0x2e: {  	s17 =	rddreg [dreg:$0x9];
	[sflag:s22] =	ssyncadd.s32 $0xFFFFEC00  }
0x2f: {  	[tilespmem:s23], [sflag:$0x4] =	stream.linear.gather [hbm4b:s17+s3], $0x1400, $0x38;
	[tilespmem:$0x1E800] =	vst v63  }
0x30: {  	_ =	swait.ge [sflag:s22], $0x1400  }
0x31: {  	[sflag:s22] =	ssyncset.done $0x0  }
0x32: {  	[sflag:s22] =	ssyncadd.s32 $0xFFFFEC00  }
0x33: {  	[tilespmem:s25], [sflag:$0x1] =	stream.indirect.gather [hbm4b:s4+s24], $0x80, s3, s24, $0xb8;
	[tilespmem:$0x1E800] =	vst v63  }
0x34: {  	_ =	swait.ge [sflag:s26], $0x800  }
0x35: {  	[sflag:s26] =	ssyncset.done $0x0  }
0x36: {  	[sflag:s26] =	ssyncadd.s32 $0xFFFFF800  }
0x37: {  	_ =	swait.ge [sflag:s26], $0x800  }
0x38: {  	[sflag:s26] =	ssyncset.done $0x0  }
0x39: {  	[sflag:s26] =	ssyncadd.s32 $0xFFFFF800  }
0x3a: {  	_ =	swait.ge [sflag:s26], $0x800  }
0x3b: {  	[sflag:s26] =	ssyncset.done $0x0  }
0x3c: {  	[sflag:s26] =	ssyncadd.s32 $0xFFFFF800  }
0x3d: {  	_ =	swait.ge [sflag:s26], $0x800  }
0x3e: {  	[sflag:s26] =	ssyncset.done $0x0  }
0x3f: {  	[sflag:s26] =	ssyncadd.s32 $0xFFFFF800  }
0x40: {  	_ =	swait.ge [sflag:s26], $0x800  }
0x41: {  	[sflag:s26] =	ssyncset.done $0x0  }
0x42: {  	[sflag:s26] =	ssyncadd.s32 $0xFFFFF800  }
0x43: {  	s14 =	simm.s32 $0x80;
	[bflag:$0x0] =	sbarrier.arrive $0xFFFF  }
0x44: {  	[tilespmem:s28], [sflag:$0x2] =	stream.indirect.gather [hbm4b:s4+s24], $0x80, s14, s24, $0xb8;
	[tilespmem:$0x1E800] =	vst v63  }
0x45: {  	_ =	swait.ge [sflag:s29], $0x4000  }
0x46: {  	[sflag:s29] =	ssyncset.done $0x0  }
0x47: {  	s15 =	simm.s32 $0x1400;
	[sflag:s29] =	ssyncadd.s32 $0xFFFFC000  }
0x48: {  	[spmem:s2] =	stream.indirect.scatter.add.f32 [tilespmem:s25], [sflag:$0x4], $0x80, s15, s24, $0xb8;
	[tilespmem:$0x1E800] =	vst v63  }
0x49: {  	_ =	swait.ge [sflag:s22], $0x4000  }
0x4a: {  	[sflag:s22] =	ssyncset.done $0x0  }
0x4b: {  	s16 =	simm.s32 $0x100;
	[sflag:s22] =	ssyncadd.s32 $0xFFFFC000  }
0x4c: {  	[tilespmem:s25], [sflag:$0x1] =	stream.indirect.gather [hbm4b:s4+s24], $0x80, s16, s24, $0xb8;
	[tilespmem:$0x1E800] =	vst v63  }
0x4d: {  	_ =	swait.ge [sflag:s30], $0x4000  }
0x4e: {  	[sflag:s30] =	ssyncset.done $0x0  }
0x4f: {  	s17 =	simm.s32 $0x1480;
	[sflag:s30] =	ssyncadd.s32 $0xFFFFC000  }
0x50: {  	[spmem:s2] =	stream.indirect.scatter.add.f32 [tilespmem:s28], [sflag:$0x4], $0x80, s17, s24, $0xb8;
	[tilespmem:$0x1E800] =	vst v63  }
0x51: {  	_ =	swait.ge [sflag:s22], $0x4000  }
0x52: {  	s13 =	simm.s32 $0x100;
	s14 =	simm.s32 $0x800;
	[sflag:s22] =	ssyncset.done $0x0  }
.LBB2_2:
0x53: {  	s15 =	sadd.s32 $0x80, s13  }
0x54: {  	[sflag:s22] =	ssyncadd.s32 $0xFFFFC000;
	s16 =	smov.u32 s14;
	s17 =	sadd.s32 $0x400, s14  }
0x55: {  	[tilespmem:s28], [sflag:$0x2] =	stream.indirect.gather [hbm4b:s4+s24], $0x80, s15, s24, $0xb8;
	[tilespmem:$0x1E800] =	vst v63  }
0x56: {  	p0 =	sne.s32 s14, $0x4800;
	_ =	swait.ge [sflag:s29], $0x4000  }
0x57: {  	[sflag:s29] =	ssyncset.done $0x0  }
0x58: {  	s14 =	sadd.s32 $0x1400, s13;
	[sflag:s29] =	ssyncadd.s32 $0xFFFFC000  }
0x59: {  	[spmem:s2] =	stream.indirect.scatter.add.f32 [tilespmem:s25], [sflag:$0x4], $0x80, s14, s24, $0xb8;
	[tilespmem:$0x1E800] =	vst v63  }
0x5a: {  	_ =	swait.ge [sflag:s22], $0x4000  }
0x5b: {  	[sflag:s22] =	ssyncset.done $0x0  }
0x5c: {  	s14 =	sadd.s32 $0x100, s13;
	[sflag:s22] =	ssyncadd.s32 $0xFFFFC000  }
0x5d: {  	[tilespmem:s25], [sflag:$0x1] =	stream.indirect.gather [hbm4b:s4+s24], $0x80, s14, s24, $0xb8;
	[tilespmem:$0x1E800] =	vst v63  }
0x5e: {  	_ =	swait.ge [sflag:s30], $0x4000  }
.Ltmp0:
0x5f: {  	[sflag:s30] =	ssyncset.done $0x0;
	(pc) =	sbr.rel @p0 .LBB2_2-.Ltmp0, $4  }
0x60: {  	s13 =	sadd.s32 $0x1480, s13;
	[sflag:s30] =	ssyncadd.s32 $0xFFFFC000  }
0x61: {  	[spmem:s2] =	stream.indirect.scatter.add.f32 [tilespmem:s28], [sflag:$0x4], $0x80, s13, s24, $0xb8;
	[tilespmem:$0x1E800] =	vst v63  }
0x62: {  	_ =	swait.ge [sflag:s22], $0x4000  }
0x63: {  	s14 =	smov.u32 s17;
	s13 =	sshra.s32 s16, $0x2;
	[sflag:s22] =	ssyncset.done $0x0  }
0x64: {  	s14 =	sadd.s32 $0x80, s13;
	[sflag:s22] =	ssyncadd.s32 $0xFFFFC000  }
0x65: {  	[tilespmem:s28], [sflag:$0x2] =	stream.indirect.gather [hbm4b:s4+s24], $0x80, s14, s24, $0xb8;
	[tilespmem:$0x1E800] =	vst v63  }
0x66: {  	_ =	swait.ge [sflag:s29], $0x4000  }
0x67: {  	[sflag:s29] =	ssyncset.done $0x0  }
0x68: {  	s16 =	sadd.s32 $0x1400, s13;
	[sflag:s29] =	ssyncadd.s32 $0xFFFFC000  }
0x69: {  	[spmem:s2] =	stream.indirect.scatter.add.f32 [tilespmem:s25], [sflag:$0x4], $0x80, s16, s24, $0xb8;
	[tilespmem:$0x1E800] =	vst v63  }
0x6a: {  	_ =	swait.ge [sflag:s22], $0x4000  }
0x6b: {  	[sflag:s22] =	ssyncset.done $0x0  }
0x6c: {  	s17 =	sadd.s32 $0x100, s13;
	[sflag:s22] =	ssyncadd.s32 $0xFFFFC000  }
0x6d: {  	[tilespmem:s25], [sflag:$0x1] =	stream.indirect.gather [hbm4b:s4+s24], $0x80, s17, s24, $0xb8;
	[tilespmem:$0x1E800] =	vst v63  }
0x6e: {  	_ =	swait.ge [sflag:s30], $0x4000  }
0x6f: {  	[sflag:s30] =	ssyncset.done $0x0  }
0x70: {  	s14 =	sadd.s32 $0x1480, s13;
	[sflag:s30] =	ssyncadd.s32 $0xFFFFC000  }
0x71: {  	[spmem:s2] =	stream.indirect.scatter.add.f32 [tilespmem:s28], [sflag:$0x4], $0x80, s14, s24, $0xb8;
	[tilespmem:$0x1E800] =	vst v63  }
0x72: {  	_ =	swait.ge [sflag:s22], $0x4000  }
0x73: {  	[sflag:s22] =	ssyncset.done $0x0  }
0x74: {  	[sflag:s22] =	ssyncadd.s32 $0xFFFFC000  }
0x75: {  	[tilespmem:s28], [sflag:$0x2] =	stream.indirect.gather [hbm4b:s4+s24], $0x80, s31, s24, $0xb8;
	[tilespmem:$0x1E800] =	vst v63  }
0x76: {  	_ =	swait.ge [sflag:s29], $0x4000  }
0x77: {  	[sflag:s29] =	ssyncset.done $0x0  }
0x78: {  	[sflag:s29] =	ssyncadd.s32 $0xFFFFC000  }
0x79: {  	[spmem:s2] =	stream.indirect.scatter.add.f32 [tilespmem:s25], [sflag:$0x4], $0x80, s1, s24, $0xb8;
	[tilespmem:$0x1E800] =	vst v63  }
0x7a: {  	_ =	swait.ge [sflag:s22], $0x4000  }
0x7b: {  	[sflag:s22] =	ssyncset.done $0x0  }
0x7c: {  	[sflag:s22] =	ssyncadd.s32 $0xFFFFC000  }
0x7d: {  	_ =	swait.ge [sflag:s30], $0x4000  }
0x7e: {  	[sflag:s30] =	ssyncset.done $0x0  }
0x7f: {  	[sflag:s30] =	ssyncadd.s32 $0xFFFFC000  }
0x80: {  	[spmem:s2] =	stream.indirect.scatter.add.f32 [tilespmem:s28], [sflag:$0x4], $0x80, s0, s24, $0xb8;
	[tilespmem:$0x1E800] =	vst v63  }
0x81: {  	_ =	swait.ge [sflag:s22], $0x4000  }
0x82: {  	[sflag:s22] =	ssyncset.done $0x0  }
0x83: {  	s15 =	simm.s32 $0x0;
	s16 =	rddreg [dreg:$0xa];
	[sflag:s22] =	ssyncadd.s32 $0xFFFFC000  }
0x84: {  	[tilespmem:s15], [sflag:$0x4] =	stream.linear.gather [hbm4b:s16+s15], $0x1400, $0x38;
	[tilespmem:$0x1E800] =	vst v63  }
0x85: {  	_ =	swait.ge [sflag:s22], $0x1400  }
0x86: {  	[sflag:s22] =	ssyncset.done $0x0  }
0x87: {  	s17 =	rddreg [dreg:$0xb];
	[sflag:s22] =	ssyncadd.s32 $0xFFFFEC00  }
0x88: {  	[tilespmem:s23], [sflag:$0x4] =	stream.linear.gather [hbm4b:s17+s15], $0x1400, $0x38;
	[tilespmem:$0x1E800] =	vst v63  }
0x89: {  	_ =	swait.ge [sflag:s22], $0x1400  }
0x8a: {  	[sflag:s22] =	ssyncset.done $0x0  }
0x8b: {  	[sflag:s22] =	ssyncadd.s32 $0xFFFFEC00  }
0x8c: {  	[tilespmem:s25], [sflag:$0x1] =	stream.indirect.gather [hbm4b:s4+s24], $0x80, s15, s24, $0xb8;
	[tilespmem:$0x1E800] =	vst v63  }
0x8d: {  	s14 =	simm.s32 $0x80  }
0x8e: {  	[tilespmem:s28], [sflag:$0x2] =	stream.indirect.gather [hbm4b:s4+s24], $0x80, s14, s24, $0xb8;
	[tilespmem:$0x1E800] =	vst v63  }
0x8f: {  	_ =	swait.ge [sflag:s29], $0x4000  }
0x90: {  	[sflag:s29] =	ssyncset.done $0x0  }
0x91: {  	s15 =	simm.s32 $0x1400;
	[sflag:s29] =	ssyncadd.s32 $0xFFFFC000  }
0x92: {  	[spmem:s2] =	stream.indirect.scatter.add.f32 [tilespmem:s25], [sflag:$0x4], $0x80, s15, s24, $0xb8;
	[tilespmem:$0x1E800] =	vst v63  }
0x93: {  	_ =	swait.ge [sflag:s22], $0x4000  }
0x94: {  	[sflag:s22] =	ssyncset.done $0x0  }
0x95: {  	s16 =	simm.s32 $0x100;
	[sflag:s22] =	ssyncadd.s32 $0xFFFFC000  }
0x96: {  	[tilespmem:s25], [sflag:$0x1] =	stream.indirect.gather [hbm4b:s4+s24], $0x80, s16, s24, $0xb8;
	[tilespmem:$0x1E800] =	vst v63  }
0x97: {  	_ =	swait.ge [sflag:s30], $0x4000  }
0x98: {  	[sflag:s30] =	ssyncset.done $0x0  }
0x99: {  	s17 =	simm.s32 $0x1480;
	[sflag:s30] =	ssyncadd.s32 $0xFFFFC000  }
0x9a: {  	[spmem:s2] =	stream.indirect.scatter.add.f32 [tilespmem:s28], [sflag:$0x4], $0x80, s17, s24, $0xb8;
	[tilespmem:$0x1E800] =	vst v63  }
0x9b: {  	_ =	swait.ge [sflag:s22], $0x4000  }
0x9c: {  	s13 =	simm.s32 $0x100;
	s14 =	simm.s32 $0x800;
	[sflag:s22] =	ssyncset.done $0x0  }
.LBB2_4:
0x9d: {  	s15 =	sadd.s32 $0x80, s13  }
0x9e: {  	[sflag:s22] =	ssyncadd.s32 $0xFFFFC000;
	s16 =	smov.u32 s14;
	s17 =	sadd.s32 $0x400, s14  }
0x9f: {  	[tilespmem:s28], [sflag:$0x2] =	stream.indirect.gather [hbm4b:s4+s24], $0x80, s15, s24, $0xb8;
	[tilespmem:$0x1E800] =	vst v63  }
0xa0: {  	p0 =	sne.s32 s14, $0x4800;
	_ =	swait.ge [sflag:s29], $0x4000  }
0xa1: {  	[sflag:s29] =	ssyncset.done $0x0  }
0xa2: {  	s14 =	sadd.s32 $0x1400, s13;
	[sflag:s29] =	ssyncadd.s32 $0xFFFFC000  }
0xa3: {  	[spmem:s2] =	stream.indirect.scatter.add.f32 [tilespmem:s25], [sflag:$0x4], $0x80, s14, s24, $0xb8;
	[tilespmem:$0x1E800] =	vst v63  }
0xa4: {  	_ =	swait.ge [sflag:s22], $0x4000  }
0xa5: {  	[sflag:s22] =	ssyncset.done $0x0  }
0xa6: {  	s14 =	sadd.s32 $0x100, s13;
	[sflag:s22] =	ssyncadd.s32 $0xFFFFC000  }
0xa7: {  	[tilespmem:s25], [sflag:$0x1] =	stream.indirect.gather [hbm4b:s4+s24], $0x80, s14, s24, $0xb8;
	[tilespmem:$0x1E800] =	vst v63  }
0xa8: {  	_ =	swait.ge [sflag:s30], $0x4000  }
.Ltmp1:
0xa9: {  	[sflag:s30] =	ssyncset.done $0x0;
	(pc) =	sbr.rel @p0 .LBB2_4-.Ltmp1, $4  }
0xaa: {  	s13 =	sadd.s32 $0x1480, s13;
	[sflag:s30] =	ssyncadd.s32 $0xFFFFC000  }
0xab: {  	[spmem:s2] =	stream.indirect.scatter.add.f32 [tilespmem:s28], [sflag:$0x4], $0x80, s13, s24, $0xb8;
	[tilespmem:$0x1E800] =	vst v63  }
0xac: {  	_ =	swait.ge [sflag:s22], $0x4000  }
0xad: {  	s14 =	smov.u32 s17;
	s13 =	sshra.s32 s16, $0x2;
	[sflag:s22] =	ssyncset.done $0x0  }
0xae: {  	s14 =	sadd.s32 $0x80, s13;
	[sflag:s22] =	ssyncadd.s32 $0xFFFFC000  }
0xaf: {  	[tilespmem:s28], [sflag:$0x2] =	stream.indirect.gather [hbm4b:s4+s24], $0x80, s14, s24, $0xb8;
	[tilespmem:$0x1E800] =	vst v63  }
0xb0: {  	_ =	swait.ge [sflag:s29], $0x4000  }
0xb1: {  	[sflag:s29] =	ssyncset.done $0x0  }
0xb2: {  	s17 =	sadd.s32 $0x1400, s13;
	[sflag:s29] =	ssyncadd.s32 $0xFFFFC000  }
0xb3: {  	[spmem:s2] =	stream.indirect.scatter.add.f32 [tilespmem:s25], [sflag:$0x4], $0x80, s17, s24, $0xb8;
	[tilespmem:$0x1E800] =	vst v63  }
0xb4: {  	_ =	swait.ge [sflag:s22], $0x4000  }
0xb5: {  	[sflag:s22] =	ssyncset.done $0x0  }
0xb6: {  	s15 =	sadd.s32 $0x100, s13;
	[sflag:s22] =	ssyncadd.s32 $0xFFFFC000  }
0xb7: {  	[tilespmem:s25], [sflag:$0x1] =	stream.indirect.gather [hbm4b:s4+s24], $0x80, s15, s24, $0xb8;
	[tilespmem:$0x1E800] =	vst v63  }
0xb8: {  	_ =	swait.ge [sflag:s30], $0x4000  }
0xb9: {  	[sflag:s30] =	ssyncset.done $0x0  }
0xba: {  	s16 =	sadd.s32 $0x1480, s13;
	[sflag:s30] =	ssyncadd.s32 $0xFFFFC000  }
0xbb: {  	[spmem:s2] =	stream.indirect.scatter.add.f32 [tilespmem:s28], [sflag:$0x4], $0x80, s16, s24, $0xb8;
	[tilespmem:$0x1E800] =	vst v63  }
0xbc: {  	_ =	swait.ge [sflag:s22], $0x4000  }
0xbd: {  	[sflag:s22] =	ssyncset.done $0x0  }
0xbe: {  	[sflag:s22] =	ssyncadd.s32 $0xFFFFC000  }
0xbf: {  	[tilespmem:s28], [sflag:$0x2] =	stream.indirect.gather [hbm4b:s4+s24], $0x80, s31, s24, $0xb8;
	[tilespmem:$0x1E800] =	vst v63  }
0xc0: {  	_ =	swait.ge [sflag:s29], $0x4000  }
0xc1: {  	[sflag:s29] =	ssyncset.done $0x0  }
0xc2: {  	[sflag:s29] =	ssyncadd.s32 $0xFFFFC000  }
0xc3: {  	[spmem:s2] =	stream.indirect.scatter.add.f32 [tilespmem:s25], [sflag:$0x4], $0x80, s1, s24, $0xb8;
	[tilespmem:$0x1E800] =	vst v63  }
0xc4: {  	_ =	swait.ge [sflag:s22], $0x4000  }
0xc5: {  	[sflag:s22] =	ssyncset.done $0x0  }
0xc6: {  	[sflag:s22] =	ssyncadd.s32 $0xFFFFC000  }
0xc7: {  	_ =	swait.ge [sflag:s30], $0x4000  }
0xc8: {  	[sflag:s30] =	ssyncset.done $0x0  }
0xc9: {  	[sflag:s30] =	ssyncadd.s32 $0xFFFFC000  }
0xca: {  	[spmem:s2] =	stream.indirect.scatter.add.f32 [tilespmem:s28], [sflag:$0x4], $0x80, s0, s24, $0xb8;
	[tilespmem:$0x1E800] =	vst v63  }
0xcb: {  	_ =	swait.ge [sflag:s22], $0x4000  }
0xcc: {  	[sflag:s22] =	ssyncset.done $0x0  }
0xcd: {  	[sflag:s22] =	ssyncadd.s32 $0xFFFFC000  }
0xce: {  	[bflag:$0x0] =	sbarrier.arrive $0xFFFF  }
0xcf: {  	s17 =	rddreg [dreg:$0xc]  }
0xd0: {  	[hbm:s17], [sflag:s7] =	dma.local [spmem:s8], $0x800  }
0xd1: {  	s8 =	rddreg [dreg:$0xd]  }
0xd2: {  	[hbm:s8], [sflag:s7] =	dma.local [spmem:s9], $0x800  }
0xd3: {  	[hbm:s18], [sflag:s7] =	dma.local [spmem:s10], $0x800  }
0xd4: {  	[hbm:s19], [sflag:s7] =	dma.local [spmem:s11], $0x800  }
0xd5: {  	[hbm:s20], [sflag:s7] =	dma.local [spmem:s12], $0x800  }
0xd6: {  	_ =	swait.ge [sflag:s26], $0x800  }
0xd7: {  	[sflag:s26] =	ssyncset.done $0x0  }
0xd8: {  	[sflag:s26] =	ssyncadd.s32 $0xFFFFF800  }
0xd9: {  	_ =	swait.ge [sflag:s26], $0x800  }
0xda: {  	[sflag:s26] =	ssyncset.done $0x0  }
0xdb: {  	[sflag:s26] =	ssyncadd.s32 $0xFFFFF800  }
0xdc: {  	_ =	swait.ge [sflag:s26], $0x800  }
0xdd: {  	[sflag:s26] =	ssyncset.done $0x0  }
0xde: {  	s6 =	sadd.s32 $0x1, s6;
	[sflag:s26] =	ssyncadd.s32 $0xFFFFF800  }
0xdf: {  	p0 =	sne.s32 s6, s21;
	_ =	swait.ge [sflag:s26], $0x800  }
.Ltmp2:
0xe0: {  	[sflag:s26] =	ssyncset.done $0x0;
	(pc) =	sbr.rel @p0 .LBB2_1-.Ltmp2, $4  }
0xe1: {  	[sflag:s26] =	ssyncadd.s32 $0xFFFFF800  }
0xe2: {  	_ =	swait.ge [sflag:s26], $0x800  }
0xe3: {  	[sflag:s26] =	ssyncset.done $0x0  }
0xe4: {  	[sflag:s26] =	ssyncadd.s32 $0xFFFFF800  }
0xe5: {  	_ =	sfence.sel $0x180000  }
0xe6: {  	[bflag:$0x0] =	sbarrier.arrive $0xFFFF  }
0xe7: {  	_ =	strace $0x9000004D  }
0xe8: {  	s0 =	stileid.u32;
	[bflag:$0x2] =	sbarrier.arrive $0xFFFF  }
0xe9: {  	p0 =	sne.s32 s0, $0x0;
	s0 =	rddreg [dreg:$0x2]  }
0xea: {  	s0 =	sadd.s32 @!p0 $0x100000, s0  }
0xeb: {  	[sflag:s0] =	ssyncadd.tile.s32 @!p0 $0x1;
	_ =	shalt  }
.Lfunc_end2:
_tile_overlayer_lowered:
.L_overlay_start_2:
0xec: {  	(tag) =	ssettag $0x2  }
0xed: {  	s0 =	rddreg [dreg:$0x0];
	s2 =	stileid.u32  }
0xee: {  	s1 =	rddreg [dreg:$0x1];
	p0 =	sne.s32 s2, $0x0  }
0xef: {  	s3 =	rddreg [dreg:$0x2];
	[bflag:$0x3] =	sbarrier.arrive $0xFFFF;
	s2 =	simm.s32 @!p0 $0x1C04  }
0xf0: {  	[timem:s3], [sflag:s2] =	dma.local @!p0 [hbm:s0], s1  }
0xf1: {  	s0 =	simm.s32 @!p0 $0x4  }
0xf2: {  	_ =	swait.ge @!p0 [sflag:s0], s1  }
0xf3: {  	s1 =	ssub.s32 @!p0 $0x0, s1;
	[sflag:s0] =	ssyncset.done @!p0 $0x0  }
0xf4: {  	[sflag:s0] =	ssyncadd.s32 @!p0 s1  }
0xf5: {  	[bflag:$0x3] =	sbarrier.arrive $0xFFFF  }
0xf6: {  	_ =	shalt  }

// kernel: kernel.8.cloned.1.call-start
scs
__scs_entry_jumppad:
0x0: {  	(pc) =	sbr.rel $0x88, $3  }
0x1: {  	(tag) =	ssettag $0x0;
	lr =	simm.s32 $0x1  }
0x2: {  	[smem:$0x3F9A] =	sst lr;
	_ =	strace $0xD0000000  }
0x3: {  	_ = 	snop  }
0x4: {  	_ = 	snop  }
0x5: {  	_ = 	snop  }
0x6: {  	_ = 	snop  }
0x7: {  	_ = 	snop  }
__scs_overlays_trampoline_lowered:
0x8: {  	[smem:$0x3FA9] =	sst s0  }
0x9: {  	[smem:$0x3FAA] =	sst s1  }
0xa: {  	[smem:$0x3FAB] =	sst s2  }
0xb: {  	[smem:$0x3FAC] =	sst s3  }
0xc: {  	[smem:$0x3FAD] =	sst s4  }
0xd: {  	[smem:$0x3FAE] =	sst s5  }
0xe: {  	[smem:$0x3FAF] =	sst s6  }
0xf: {  	[smem:$0x3FB0] =	sst s7  }
0x10: {  	[smem:$0x3FB1] =	sst s8  }
0x11: {  	[smem:$0x3FB2] =	sst s9;
	s0 =	simm.s32 @!p0 $0x0  }
0x12: {  	s1 =	sld [smem:$0x3F98];
	s0 =	simm.s32 @p0 $0x1  }
0x13: {  	[smem:$0x3FB3] =	sst s0;
	s0 =	simm.s32 @!p1 $0x0  }
0x14: {  	s2 =	sld [smem:$0x3F97];
	s0 =	simm.s32 @p1 $0x1  }
0x15: {  	[smem:$0x3FB4] =	sst s0;
	s0 =	simm.s32 @!p2 $0x0  }
0x16: {  	s3 =	sld [smem:$0x3FDB];
	s0 =	simm.s32 @p2 $0x1  }
0x17: {  	s4 =	simm.s32 $0x1BF5;
	[smem:$0x3FB6] =	sst s0  }
0x18: {  	s0 =	sld [smem:$0x3F99];
	_ =	swait.ge [sflag:s4], $0x0  }
0x19: {  	s7 =	sld [smem:$0x3F9A]  }
0x1a: {  	s8 =	sadd.s32 $0xFFFFE003, lr  }
0x1b: {  	s9 =	sadd.s32 $0xFFFFFEF7, lr;
	s5 =	simm.s32 $0xFFFFFFFF;
	p2 =	slt.u32 s8, $0xFFFFF086  }
0x1c: {  	p1 =	slt.u32 s9, $0xF7A;
	s5 =	simm.s32 @!p2 $0x0  }
0x1d: {  	s5 =	simm.s32 @p1 $0x1;
	p0 =	seq.s32 s7, s2  }
0x1e: {  	s7 =	smul.u32 @!p0 $0xF7A, s2;
	p2 =	seq.s32 @!p0 s5, $0x0  }
0x1f: {  	s9 =	smul.u32 $0xF7A, s1;
	s8 =	simm.s32 @!p0 $0x1BF5;
	p2 =	por !p2, p0  }
0x20: {  	[sflag:s8] =	ssyncset.s32 @!p0 $0xFFFFF086;
	s6 =	sadd.s32 @!p0 s3, s7;
	s7 =	simm.s32 @!p0 $0x108  }
0x21: {  	s3 =	sadd.s32 s3, s9;
	s6 =	sadd.s32 @!p0 $0x88, s6;
	s7 =	simm.s32 @p2 $0x1082  }
0x22: {  	[simem:s7], [sflag:s8] =	dma.local @!p0 [hbm:s6], $0xF7A  }
0x23: {  	s9 =	sor.u32 $0xD0000000, s2;
	s6 =	simm.s32 $0x108;
	_ =	swait.ge @!p0 [sflag:s8], $0x0  }
0x24: {  	s3 =	sadd.s32 $0x88, s3;
	s6 =	simm.s32 @!p1 $0x1082;
	[sflag:s4] =	ssyncset.s32 $0xFFFFF086  }
0x25: {  	[simem:s6], [sflag:s4] =	dma.local [hbm:s3], $0xF7A  }
0x26: {  	[smem:$0x3F9A] =	sst s1;
	(tag) =	ssettag s2;
	_ =	strace s9  }
0x27: {  	s1 =	sld [smem:$0x3FAA]  }
0x28: {  	s2 =	sld [smem:$0x3FAB]  }
0x29: {  	s4 =	sld [smem:$0x3FAD]  }
0x2a: {  	p0 =	seq.s32 s5, $0x0;
	s5 =	sld [smem:$0x3FAE]  }
0x2b: {  	s6 =	sld [smem:$0x3FAF]  }
0x2c: {  	s7 =	sld [smem:$0x3FB0]  }
0x2d: {  	s3 =	simm.s32 $0x108;
	s8 =	sld [smem:$0x3FB1]  }
0x2e: {  	s3 =	simm.s32 @!p0 $0x1082;
	s9 =	sld [smem:$0x3FB2]  }
0x2f: {  	lr =	sadd.s32 s0, s3;
	s0 =	sld [smem:$0x3FA9]  }
0x30: {  	s3 =	sld [smem:$0x3FAC]  }
0x31: {  	[smem:$0x3FB5] =	sst s10  }
0x32: {  	s10 =	sld [smem:$0x3FB3];
	_ =	sdelay $0x3  }
0x33: {  	p0 =	seq.s32 s10, $0x1;
	s10 =	sld [smem:$0x3FB5];
	_ =	sdelay $0x3  }
0x34: {  	[smem:$0x3FB5] =	sst s10  }
0x35: {  	s10 =	sld [smem:$0x3FB4];
	_ =	sdelay $0x3  }
0x36: {  	p1 =	seq.s32 s10, $0x1;
	s10 =	sld [smem:$0x3FB5];
	_ =	sdelay $0x3  }
0x37: {  	[smem:$0x3FB5] =	sst s10  }
0x38: {  	s10 =	sld [smem:$0x3FB6]  }
0x39: {  	_ = 	snop;
	(pc) =	sbr.ind lr, $3  }
0x3a: {  	_ = 	snop  }
0x3b: {  	_ = 	snop  }
0x3c: {  	p2 =	seq.s32 s10, $0x1;
	s10 =	sld [smem:$0x3FB5]  }
0x3d: {  	_ =	shalt  }
0x3e: {  	_ =	shalt  }
0x3f: {  	_ =	shalt  }
0x40: {  	_ =	shalt  }
0x41: {  	_ =	shalt  }
0x42: {  	_ =	shalt  }
0x43: {  	_ =	shalt  }
0x44: {  	_ =	shalt  }
0x45: {  	_ =	shalt  }
0x46: {  	_ =	shalt  }
0x47: {  	_ =	shalt  }
0x48: {  	_ =	shalt  }
0x49: {  	_ =	shalt  }
0x4a: {  	_ =	shalt  }
0x4b: {  	_ =	shalt  }
0x4c: {  	_ =	shalt  }
0x4d: {  	_ =	shalt  }
0x4e: {  	_ =	shalt  }
0x4f: {  	_ =	shalt  }
0x50: {  	_ =	shalt  }
0x51: {  	_ =	shalt  }
0x52: {  	_ =	shalt  }
0x53: {  	_ =	shalt  }
0x54: {  	_ =	shalt  }
0x55: {  	_ =	shalt  }
0x56: {  	_ =	shalt  }
0x57: {  	_ =	shalt  }
0x58: {  	_ =	shalt  }
0x59: {  	_ =	shalt  }
0x5a: {  	_ =	shalt  }
0x5b: {  	_ =	shalt  }
0x5c: {  	_ =	shalt  }
0x5d: {  	_ =	shalt  }
0x5e: {  	_ =	shalt  }
0x5f: {  	_ =	shalt  }
0x60: {  	_ =	shalt  }
0x61: {  	_ =	shalt  }
0x62: {  	_ =	shalt  }
0x63: {  	_ =	shalt  }
0x64: {  	_ =	shalt  }
0x65: {  	_ =	shalt  }
0x66: {  	_ =	shalt  }
0x67: {  	_ =	shalt  }
0x68: {  	_ =	shalt  }
0x69: {  	_ =	shalt  }
0x6a: {  	_ =	shalt  }
0x6b: {  	_ =	shalt  }
0x6c: {  	_ =	shalt  }
0x6d: {  	_ =	shalt  }
0x6e: {  	_ =	shalt  }
0x6f: {  	_ =	shalt  }
0x70: {  	_ =	shalt  }
0x71: {  	_ =	shalt  }
0x72: {  	_ =	shalt  }
0x73: {  	_ =	shalt  }
0x74: {  	_ =	shalt  }
0x75: {  	_ =	shalt  }
0x76: {  	_ =	shalt  }
0x77: {  	_ =	shalt  }
0x78: {  	_ =	shalt  }
0x79: {  	_ =	shalt  }
0x7a: {  	_ =	shalt  }
0x7b: {  	_ =	shalt  }
0x7c: {  	_ =	shalt  }
0x7d: {  	_ =	shalt  }
0x7e: {  	_ =	shalt  }
0x7f: {  	_ =	shalt  }
0x80: {  	_ =	shalt  }
0x81: {  	_ =	shalt  }
0x82: {  	_ =	shalt  }
0x83: {  	_ =	shalt  }
0x84: {  	_ =	shalt  }
0x85: {  	_ =	shalt  }
0x86: {  	_ =	shalt  }
0x87: {  	_ =	shalt  }
.Lfunc_end0:
.L_simem_size_0:
called_computation_lowered:
.L_overlay_start_0:
0x88: {  	s2 =	sld [smem:$0x3FD9]  }
0x89: {  	s3 =	sld [smem:$0x3FFE];
	_ =	sdelay $0x1  }
0x8a: {  	s1 =	srdreg.scid  }
0x8b: {  	s0 =	sand.u32 $0x1, s1  }
0x8c: {  	s17 =	sshll.u32 s0, $0xA;
	s2 =	sadd.s32 s3, s2  }
0x8d: {  	s2 =	sadd.s32 s2, s17  }
0x8e: {  	[smem:$0x3FC1] =	sst s2  }
0x8f: {  	_ = 	snop  }
0x90: {  	s2 =	sld [smem:$0x3FD0];
	(tm) =	ssettm $0x1  }
0x91: {  	s18 =	sld [smem:$0x3FFB];
	_ =	sdelay $0x3  }
0x92: {  	_ =	strace s18  }
0x93: {  	s3 =	sld [smem:$0x3FFC];
	_ =	sdelay $0x3  }
0x94: {  	_ =	strace s3  }
0x95: {  	s3 =	sld [smem:$0x3FFD];
	_ =	sdelay $0x3  }
0x96: {  	_ =	strace s3  }
0x97: {  	_ =	strace $0x8FFFFFFF  }
0x98: {  	s19 =	sld [smem:$0x3FDB];
	_ =	sdelay $0x1  }
0x99: {  	s4 =	simm.s32 $_scs_section_size  }
0x9a: {  	s5 =	simm.s32 $_size__tile_overlayer_lowered;
	s6 =	simm.s32 $_tile_overlayer_lowered  }
0x9b: {  	s22 =	simm.s32 $0x1BFF;
	s21 =	sshll.u32 s6, $0x1;
	s3 =	sadd.s32 s4, s19  }
0x9c: {  	s7 =	simm.s32 $0x0;
	s20 =	sshll.u32 s5, $0x1;
	s5 =	sadd.s32 s21, s3  }
0x9d: {  	[timem:s7], [sflag:s22] =	dma.local [hbm:s5], s20  }
0x9e: {  	_ =	swait.ge [sflag:s22], s20  }
0x9f: {  	s4 =	ssub.s32 $0x0, s20;
	[sflag:s22] =	ssyncset.done $0x0  }
0xa0: {  	[sflag:s22] =	ssyncadd.s32 s4;
	_ =	sdelay $0x1  }
0xa1: {  	s23 =	simm.s32 $0x1B8B  }
0xa2: {  	_ =	swait.ge [sflag:s23], $0x1  }
0xa3: {  	[sflag:s23] =	ssyncset.done $0x0  }
0xa4: {  	s25 =	simm.s32 $0x1B8E;
	s24 =	sld [smem:$0x3FFE];
	[sflag:s23] =	ssyncadd.s32 $0xFFFFFFFF  }
0xa5: {  	s26 =	simm.s32 $execute0_lowered;
	[smem:$0x3FD2] =	sst s25  }
0xa6: {  	s5 =	sshll.u32 s26, $0x1;
	_ =	strace $0x80000046;
	[dreg:$0x1] =	wrdreg $0xFFFFFFFF  }
0xa7: {  	s28 =	simm.s32 $_size_execute0_lowered;
	s3 =	sadd.s32 s3, s5;
	[dreg:$0x0] =	wrdreg $0x0  }
0xa8: {  	s5 =	sshll.u32 s28, $0x1;
	[dreg:$0x2] =	wrdreg s3  }
0xa9: {  	[dreg:$0x3] =	wrdreg s5  }
0xaa: {  	[dreg:$0x4] =	wrdreg $0xC0  }
0xab: {  	_ =	task [dreg:s7], $0x5FFFF  }
0xac: {  	[dreg:$0x1] =	wrdreg $0xFFFFFFFF  }
0xad: {  	[dreg:$0x0] =	wrdreg $0x60  }
0xae: {  	[dreg:$0x2] =	wrdreg s24  }
0xaf: {  	[dreg:$0x3] =	wrdreg s2  }
0xb0: {  	[dreg:$0x4] =	wrdreg $0x2B000  }
0xb1: {  	[dreg:$0x5] =	wrdreg $0x9  }
0xb2: {  	_ =	task.clear_ibuf [dreg:s7], $0x6FFFF;
	_ =	strace $0x90000046  }
0xb3: {  	s29 =	simm.s32 $0x9;
	_ =	strace $0x80000048  }
0xb4: {  	_ =	swait.ge [sflag:s29], $0x1  }
0xb5: {  	[sflag:s29] =	ssyncadd.s32 $0xFFFFFFFF  }
0xb6: {  	_ =	strace $0x90000048  }
0xb7: {  	_ =	sfence  }
0xb8: {  	s30 =	sld [smem:$0x0];
	_ =	sdelay $0x2  }
0xb9: {  	s31 =	sshll.u32 s1, $0xD;
	s1 =	sshrl.u32 s1, $0x2  }
0xba: {  	s3 =	sand.u32 $0x4000, s31;
	s1 =	sadd.s32 s1, s30  }
0xbb: {  	s0 =	sor.u32 s3, s0;
	s1 =	sshll.u32 s1, $0x11  }
0xbc: {  	s0 =	sor.u32 s1, s0  }
0xbd: {  	s0 =	sadd.s32 $0x8F2B, s0  }
0xbe: {  	[sflag:s0] =	ssyncadd.remote.s32 $0x1  }
0xbf: {  	_ =	sfence.sel $0xFFFF  }
0xc0: {  	[dreg:$0x0] =	wrdreg $0xFFFFFFFF;
	(pc) =	sbr.abs _section_cstart, $3  }
0xc1: {  	[dreg:$0x1] =	wrdreg $0xFFFFFFFF  }
0xc2: {  	_ =	task.clear_ibuf [dreg:s7], $0x2FFFF;
	_ =	strace $0x9FFFFFFF  }
0xc3: {  	(tm) =	ssettm $0x7FFFFFFF  }
tec
execute0_lowered:
.L_overlay_start_1:
0x0: {  	(tag) =	ssettag $0x1  }
0x1: {  	s6 =	rddreg [dreg:$0x0]  }
0x2: {  	s1 =	rddreg [dreg:$0x1]  }
0x3: {  	s3 =	rddreg [dreg:$0x2]  }
0x4: {  	s0 =	rddreg [dreg:$0x3];
	s5 =	srdreg.scid  }
0x5: {  	s4 =	simm.s32 $0x0;
	s2 =	stileid.u32;
	s12 =	simm.s32 $0x2880  }
0x6: {  	s13 =	simm.s32 $0x80;
	s14 =	simm.s32 $0x1;
	s17 =	simm.s32 $0x20  }
0x7: {  	s18 =	simm.s32 $0x10;
	s19 =	simm.s32 $0x0;
	s8 =	smul.u32 $0x500, s2  }
0x8: {  	s7 =	sand.u32 $0x1, s5;
	[smem:$0x7FF] =	sst s4;
	s30 =	smul.u32 $0xA00, s2  }
0x9: {  	s15 =	sshll.u32 s2, $0x6;
	s5 =	sshll.u32 s7, $0x4;
	_ =	strace $0x80000047  }
0xa: {  	s9 =	sshll.u32 s7, $0x7;
	s7 =	ssub.s32 $0x2, s7;
	s10 =	sor.u32 s2, s5  }
0xb: {  	s15 =	sor.u32 $0x1C02, s15;
	s5 =	sadd.s32 $0x17000, s6;
	s29 =	smul.u32 $0x2800, s10  }
0xc: {  	s8 =	sor.u32 s9, s8;
	s11 =	sshrl.u32 s7, $0x1;
	s31 =	sshrl.u32 s30, $0x2  }
0xd: {  	s8 =	sshrl.u32 s8, $0x3;
	s11 =	ssub.s32 s7, s11;
	s9 =	sshrl.u32 s29, $0x3  }
0xe: {  	s10 =	simm.s32 $0x2800;
	s8 =	sadd.s32 s8, s6;
	s9 =	sadd.s32 s6, s9  }
0xf: {  	s8 =	sadd.s32 $0x17200, s8;
	s6 =	sadd.s32 s31, s3;
	s7 =	sadd.s32 $0xD000, s9  }
0x10: {  	s9 =	smax.u32 s11, $0x1;
	s11 =	simm.s32 $0x2;
	s16 =	sshrl.u32 s6, $0x3  }
.LBB2_1:
0x11: {  	[tilespmem:s10], [sflag:$0x2] =	stream.linear.gather [hbm4b:s5+s4], $0x80, $0x38;
	[tilespmem:$0x2D80] =	vst v63  }
0x12: {  	_ =	swait.ge [sflag:s11], $0x80  }
0x13: {  	[sflag:s11] =	ssyncset.done $0x0  }
0x14: {  	[sflag:s11] =	ssyncadd.s32 $0xFFFFFF80  }
0x15: {  	[tilespmem:s12], [sflag:$0x2] =	stream.linear.gather [hbm4b:s1+s4], $0x280, $0x38;
	[tilespmem:$0x2D80] =	vst v63  }
0x16: {  	_ =	swait.ge [sflag:s11], $0x280  }
0x17: {  	[sflag:s11] =	ssyncset.done $0x0  }
0x18: {  	[sflag:s11] =	ssyncadd.s32 $0xFFFFFD80  }
0x19: {  	[spmem:s6] =	stream.linear.scatter [tilespmem:s12], [sflag:$0x2], $0x280, $0x38;
	[tilespmem:$0x2D80] =	vst v63  }
0x1a: {  	_ =	swait.ge [sflag:s11], $0x280  }
0x1b: {  	[sflag:s11] =	ssyncset.done $0x0  }
0x1c: {  	[sflag:s11] =	ssyncadd.s32 $0xFFFFFD80  }
0x1d: {  	[tilespmem:s4], [sflag:$0x2] =	stream.linear.gather [hbm4b:s7+s4], $0x2800, $0x38;
	[tilespmem:$0x2D80] =	vst v63  }
0x1e: {  	_ =	swait.ge [sflag:s11], $0x2800  }
0x1f: {  	[sflag:s11] =	ssyncset.done $0x0  }
0x20: {  	[sflag:s11] =	ssyncadd.s32 $0xFFFFD800  }
0x21: {  	s20 =	simm.s32 $0x0;
	[bflag:$0x0] =	sbarrier.arrive $0xFFFF  }
0x22: {  	[spmem:s3] =	stream.indirect.scatter.add.f32 [tilespmem:s10], [sflag:$0x1], $0x1, s20, s13, $0xb8;
	[tilespmem:$0x2D80] =	vst v63  }
0x23: {  	s26 =	simm.s32 $0x80  }
0x24: {  	[spmem:s3] =	stream.indirect.scatter.add.f32 [tilespmem:s10], [sflag:$0x1], $0x1, s26, s13, $0xb8;
	[tilespmem:$0x2D80] =	vst v63  }
0x25: {  	s28 =	simm.s32 $0x100  }
0x26: {  	[spmem:s3] =	stream.indirect.scatter.add.f32 [tilespmem:s10], [sflag:$0x1], $0x1, s28, s13, $0xb8;
	[tilespmem:$0x2D80] =	vst v63  }
0x27: {  	s29 =	simm.s32 $0x180  }
0x28: {  	[spmem:s3] =	stream.indirect.scatter.add.f32 [tilespmem:s10], [sflag:$0x1], $0x1, s29, s13, $0xb8;
	[tilespmem:$0x2D80] =	vst v63  }
0x29: {  	s30 =	simm.s32 $0x200  }
0x2a: {  	[spmem:s3] =	stream.indirect.scatter.add.f32 [tilespmem:s10], [sflag:$0x1], $0x1, s30, s13, $0xb8;
	[tilespmem:$0x2D80] =	vst v63  }
0x2b: {  	s31 =	simm.s32 $0x280  }
0x2c: {  	[spmem:s3] =	stream.indirect.scatter.add.f32 [tilespmem:s10], [sflag:$0x1], $0x1, s31, s13, $0xb8;
	[tilespmem:$0x2D80] =	vst v63  }
0x2d: {  	s21 =	simm.s32 $0x300  }
0x2e: {  	[spmem:s3] =	stream.indirect.scatter.add.f32 [tilespmem:s10], [sflag:$0x1], $0x1, s21, s13, $0xb8;
	[tilespmem:$0x2D80] =	vst v63  }
0x2f: {  	s22 =	simm.s32 $0x380  }
0x30: {  	[spmem:s3] =	stream.indirect.scatter.add.f32 [tilespmem:s10], [sflag:$0x1], $0x1, s22, s13, $0xb8;
	[tilespmem:$0x2D80] =	vst v63  }
0x31: {  	s23 =	simm.s32 $0x400  }
0x32: {  	[spmem:s3] =	stream.indirect.scatter.add.f32 [tilespmem:s10], [sflag:$0x1], $0x1, s23, s13, $0xb8;
	[tilespmem:$0x2D80] =	vst v63  }
0x33: {  	s24 =	simm.s32 $0x480  }
0x34: {  	[spmem:s3] =	stream.indirect.scatter.add.f32 [tilespmem:s10], [sflag:$0x1], $0x1, s24, s13, $0xb8;
	[tilespmem:$0x2D80] =	vst v63  }
0x35: {  	s25 =	simm.s32 $0x500  }
0x36: {  	[spmem:s3] =	stream.indirect.scatter.add.f32 [tilespmem:s10], [sflag:$0x1], $0x1, s25, s13, $0xb8;
	[tilespmem:$0x2D80] =	vst v63  }
0x37: {  	s26 =	simm.s32 $0x580  }
0x38: {  	[spmem:s3] =	stream.indirect.scatter.add.f32 [tilespmem:s10], [sflag:$0x1], $0x1, s26, s13, $0xb8;
	[tilespmem:$0x2D80] =	vst v63  }
0x39: {  	s28 =	simm.s32 $0x600  }
0x3a: {  	[spmem:s3] =	stream.indirect.scatter.add.f32 [tilespmem:s10], [sflag:$0x1], $0x1, s28, s13, $0xb8;
	[tilespmem:$0x2D80] =	vst v63  }
0x3b: {  	s29 =	simm.s32 $0x680  }
0x3c: {  	[spmem:s3] =	stream.indirect.scatter.add.f32 [tilespmem:s10], [sflag:$0x1], $0x1, s29, s13, $0xb8;
	[tilespmem:$0x2D80] =	vst v63  }
0x3d: {  	s30 =	simm.s32 $0x700  }
0x3e: {  	[spmem:s3] =	stream.indirect.scatter.add.f32 [tilespmem:s10], [sflag:$0x1], $0x1, s30, s13, $0xb8;
	[tilespmem:$0x2D80] =	vst v63  }
0x3f: {  	s31 =	simm.s32 $0x780  }
0x40: {  	[spmem:s3] =	stream.indirect.scatter.add.f32 [tilespmem:s10], [sflag:$0x1], $0x1, s31, s13, $0xb8;
	[tilespmem:$0x2D80] =	vst v63  }
0x41: {  	_ =	swait.ge [sflag:s14], $0x80  }
0x42: {  	[sflag:s14] =	ssyncset.done $0x0  }
0x43: {  	[sflag:s14] =	ssyncadd.s32 $0xFFFFFF80  }
0x44: {  	_ =	swait.ge [sflag:s14], $0x80  }
0x45: {  	[sflag:s14] =	ssyncset.done $0x0  }
0x46: {  	[sflag:s14] =	ssyncadd.s32 $0xFFFFFF80  }
0x47: {  	_ =	swait.ge [sflag:s14], $0x80  }
0x48: {  	[sflag:s14] =	ssyncset.done $0x0  }
0x49: {  	[sflag:s14] =	ssyncadd.s32 $0xFFFFFF80  }
0x4a: {  	_ =	swait.ge [sflag:s14], $0x80  }
0x4b: {  	[sflag:s14] =	ssyncset.done $0x0  }
0x4c: {  	[sflag:s14] =	ssyncadd.s32 $0xFFFFFF80  }
0x4d: {  	_ =	swait.ge [sflag:s14], $0x80  }
0x4e: {  	[sflag:s14] =	ssyncset.done $0x0  }
0x4f: {  	[sflag:s14] =	ssyncadd.s32 $0xFFFFFF80  }
0x50: {  	_ =	swait.ge [sflag:s14], $0x80  }
0x51: {  	[sflag:s14] =	ssyncset.done $0x0  }
0x52: {  	[sflag:s14] =	ssyncadd.s32 $0xFFFFFF80  }
0x53: {  	_ =	swait.ge [sflag:s14], $0x80  }
0x54: {  	[sflag:s14] =	ssyncset.done $0x0  }
0x55: {  	[sflag:s14] =	ssyncadd.s32 $0xFFFFFF80  }
0x56: {  	_ =	swait.ge [sflag:s14], $0x80  }
0x57: {  	[sflag:s14] =	ssyncset.done $0x0  }
0x58: {  	[sflag:s14] =	ssyncadd.s32 $0xFFFFFF80  }
0x59: {  	_ =	swait.ge [sflag:s14], $0x80  }
0x5a: {  	[sflag:s14] =	ssyncset.done $0x0  }
0x5b: {  	[sflag:s14] =	ssyncadd.s32 $0xFFFFFF80  }
0x5c: {  	_ =	swait.ge [sflag:s14], $0x80  }
0x5d: {  	[sflag:s14] =	ssyncset.done $0x0  }
0x5e: {  	[sflag:s14] =	ssyncadd.s32 $0xFFFFFF80  }
0x5f: {  	_ =	swait.ge [sflag:s14], $0x80  }
0x60: {  	[sflag:s14] =	ssyncset.done $0x0  }
0x61: {  	[sflag:s14] =	ssyncadd.s32 $0xFFFFFF80  }
0x62: {  	_ =	swait.ge [sflag:s14], $0x80  }
0x63: {  	[sflag:s14] =	ssyncset.done $0x0  }
0x64: {  	[sflag:s14] =	ssyncadd.s32 $0xFFFFFF80  }
0x65: {  	_ =	swait.ge [sflag:s14], $0x80  }
0x66: {  	[sflag:s14] =	ssyncset.done $0x0  }
0x67: {  	[sflag:s14] =	ssyncadd.s32 $0xFFFFFF80  }
0x68: {  	_ =	swait.ge [sflag:s14], $0x80  }
0x69: {  	[sflag:s14] =	ssyncset.done $0x0  }
0x6a: {  	[sflag:s14] =	ssyncadd.s32 $0xFFFFFF80  }
0x6b: {  	_ =	swait.ge [sflag:s14], $0x80  }
0x6c: {  	[sflag:s14] =	ssyncset.done $0x0  }
0x6d: {  	[sflag:s14] =	ssyncadd.s32 $0xFFFFFF80  }
0x6e: {  	_ =	swait.ge [sflag:s14], $0x80  }
0x6f: {  	s20 =	simm.s32 $0x2000;
	s23 =	simm.s32 $0x4000;
	[sflag:s14] =	ssyncset.done $0x0  }
.LBB2_2:
0x70: {  	s22 =	sshra.s32 s20, $0x2  }
0x71: {  	[sflag:s14] =	ssyncadd.s32 $0xFFFFFF80;
	s20 =	smov.u32 s23;
	s21 =	sadd.s32 $0x2000, s23  }
0x72: {  	[spmem:s3] =	stream.indirect.scatter.add.f32 [tilespmem:s10], [sflag:$0x1], $0x1, s22, s13, $0xb8;
	[tilespmem:$0x2D80] =	vst v63  }
0x73: {  	p0 =	sne.s32 s23, $0x8000;
	s23 =	sadd.s32 $0x80, s22  }
0x74: {  	[spmem:s3] =	stream.indirect.scatter.add.f32 [tilespmem:s10], [sflag:$0x1], $0x1, s23, s13, $0xb8;
	[tilespmem:$0x2D80] =	vst v63  }
0x75: {  	s23 =	sadd.s32 $0x100, s22  }
0x76: {  	[spmem:s3] =	stream.indirect.scatter.add.f32 [tilespmem:s10], [sflag:$0x1], $0x1, s23, s13, $0xb8;
	[tilespmem:$0x2D80] =	vst v63  }
0x77: {  	s23 =	sadd.s32 $0x180, s22  }
0x78: {  	[spmem:s3] =	stream.indirect.scatter.add.f32 [tilespmem:s10], [sflag:$0x1], $0x1, s23, s13, $0xb8;
	[tilespmem:$0x2D80] =	vst v63  }
0x79: {  	s23 =	sadd.s32 $0x200, s22  }
0x7a: {  	[spmem:s3] =	stream.indirect.scatter.add.f32 [tilespmem:s10], [sflag:$0x1], $0x1, s23, s13, $0xb8;
	[tilespmem:$0x2D80] =	vst v63  }
0x7b: {  	s23 =	sadd.s32 $0x280, s22  }
0x7c: {  	[spmem:s3] =	stream.indirect.scatter.add.f32 [tilespmem:s10], [sflag:$0x1], $0x1, s23, s13, $0xb8;
	[tilespmem:$0x2D80] =	vst v63  }
0x7d: {  	s23 =	sadd.s32 $0x300, s22  }
0x7e: {  	[spmem:s3] =	stream.indirect.scatter.add.f32 [tilespmem:s10], [sflag:$0x1], $0x1, s23, s13, $0xb8;
	[tilespmem:$0x2D80] =	vst v63  }
0x7f: {  	s23 =	sadd.s32 $0x380, s22  }
0x80: {  	[spmem:s3] =	stream.indirect.scatter.add.f32 [tilespmem:s10], [sflag:$0x1], $0x1, s23, s13, $0xb8;
	[tilespmem:$0x2D80] =	vst v63  }
0x81: {  	s23 =	sadd.s32 $0x400, s22  }
0x82: {  	[spmem:s3] =	stream.indirect.scatter.add.f32 [tilespmem:s10], [sflag:$0x1], $0x1, s23, s13, $0xb8;
	[tilespmem:$0x2D80] =	vst v63  }
0x83: {  	s23 =	sadd.s32 $0x480, s22  }
0x84: {  	[spmem:s3] =	stream.indirect.scatter.add.f32 [tilespmem:s10], [sflag:$0x1], $0x1, s23, s13, $0xb8;
	[tilespmem:$0x2D80] =	vst v63  }
0x85: {  	s23 =	sadd.s32 $0x500, s22  }
0x86: {  	[spmem:s3] =	stream.indirect.scatter.add.f32 [tilespmem:s10], [sflag:$0x1], $0x1, s23, s13, $0xb8;
	[tilespmem:$0x2D80] =	vst v63  }
0x87: {  	s23 =	sadd.s32 $0x580, s22  }
0x88: {  	[spmem:s3] =	stream.indirect.scatter.add.f32 [tilespmem:s10], [sflag:$0x1], $0x1, s23, s13, $0xb8;
	[tilespmem:$0x2D80] =	vst v63  }
0x89: {  	s23 =	sadd.s32 $0x600, s22  }
0x8a: {  	[spmem:s3] =	stream.indirect.scatter.add.f32 [tilespmem:s10], [sflag:$0x1], $0x1, s23, s13, $0xb8;
	[tilespmem:$0x2D80] =	vst v63  }
0x8b: {  	s23 =	sadd.s32 $0x680, s22  }
0x8c: {  	[spmem:s3] =	stream.indirect.scatter.add.f32 [tilespmem:s10], [sflag:$0x1], $0x1, s23, s13, $0xb8;
	[tilespmem:$0x2D80] =	vst v63  }
0x8d: {  	s23 =	sadd.s32 $0x700, s22  }
0x8e: {  	[spmem:s3] =	stream.indirect.scatter.add.f32 [tilespmem:s10], [sflag:$0x1], $0x1, s23, s13, $0xb8;
	[tilespmem:$0x2D80] =	vst v63  }
0x8f: {  	s22 =	sadd.s32 $0x780, s22  }
0x90: {  	[spmem:s3] =	stream.indirect.scatter.add.f32 [tilespmem:s10], [sflag:$0x1], $0x1, s22, s13, $0xb8;
	[tilespmem:$0x2D80] =	vst v63  }
0x91: {  	_ =	swait.ge [sflag:s14], $0x80  }
0x92: {  	[sflag:s14] =	ssyncset.done $0x0  }
0x93: {  	[sflag:s14] =	ssyncadd.s32 $0xFFFFFF80  }
0x94: {  	_ =	swait.ge [sflag:s14], $0x80  }
0x95: {  	[sflag:s14] =	ssyncset.done $0x0  }
0x96: {  	[sflag:s14] =	ssyncadd.s32 $0xFFFFFF80  }
0x97: {  	_ =	swait.ge [sflag:s14], $0x80  }
0x98: {  	[sflag:s14] =	ssyncset.done $0x0  }
0x99: {  	[sflag:s14] =	ssyncadd.s32 $0xFFFFFF80  }
0x9a: {  	_ =	swait.ge [sflag:s14], $0x80  }
0x9b: {  	[sflag:s14] =	ssyncset.done $0x0  }
0x9c: {  	[sflag:s14] =	ssyncadd.s32 $0xFFFFFF80  }
0x9d: {  	_ =	swait.ge [sflag:s14], $0x80  }
0x9e: {  	[sflag:s14] =	ssyncset.done $0x0  }
0x9f: {  	[sflag:s14] =	ssyncadd.s32 $0xFFFFFF80  }
0xa0: {  	_ =	swait.ge [sflag:s14], $0x80  }
0xa1: {  	[sflag:s14] =	ssyncset.done $0x0  }
0xa2: {  	[sflag:s14] =	ssyncadd.s32 $0xFFFFFF80  }
0xa3: {  	_ =	swait.ge [sflag:s14], $0x80  }
0xa4: {  	[sflag:s14] =	ssyncset.done $0x0  }
0xa5: {  	[sflag:s14] =	ssyncadd.s32 $0xFFFFFF80  }
0xa6: {  	_ =	swait.ge [sflag:s14], $0x80  }
0xa7: {  	[sflag:s14] =	ssyncset.done $0x0  }
0xa8: {  	[sflag:s14] =	ssyncadd.s32 $0xFFFFFF80  }
0xa9: {  	_ =	swait.ge [sflag:s14], $0x80  }
0xaa: {  	[sflag:s14] =	ssyncset.done $0x0  }
0xab: {  	[sflag:s14] =	ssyncadd.s32 $0xFFFFFF80  }
0xac: {  	_ =	swait.ge [sflag:s14], $0x80  }
0xad: {  	[sflag:s14] =	ssyncset.done $0x0  }
0xae: {  	[sflag:s14] =	ssyncadd.s32 $0xFFFFFF80  }
0xaf: {  	_ =	swait.ge [sflag:s14], $0x80  }
0xb0: {  	[sflag:s14] =	ssyncset.done $0x0  }
0xb1: {  	[sflag:s14] =	ssyncadd.s32 $0xFFFFFF80  }
0xb2: {  	_ =	swait.ge [sflag:s14], $0x80  }
0xb3: {  	[sflag:s14] =	ssyncset.done $0x0  }
0xb4: {  	[sflag:s14] =	ssyncadd.s32 $0xFFFFFF80  }
0xb5: {  	_ =	swait.ge [sflag:s14], $0x80  }
0xb6: {  	[sflag:s14] =	ssyncset.done $0x0  }
0xb7: {  	[sflag:s14] =	ssyncadd.s32 $0xFFFFFF80  }
0xb8: {  	_ =	swait.ge [sflag:s14], $0x80  }
0xb9: {  	[sflag:s14] =	ssyncset.done $0x0  }
0xba: {  	[sflag:s14] =	ssyncadd.s32 $0xFFFFFF80  }
.Ltmp0:
0xbb: {  	_ =	swait.ge [sflag:s14], $0x80;
	(pc) =	sbr.rel @p0 .LBB2_2-.Ltmp0, $4  }
0xbc: {  	[sflag:s14] =	ssyncset.done $0x0  }
0xbd: {  	[sflag:s14] =	ssyncadd.s32 $0xFFFFFF80  }
0xbe: {  	_ =	swait.ge [sflag:s14], $0x80  }
0xbf: {  	s23 =	smov.u32 s21;
	[sflag:s14] =	ssyncset.done $0x0  }
0xc0: {  	s20 =	sshra.s32 s20, $0x2;
	[sflag:s14] =	ssyncadd.s32 $0xFFFFFF80  }
0xc1: {  	[spmem:s3] =	stream.indirect.scatter.add.f32 [tilespmem:s10], [sflag:$0x1], $0x1, s20, s13, $0xb8;
	[tilespmem:$0x2D80] =	vst v63  }
0xc2: {  	s21 =	sadd.s32 $0x80, s20  }
0xc3: {  	[spmem:s3] =	stream.indirect.scatter.add.f32 [tilespmem:s10], [sflag:$0x1], $0x1, s21, s13, $0xb8;
	[tilespmem:$0x2D80] =	vst v63  }
0xc4: {  	s28 =	sadd.s32 $0x100, s20  }
0xc5: {  	[spmem:s3] =	stream.indirect.scatter.add.f32 [tilespmem:s10], [sflag:$0x1], $0x1, s28, s13, $0xb8;
	[tilespmem:$0x2D80] =	vst v63  }
0xc6: {  	s29 =	sadd.s32 $0x180, s20  }
0xc7: {  	[spmem:s3] =	stream.indirect.scatter.add.f32 [tilespmem:s10], [sflag:$0x1], $0x1, s29, s13, $0xb8;
	[tilespmem:$0x2D80] =	vst v63  }
0xc8: {  	s30 =	sadd.s32 $0x200, s20  }
0xc9: {  	[spmem:s3] =	stream.indirect.scatter.add.f32 [tilespmem:s10], [sflag:$0x1], $0x1, s30, s13, $0xb8;
	[tilespmem:$0x2D80] =	vst v63  }
0xca: {  	s31 =	sadd.s32 $0x280, s20  }
0xcb: {  	[spmem:s3] =	stream.indirect.scatter.add.f32 [tilespmem:s10], [sflag:$0x1], $0x1, s31, s13, $0xb8;
	[tilespmem:$0x2D80] =	vst v63  }
0xcc: {  	s22 =	sadd.s32 $0x300, s20  }
0xcd: {  	[spmem:s3] =	stream.indirect.scatter.add.f32 [tilespmem:s10], [sflag:$0x1], $0x1, s22, s13, $0xb8;
	[tilespmem:$0x2D80] =	vst v63  }
0xce: {  	s23 =	sadd.s32 $0x380, s20  }
0xcf: {  	[spmem:s3] =	stream.indirect.scatter.add.f32 [tilespmem:s10], [sflag:$0x1], $0x1, s23, s13, $0xb8;
	[tilespmem:$0x2D80] =	vst v63  }
0xd0: {  	s24 =	sadd.s32 $0x400, s20  }
0xd1: {  	[spmem:s3] =	stream.indirect.scatter.add.f32 [tilespmem:s10], [sflag:$0x1], $0x1, s24, s13, $0xb8;
	[tilespmem:$0x2D80] =	vst v63  }
0xd2: {  	s25 =	sadd.s32 $0x480, s20  }
0xd3: {  	[spmem:s3] =	stream.indirect.scatter.add.f32 [tilespmem:s10], [sflag:$0x1], $0x1, s25, s13, $0xb8;
	[tilespmem:$0x2D80] =	vst v63  }
0xd4: {  	s26 =	sadd.s32 $0x500, s20  }
0xd5: {  	[spmem:s3] =	stream.indirect.scatter.add.f32 [tilespmem:s10], [sflag:$0x1], $0x1, s26, s13, $0xb8;
	[tilespmem:$0x2D80] =	vst v63  }
0xd6: {  	s28 =	sadd.s32 $0x580, s20  }
0xd7: {  	[spmem:s3] =	stream.indirect.scatter.add.f32 [tilespmem:s10], [sflag:$0x1], $0x1, s28, s13, $0xb8;
	[tilespmem:$0x2D80] =	vst v63  }
0xd8: {  	s29 =	sadd.s32 $0x600, s20  }
0xd9: {  	[spmem:s3] =	stream.indirect.scatter.add.f32 [tilespmem:s10], [sflag:$0x1], $0x1, s29, s13, $0xb8;
	[tilespmem:$0x2D80] =	vst v63  }
0xda: {  	s30 =	sadd.s32 $0x680, s20  }
0xdb: {  	[spmem:s3] =	stream.indirect.scatter.add.f32 [tilespmem:s10], [sflag:$0x1], $0x1, s30, s13, $0xb8;
	[tilespmem:$0x2D80] =	vst v63  }
0xdc: {  	s31 =	sadd.s32 $0x700, s20  }
0xdd: {  	[spmem:s3] =	stream.indirect.scatter.add.f32 [tilespmem:s10], [sflag:$0x1], $0x1, s31, s13, $0xb8;
	[tilespmem:$0x2D80] =	vst v63  }
0xde: {  	s20 =	sadd.s32 $0x780, s20  }
0xdf: {  	[spmem:s3] =	stream.indirect.scatter.add.f32 [tilespmem:s10], [sflag:$0x1], $0x1, s20, s13, $0xb8;
	[tilespmem:$0x2D80] =	vst v63  }
0xe0: {  	_ =	swait.ge [sflag:s14], $0x80  }
0xe1: {  	[sflag:s14] =	ssyncset.done $0x0  }
0xe2: {  	[sflag:s14] =	ssyncadd.s32 $0xFFFFFF80  }
0xe3: {  	_ =	swait.ge [sflag:s14], $0x80  }
0xe4: {  	[sflag:s14] =	ssyncset.done $0x0  }
0xe5: {  	[sflag:s14] =	ssyncadd.s32 $0xFFFFFF80  }
0xe6: {  	_ =	swait.ge [sflag:s14], $0x80  }
0xe7: {  	[sflag:s14] =	ssyncset.done $0x0  }
0xe8: {  	[sflag:s14] =	ssyncadd.s32 $0xFFFFFF80  }
0xe9: {  	_ =	swait.ge [sflag:s14], $0x80  }
0xea: {  	[sflag:s14] =	ssyncset.done $0x0  }
0xeb: {  	[sflag:s14] =	ssyncadd.s32 $0xFFFFFF80  }
0xec: {  	_ =	swait.ge [sflag:s14], $0x80  }
0xed: {  	[sflag:s14] =	ssyncset.done $0x0  }
0xee: {  	[sflag:s14] =	ssyncadd.s32 $0xFFFFFF80  }
0xef: {  	_ =	swait.ge [sflag:s14], $0x80  }
0xf0: {  	[sflag:s14] =	ssyncset.done $0x0  }
0xf1: {  	[sflag:s14] =	ssyncadd.s32 $0xFFFFFF80  }
0xf2: {  	_ =	swait.ge [sflag:s14], $0x80  }
0xf3: {  	[sflag:s14] =	ssyncset.done $0x0  }
0xf4: {  	[sflag:s14] =	ssyncadd.s32 $0xFFFFFF80  }
0xf5: {  	_ =	swait.ge [sflag:s14], $0x80  }
0xf6: {  	[sflag:s14] =	ssyncset.done $0x0  }
0xf7: {  	[sflag:s14] =	ssyncadd.s32 $0xFFFFFF80  }
0xf8: {  	_ =	swait.ge [sflag:s14], $0x80  }
0xf9: {  	[sflag:s14] =	ssyncset.done $0x0  }
0xfa: {  	[sflag:s14] =	ssyncadd.s32 $0xFFFFFF80  }
0xfb: {  	_ =	swait.ge [sflag:s14], $0x80  }
0xfc: {  	[sflag:s14] =	ssyncset.done $0x0  }
0xfd: {  	[sflag:s14] =	ssyncadd.s32 $0xFFFFFF80  }
0xfe: {  	_ =	swait.ge [sflag:s14], $0x80  }
0xff: {  	[sflag:s14] =	ssyncset.done $0x0  }
0x100: {  	[sflag:s14] =	ssyncadd.s32 $0xFFFFFF80  }
0x101: {  	_ =	swait.ge [sflag:s14], $0x80  }
0x102: {  	[sflag:s14] =	ssyncset.done $0x0  }
0x103: {  	[sflag:s14] =	ssyncadd.s32 $0xFFFFFF80  }
0x104: {  	_ =	swait.ge [sflag:s14], $0x80  }
0x105: {  	[sflag:s14] =	ssyncset.done $0x0  }
0x106: {  	[sflag:s14] =	ssyncadd.s32 $0xFFFFFF80  }
0x107: {  	_ =	swait.ge [sflag:s14], $0x80  }
0x108: {  	[sflag:s14] =	ssyncset.done $0x0  }
0x109: {  	[sflag:s14] =	ssyncadd.s32 $0xFFFFFF80  }
0x10a: {  	_ =	swait.ge [sflag:s14], $0x80  }
0x10b: {  	[sflag:s14] =	ssyncset.done $0x0  }
0x10c: {  	[sflag:s14] =	ssyncadd.s32 $0xFFFFFF80  }
0x10d: {  	_ =	swait.ge [sflag:s14], $0x80  }
0x10e: {  	s19 =	sadd.s32 $0x1, s19;
	[sflag:s14] =	ssyncset.done $0x0  }
0x10f: {  	p0 =	sne.s32 s19, s9;
	[sflag:s14] =	ssyncadd.s32 $0xFFFFFF80  }
.Ltmp1:
0x110: {  	[bflag:$0x0] =	sbarrier.arrive $0xFFFF;
	(pc) =	sbr.rel @p0 .LBB2_1-.Ltmp1, $4  }
0x111: {  	[hbm:s8@s17], [sflag:s15] =	dma.strided [spmem:s16@s18], $0x50, s14, $0x10   }
0x112: {  	_ =	swait.ge [sflag:s11], $0x50  }
0x113: {  	[sflag:s11] =	ssyncset.done $0x0  }
0x114: {  	[sflag:s11] =	ssyncadd.s32 $0xFFFFFFB0  }
0x115: {  	_ =	sfence.sel $0x180000  }
0x116: {  	[bflag:$0x0] =	sbarrier.arrive $0xFFFF  }
0x117: {  	p0 =	sne.s32 s2, $0x0;
	_ =	strace $0x90000047  }
0x118: {  	s0 =	sadd.s32 @!p0 $0x100000, s0;
	[bflag:$0x2] =	sbarrier.arrive $0xFFFF  }
0x119: {  	[sflag:s0] =	ssyncadd.tile.s32 @!p0 $0x1;
	_ =	shalt  }
.Lfunc_end2:
_tile_overlayer_lowered:
.L_overlay_start_2:
0x11a: {  	(tag) =	ssettag $0x2  }
0x11b: {  	s0 =	rddreg [dreg:$0x0];
	s2 =	stileid.u32  }
0x11c: {  	s1 =	rddreg [dreg:$0x1];
	p0 =	sne.s32 s2, $0x0  }
0x11d: {  	s3 =	rddreg [dreg:$0x2];
	[bflag:$0x3] =	sbarrier.arrive $0xFFFF;
	s2 =	simm.s32 @!p0 $0x1C02  }
0x11e: {  	[timem:s3], [sflag:s2] =	dma.local @!p0 [hbm:s0], s1  }
0x11f: {  	s0 =	simm.s32 @!p0 $0x2  }
0x120: {  	_ =	swait.ge @!p0 [sflag:s0], s1  }
0x121: {  	s1 =	ssub.s32 @!p0 $0x0, s1;
	[sflag:s0] =	ssyncset.done @!p0 $0x0  }
0x122: {  	[sflag:s0] =	ssyncadd.s32 @!p0 s1  }
0x123: {  	[bflag:$0x3] =	sbarrier.arrive $0xFFFF  }
0x124: {  	_ =	shalt  }

</sc_bundles>
